<compile_context>
chip_gen: v7x
topology: tpu7x:2x2x1
jax: 0.10.2.dev20260603
libtpu: 0.0.44.dev20260713+nightly
codegen_flags: <defaults>
</compile_context>

<pallas_src>
import functools

import jax
import jax.numpy as jnp
from jax import lax
from jax.experimental import pallas as pl
from jax.experimental.pallas import tpu as pltpu
from jax.experimental.pallas import tpu_sc as plsc

_B = 100000
_D = 256
_V = 95
_C = 128
_L = 16
_NW = 32
_LAST = _B - _C
_NCHUNK = (_B + _C - 1) // _C
_ITERS = -(-_NCHUNK // _NW)

_mesh = plsc.VectorSubcoreMesh(core_axis_name="c", subcore_axis_name="s")


@functools.partial(
    pl.kernel,
    mesh=_mesh,
    compiler_params=pltpu.CompilerParams(needs_layout_passes=False),
    out_type=jax.ShapeDtypeStruct((_B, _D), jnp.float32),
    scratch_types=[
        pltpu.VMEM((_V * _D,), jnp.float32),
        pltpu.VMEM((_ITERS * _C,), jnp.int32),
        pltpu.VMEM((_C, _D), jnp.float32),
        pltpu.VMEM((_C, _D), jnp.float32),
        pltpu.VMEM((_C, _D), jnp.float32),
        pltpu.SemaphoreType.DMA,
        pltpu.SemaphoreType.DMA,
        pltpu.SemaphoreType.DMA,
        pltpu.SemaphoreType.DMA,
    ],
)
def _emb_lookup(idx_hbm, table_hbm, out_hbm,
                table_v, ibuf, r0, r1, r2,
                o0, o1, o2, isem):
    w = lax.axis_index("s") * 2 + lax.axis_index("c")
    row_bufs = (r0, r1, r2)
    osems = (o0, o1, o2)

    lanes = lax.iota(jnp.int32, _L)
    rots = [jnp.bitwise_and(lanes + k, _L - 1) for k in range(_L)]

    def chunk_start(i):
        return jnp.minimum((w + _NW * i) * _C, _LAST)

    for k in range(_ITERS):
        pltpu.async_copy(idx_hbm.at[pl.ds(chunk_start(k), _C)],
                         ibuf.at[pl.ds(k * _C, _C)], isem)
    pltpu.sync_copy(table_hbm, table_v)
    pltpu.make_async_copy(
        idx_hbm.at[pl.ds(0, _ITERS * _C)], ibuf, isem).wait()

    def fire_out(i, s):
        st = chunk_start(i)
        pltpu.async_copy(row_bufs[s], out_hbm.at[pl.ds(st, _C)], osems[s])

    def wait_out(i, s):
        st = chunk_start(i)
        pltpu.make_async_copy(
            row_bufs[s], out_hbm.at[pl.ds(st, _C)], osems[s]).wait()

    def assemble(i, s):
        def group(g, carry):
            gl = g * _L + lanes
            rows = plsc.load_gather(ibuf, [i * _C + gl])
            src_base = rows * _D

            @plsc.parallel_loop(0, _D // _L, unroll=4)
            def colblock(cb):
                sb = src_base + cb * _L
                cb16 = cb * _L
                for k in range(_L):
                    vals = plsc.load_gather(table_v, [sb + rots[k]])
                    plsc.store_scatter(row_bufs[s], [gl, cb16 + rots[k]],
                                       vals)

            return carry

        lax.fori_loop(0, _C // _L, group, 0)
        fire_out(i, s)

    def body(j, carry):
        for t in range(3):
            i = 3 * j + t

            @pl.when(j > 0)
            def _():
                wait_out(i - 3, t)

            assemble(i, t)
        return carry

    lax.fori_loop(0, (_ITERS - 1) // 3, body, 0)

    wait_out(_ITERS - 4, 0)
    assemble(_ITERS - 1, 0)
    wait_out(_ITERS - 3, 1)
    wait_out(_ITERS - 2, 2)
    wait_out(_ITERS - 1, 0)


def kernel(x, emb_weight):
    return _emb_lookup(x.astype(jnp.int32), emb_weight.reshape(-1))

# --- scband reference (transcript-rebuilt; emitter-appended) ---
"""Pipeline reference for scband-embedding-block-31525059952835 (READ-ONLY COPY).

The authoritative reference and input builder live on the scoring server;
editing this copy changes nothing except your own understanding.
"""

import jax, jax.numpy as jnp
import numpy as np

HIDDEN_CHANNELS = 256
NUM_EMB = 95
N_NODES = 100000


def setup_inputs(seed: int = 0) -> dict:
    key = jax.random.key(seed)
    k1, k2 = jax.random.split(key)
    x = jax.random.randint(k1, (N_NODES,), 0, NUM_EMB)
    # _weight = 3 / sqrt(hidden_channels) * randn((95, hidden_channels))
    emb_weight = (3.0 / np.sqrt(HIDDEN_CHANNELS)) * jax.random.normal(
        k2, (NUM_EMB, HIDDEN_CHANNELS), dtype=jnp.float32
    )
    return {"x": x, "emb_weight": emb_weight}


def reference(x, emb_weight):
    # forward: x = self.emb(x); return x
    return jnp.take(emb_weight, x, axis=0)

if __name__ == "__main__":
    import jax
    _d = setup_inputs()
    print(jax.jit(kernel)(*tuple(_d.values())))

</pallas_src>

<mosaic_0001>
#map = affine_map<(d0, d1) -> (0)>
#map1 = affine_map<(d0, d1) -> (0, 0)>
module attributes {stable_mosaic.version = 14 : i64} {
  func.func @_emb_lookup(%arg0: i32, %arg1: i32, %arg2: memref<100000xi32, #tpu.memory_space<hbm>>, %arg3: memref<24320xf32, #tpu.memory_space<hbm>>, %arg4: memref<100000x256xf32, #tpu.memory_space<hbm>>, %arg5: memref<24320xf32, #tpu.memory_space<vmem>>, %arg6: memref<3200xi32, #tpu.memory_space<vmem>>, %arg7: memref<128x256xf32, #tpu.memory_space<vmem>>, %arg8: memref<128x256xf32, #tpu.memory_space<vmem>>, %arg9: memref<128x256xf32, #tpu.memory_space<vmem>>, %arg10: memref<!tpu.dma_semaphore, #tpu.memory_space<semaphore_mem>>, %arg11: memref<!tpu.dma_semaphore, #tpu.memory_space<semaphore_mem>>, %arg12: memref<!tpu.dma_semaphore, #tpu.memory_space<semaphore_mem>>, %arg13: memref<!tpu.dma_semaphore, #tpu.memory_space<semaphore_mem>>) attributes {dimension_semantics = [#tpu.dimension_semantics<core_parallel>, #tpu.dimension_semantics<subcore_parallel>], iteration_bounds = array<i64: 2, 16>, scalar_prefetch = 0 : i64, scratch_operands = 9 : i64, tpu.core_type = #tpu.core_type<sc_vector_subcore>, window_params = [{transform_indices = #map}, {transform_indices = #map}, {transform_indices = #map1}]} {
    %mul3A = arith.constant 2 : i32
    %mul3A_0 = arith.muli %arg1, %mul3A : i32
    %add3A = arith.addi %mul3A_0, %arg0 : i32
    %iota3A = tpu.iota {dimensions = array<i32: 0>} : vector<16xi32>
    %add3A_1 = arith.constant 0 : i32
    %add3A_2 = vector.broadcast %add3A_1 : i32 to vector<16xi32>
    %add3A_3 = arith.addi %iota3A, %add3A_2 : vector<16xi32>
    %and3A = arith.constant 15 : i32
    %and3A_4 = vector.broadcast %and3A : i32 to vector<16xi32>
    %and3A_5 = arith.andi %add3A_3, %and3A_4 : vector<16xi32>
    %add3A_6 = arith.constant 1 : i32
    %add3A_7 = vector.broadcast %add3A_6 : i32 to vector<16xi32>
    %add3A_8 = arith.addi %iota3A, %add3A_7 : vector<16xi32>
    %and3A_9 = arith.constant 15 : i32
    %and3A_10 = vector.broadcast %and3A_9 : i32 to vector<16xi32>
    %and3A_11 = arith.andi %add3A_8, %and3A_10 : vector<16xi32>
    %add3A_12 = arith.constant 2 : i32
    %add3A_13 = vector.broadcast %add3A_12 : i32 to vector<16xi32>
    %add3A_14 = arith.addi %iota3A, %add3A_13 : vector<16xi32>
    %and3A_15 = arith.constant 15 : i32
    %and3A_16 = vector.broadcast %and3A_15 : i32 to vector<16xi32>
    %and3A_17 = arith.andi %add3A_14, %and3A_16 : vector<16xi32>
    %add3A_18 = arith.constant 3 : i32
    %add3A_19 = vector.broadcast %add3A_18 : i32 to vector<16xi32>
    %add3A_20 = arith.addi %iota3A, %add3A_19 : vector<16xi32>
    %and3A_21 = arith.constant 15 : i32
    %and3A_22 = vector.broadcast %and3A_21 : i32 to vector<16xi32>
    %and3A_23 = arith.andi %add3A_20, %and3A_22 : vector<16xi32>
    %add3A_24 = arith.constant 4 : i32
    %add3A_25 = vector.broadcast %add3A_24 : i32 to vector<16xi32>
    %add3A_26 = arith.addi %iota3A, %add3A_25 : vector<16xi32>
    %and3A_27 = arith.constant 15 : i32
    %and3A_28 = vector.broadcast %and3A_27 : i32 to vector<16xi32>
    %and3A_29 = arith.andi %add3A_26, %and3A_28 : vector<16xi32>
    %add3A_30 = arith.constant 5 : i32
    %add3A_31 = vector.broadcast %add3A_30 : i32 to vector<16xi32>
    %add3A_32 = arith.addi %iota3A, %add3A_31 : vector<16xi32>
    %and3A_33 = arith.constant 15 : i32
    %and3A_34 = vector.broadcast %and3A_33 : i32 to vector<16xi32>
    %and3A_35 = arith.andi %add3A_32, %and3A_34 : vector<16xi32>
    %add3A_36 = arith.constant 6 : i32
    %add3A_37 = vector.broadcast %add3A_36 : i32 to vector<16xi32>
    %add3A_38 = arith.addi %iota3A, %add3A_37 : vector<16xi32>
    %and3A_39 = arith.constant 15 : i32
    %and3A_40 = vector.broadcast %and3A_39 : i32 to vector<16xi32>
    %and3A_41 = arith.andi %add3A_38, %and3A_40 : vector<16xi32>
    %add3A_42 = arith.constant 7 : i32
    %add3A_43 = vector.broadcast %add3A_42 : i32 to vector<16xi32>
    %add3A_44 = arith.addi %iota3A, %add3A_43 : vector<16xi32>
    %and3A_45 = arith.constant 15 : i32
    %and3A_46 = vector.broadcast %and3A_45 : i32 to vector<16xi32>
    %and3A_47 = arith.andi %add3A_44, %and3A_46 : vector<16xi32>
    %add3A_48 = arith.constant 8 : i32
    %add3A_49 = vector.broadcast %add3A_48 : i32 to vector<16xi32>
    %add3A_50 = arith.addi %iota3A, %add3A_49 : vector<16xi32>
    %and3A_51 = arith.constant 15 : i32
    %and3A_52 = vector.broadcast %and3A_51 : i32 to vector<16xi32>
    %and3A_53 = arith.andi %add3A_50, %and3A_52 : vector<16xi32>
    %add3A_54 = arith.constant 9 : i32
    %add3A_55 = vector.broadcast %add3A_54 : i32 to vector<16xi32>
    %add3A_56 = arith.addi %iota3A, %add3A_55 : vector<16xi32>
    %and3A_57 = arith.constant 15 : i32
    %and3A_58 = vector.broadcast %and3A_57 : i32 to vector<16xi32>
    %and3A_59 = arith.andi %add3A_56, %and3A_58 : vector<16xi32>
    %add3A_60 = arith.constant 10 : i32
    %add3A_61 = vector.broadcast %add3A_60 : i32 to vector<16xi32>
    %add3A_62 = arith.addi %iota3A, %add3A_61 : vector<16xi32>
    %and3A_63 = arith.constant 15 : i32
    %and3A_64 = vector.broadcast %and3A_63 : i32 to vector<16xi32>
    %and3A_65 = arith.andi %add3A_62, %and3A_64 : vector<16xi32>
    %add3A_66 = arith.constant 11 : i32
    %add3A_67 = vector.broadcast %add3A_66 : i32 to vector<16xi32>
    %add3A_68 = arith.addi %iota3A, %add3A_67 : vector<16xi32>
    %and3A_69 = arith.constant 15 : i32
    %and3A_70 = vector.broadcast %and3A_69 : i32 to vector<16xi32>
    %and3A_71 = arith.andi %add3A_68, %and3A_70 : vector<16xi32>
    %add3A_72 = arith.constant 12 : i32
    %add3A_73 = vector.broadcast %add3A_72 : i32 to vector<16xi32>
    %add3A_74 = arith.addi %iota3A, %add3A_73 : vector<16xi32>
    %and3A_75 = arith.constant 15 : i32
    %and3A_76 = vector.broadcast %and3A_75 : i32 to vector<16xi32>
    %and3A_77 = arith.andi %add3A_74, %and3A_76 : vector<16xi32>
    %add3A_78 = arith.constant 13 : i32
    %add3A_79 = vector.broadcast %add3A_78 : i32 to vector<16xi32>
    %add3A_80 = arith.addi %iota3A, %add3A_79 : vector<16xi32>
    %and3A_81 = arith.constant 15 : i32
    %and3A_82 = vector.broadcast %and3A_81 : i32 to vector<16xi32>
    %and3A_83 = arith.andi %add3A_80, %and3A_82 : vector<16xi32>
    %add3A_84 = arith.constant 14 : i32
    %add3A_85 = vector.broadcast %add3A_84 : i32 to vector<16xi32>
    %add3A_86 = arith.addi %iota3A, %add3A_85 : vector<16xi32>
    %and3A_87 = arith.constant 15 : i32
    %and3A_88 = vector.broadcast %and3A_87 : i32 to vector<16xi32>
    %and3A_89 = arith.andi %add3A_86, %and3A_88 : vector<16xi32>
    %add3A_90 = arith.constant 15 : i32
    %add3A_91 = vector.broadcast %add3A_90 : i32 to vector<16xi32>
    %add3A_92 = arith.addi %iota3A, %add3A_91 : vector<16xi32>
    %and3A_93 = arith.constant 15 : i32
    %and3A_94 = vector.broadcast %and3A_93 : i32 to vector<16xi32>
    %and3A_95 = arith.andi %add3A_92, %and3A_94 : vector<16xi32>
    %add3A_96 = arith.constant 0 : i32
    %add3A_97 = arith.addi %add3A, %add3A_96 : i32
    %mul3A_98 = arith.constant 128 : i32
    %mul3A_99 = arith.muli %add3A_97, %mul3A_98 : i32
    %min3A = arith.constant 99872 : i32
    %min3A_100 = arith.minsi %mul3A_99, %min3A : i32
    %dma_start3A = arith.constant 0 : i32
    %dma_start3A_101 = tpu.memref_slice %arg6[%dma_start3A] : memref<3200xi32, #tpu.memory_space<vmem>> -> memref<128xi32, #tpu.memory_space<vmem>>
    %dma_start3A_102 = tpu.memref_slice %arg2[%min3A_100] : memref<100000xi32, #tpu.memory_space<hbm>> -> memref<128xi32, #tpu.memory_space<hbm>>
    %dma_start3A_103 = arith.constant 0 : i32
    %dma_start3A_104 = tpu.memref_slice %arg6[%dma_start3A_103] : memref<3200xi32, #tpu.memory_space<vmem>> -> memref<128xi32, #tpu.memory_space<vmem>>
    %dma_start3A_105 = tpu.memref_slice %arg2[%min3A_100] : memref<100000xi32, #tpu.memory_space<hbm>> -> memref<128xi32, #tpu.memory_space<hbm>>
    tpu.enqueue_dma source(%dma_start3A_105 : memref<128xi32, #tpu.memory_space<hbm>>) target(%dma_start3A_104 : memref<128xi32, #tpu.memory_space<vmem>>) target_semaphore(%arg13 : memref<!tpu.dma_semaphore, #tpu.memory_space<semaphore_mem>>)
    %add3A_106 = arith.constant 32 : i32
    %add3A_107 = arith.addi %add3A, %add3A_106 : i32
    %mul3A_108 = arith.constant 128 : i32
    %mul3A_109 = arith.muli %add3A_107, %mul3A_108 : i32
    %min3A_110 = arith.constant 99872 : i32
    %min3A_111 = arith.minsi %mul3A_109, %min3A_110 : i32
    %dma_start3A_112 = arith.constant 128 : i32
    %dma_start3A_113 = tpu.memref_slice %arg6[%dma_start3A_112] : memref<3200xi32, #tpu.memory_space<vmem>> -> memref<128xi32, #tpu.memory_space<vmem>>
    %dma_start3A_114 = tpu.memref_slice %arg2[%min3A_111] : memref<100000xi32, #tpu.memory_space<hbm>> -> memref<128xi32, #tpu.memory_space<hbm>>
    %dma_start3A_115 = arith.constant 128 : i32
    %dma_start3A_116 = tpu.memref_slice %arg6[%dma_start3A_115] : memref<3200xi32, #tpu.memory_space<vmem>> -> memref<128xi32, #tpu.memory_space<vmem>>
    %dma_start3A_117 = tpu.memref_slice %arg2[%min3A_111] : memref<100000xi32, #tpu.memory_space<hbm>> -> memref<128xi32, #tpu.memory_space<hbm>>
    tpu.enqueue_dma source(%dma_start3A_117 : memref<128xi32, #tpu.memory_space<hbm>>) target(%dma_start3A_116 : memref<128xi32, #tpu.memory_space<vmem>>) target_semaphore(%arg13 : memref<!tpu.dma_semaphore, #tpu.memory_space<semaphore_mem>>)
    %add3A_118 = arith.constant 64 : i32
    %add3A_119 = arith.addi %add3A, %add3A_118 : i32
    %mul3A_120 = arith.constant 128 : i32
    %mul3A_121 = arith.muli %add3A_119, %mul3A_120 : i32
    %min3A_122 = arith.constant 99872 : i32
    %min3A_123 = arith.minsi %mul3A_121, %min3A_122 : i32
    %dma_start3A_124 = arith.constant 256 : i32
    %dma_start3A_125 = tpu.memref_slice %arg6[%dma_start3A_124] : memref<3200xi32, #tpu.memory_space<vmem>> -> memref<128xi32, #tpu.memory_space<vmem>>
    %dma_start3A_126 = tpu.memref_slice %arg2[%min3A_123] : memref<100000xi32, #tpu.memory_space<hbm>> -> memref<128xi32, #tpu.memory_space<hbm>>
    %dma_start3A_127 = arith.constant 256 : i32
    %dma_start3A_128 = tpu.memref_slice %arg6[%dma_start3A_127] : memref<3200xi32, #tpu.memory_space<vmem>> -> memref<128xi32, #tpu.memory_space<vmem>>
    %dma_start3A_129 = tpu.memref_slice %arg2[%min3A_123] : memref<100000xi32, #tpu.memory_space<hbm>> -> memref<128xi32, #tpu.memory_space<hbm>>
    tpu.enqueue_dma source(%dma_start3A_129 : memref<128xi32, #tpu.memory_space<hbm>>) target(%dma_start3A_128 : memref<128xi32, #tpu.memory_space<vmem>>) target_semaphore(%arg13 : memref<!tpu.dma_semaphore, #tpu.memory_space<semaphore_mem>>)
    %add3A_130 = arith.constant 96 : i32
    %add3A_131 = arith.addi %add3A, %add3A_130 : i32
    %mul3A_132 = arith.constant 128 : i32
    %mul3A_133 = arith.muli %add3A_131, %mul3A_132 : i32
    %min3A_134 = arith.constant 99872 : i32
    %min3A_135 = arith.minsi %mul3A_133, %min3A_134 : i32
    %dma_start3A_136 = arith.constant 384 : i32
    %dma_start3A_137 = tpu.memref_slice %arg6[%dma_start3A_136] : memref<3200xi32, #tpu.memory_space<vmem>> -> memref<128xi32, #tpu.memory_space<vmem>>
    %dma_start3A_138 = tpu.memref_slice %arg2[%min3A_135] : memref<100000xi32, #tpu.memory_space<hbm>> -> memref<128xi32, #tpu.memory_space<hbm>>
    %dma_start3A_139 = arith.constant 384 : i32
    %dma_start3A_140 = tpu.memref_slice %arg6[%dma_start3A_139] : memref<3200xi32, #tpu.memory_space<vmem>> -> memref<128xi32, #tpu.memory_space<vmem>>
    %dma_start3A_141 = tpu.memref_slice %arg2[%min3A_135] : memref<100000xi32, #tpu.memory_space<hbm>> -> memref<128xi32, #tpu.memory_space<hbm>>
    tpu.enqueue_dma source(%dma_start3A_141 : memref<128xi32, #tpu.memory_space<hbm>>) target(%dma_start3A_140 : memref<128xi32, #tpu.memory_space<vmem>>) target_semaphore(%arg13 : memref<!tpu.dma_semaphore, #tpu.memory_space<semaphore_mem>>)
    %add3A_142 = arith.constant 128 : i32
    %add3A_143 = arith.addi %add3A, %add3A_142 : i32
    %mul3A_144 = arith.constant 128 : i32
    %mul3A_145 = arith.muli %add3A_143, %mul3A_144 : i32
    %min3A_146 = arith.constant 99872 : i32
    %min3A_147 = arith.minsi %mul3A_145, %min3A_146 : i32
    %dma_start3A_148 = arith.constant 512 : i32
    %dma_start3A_149 = tpu.memref_slice %arg6[%dma_start3A_148] : memref<3200xi32, #tpu.memory_space<vmem>> -> memref<128xi32, #tpu.memory_space<vmem>>
    %dma_start3A_150 = tpu.memref_slice %arg2[%min3A_147] : memref<100000xi32, #tpu.memory_space<hbm>> -> memref<128xi32, #tpu.memory_space<hbm>>
    %dma_start3A_151 = arith.constant 512 : i32
    %dma_start3A_152 = tpu.memref_slice %arg6[%dma_start3A_151] : memref<3200xi32, #tpu.memory_space<vmem>> -> memref<128xi32, #tpu.memory_space<vmem>>
    %dma_start3A_153 = tpu.memref_slice %arg2[%min3A_147] : memref<100000xi32, #tpu.memory_space<hbm>> -> memref<128xi32, #tpu.memory_space<hbm>>
    tpu.enqueue_dma source(%dma_start3A_153 : memref<128xi32, #tpu.memory_space<hbm>>) target(%dma_start3A_152 : memref<128xi32, #tpu.memory_space<vmem>>) target_semaphore(%arg13 : memref<!tpu.dma_semaphore, #tpu.memory_space<semaphore_mem>>)
    %add3A_154 = arith.constant 160 : i32
    %add3A_155 = arith.addi %add3A, %add3A_154 : i32
    %mul3A_156 = arith.constant 128 : i32
    %mul3A_157 = arith.muli %add3A_155, %mul3A_156 : i32
    %min3A_158 = arith.constant 99872 : i32
    %min3A_159 = arith.minsi %mul3A_157, %min3A_158 : i32
    %dma_start3A_160 = arith.constant 640 : i32
    %dma_start3A_161 = tpu.memref_slice %arg6[%dma_start3A_160] : memref<3200xi32, #tpu.memory_space<vmem>> -> memref<128xi32, #tpu.memory_space<vmem>>
    %dma_start3A_162 = tpu.memref_slice %arg2[%min3A_159] : memref<100000xi32, #tpu.memory_space<hbm>> -> memref<128xi32, #tpu.memory_space<hbm>>
    %dma_start3A_163 = arith.constant 640 : i32
    %dma_start3A_164 = tpu.memref_slice %arg6[%dma_start3A_163] : memref<3200xi32, #tpu.memory_space<vmem>> -> memref<128xi32, #tpu.memory_space<vmem>>
    %dma_start3A_165 = tpu.memref_slice %arg2[%min3A_159] : memref<100000xi32, #tpu.memory_space<hbm>> -> memref<128xi32, #tpu.memory_space<hbm>>
    tpu.enqueue_dma source(%dma_start3A_165 : memref<128xi32, #tpu.memory_space<hbm>>) target(%dma_start3A_164 : memref<128xi32, #tpu.memory_space<vmem>>) target_semaphore(%arg13 : memref<!tpu.dma_semaphore, #tpu.memory_space<semaphore_mem>>)
    %add3A_166 = arith.constant 192 : i32
    %add3A_167 = arith.addi %add3A, %add3A_166 : i32
    %mul3A_168 = arith.constant 128 : i32
    %mul3A_169 = arith.muli %add3A_167, %mul3A_168 : i32
    %min3A_170 = arith.constant 99872 : i32
    %min3A_171 = arith.minsi %mul3A_169, %min3A_170 : i32
    %dma_start3A_172 = arith.constant 768 : i32
    %dma_start3A_173 = tpu.memref_slice %arg6[%dma_start3A_172] : memref<3200xi32, #tpu.memory_space<vmem>> -> memref<128xi32, #tpu.memory_space<vmem>>
    %dma_start3A_174 = tpu.memref_slice %arg2[%min3A_171] : memref<100000xi32, #tpu.memory_space<hbm>> -> memref<128xi32, #tpu.memory_space<hbm>>
    %dma_start3A_175 = arith.constant 768 : i32
    %dma_start3A_176 = tpu.memref_slice %arg6[%dma_start3A_175] : memref<3200xi32, #tpu.memory_space<vmem>> -> memref<128xi32, #tpu.memory_space<vmem>>
    %dma_start3A_177 = tpu.memref_slice %arg2[%min3A_171] : memref<100000xi32, #tpu.memory_space<hbm>> -> memref<128xi32, #tpu.memory_space<hbm>>
    tpu.enqueue_dma source(%dma_start3A_177 : memref<128xi32, #tpu.memory_space<hbm>>) target(%dma_start3A_176 : memref<128xi32, #tpu.memory_space<vmem>>) target_semaphore(%arg13 : memref<!tpu.dma_semaphore, #tpu.memory_space<semaphore_mem>>)
    %add3A_178 = arith.constant 224 : i32
    %add3A_179 = arith.addi %add3A, %add3A_178 : i32
    %mul3A_180 = arith.constant 128 : i32
    %mul3A_181 = arith.muli %add3A_179, %mul3A_180 : i32
    %min3A_182 = arith.constant 99872 : i32
    %min3A_183 = arith.minsi %mul3A_181, %min3A_182 : i32
    %dma_start3A_184 = arith.constant 896 : i32
    %dma_start3A_185 = tpu.memref_slice %arg6[%dma_start3A_184] : memref<3200xi32, #tpu.memory_space<vmem>> -> memref<128xi32, #tpu.memory_space<vmem>>
    %dma_start3A_186 = tpu.memref_slice %arg2[%min3A_183] : memref<100000xi32, #tpu.memory_space<hbm>> -> memref<128xi32, #tpu.memory_space<hbm>>
    %dma_start3A_187 = arith.constant 896 : i32
    %dma_start3A_188 = tpu.memref_slice %arg6[%dma_start3A_187] : memref<3200xi32, #tpu.memory_space<vmem>> -> memref<128xi32, #tpu.memory_space<vmem>>
    %dma_start3A_189 = tpu.memref_slice %arg2[%min3A_183] : memref<100000xi32, #tpu.memory_space<hbm>> -> memref<128xi32, #tpu.memory_space<hbm>>
    tpu.enqueue_dma source(%dma_start3A_189 : memref<128xi32, #tpu.memory_space<hbm>>) target(%dma_start3A_188 : memref<128xi32, #tpu.memory_space<vmem>>) target_semaphore(%arg13 : memref<!tpu.dma_semaphore, #tpu.memory_space<semaphore_mem>>)
    %add3A_190 = arith.constant 256 : i32
    %add3A_191 = arith.addi %add3A, %add3A_190 : i32
    %mul3A_192 = arith.constant 128 : i32
    %mul3A_193 = arith.muli %add3A_191, %mul3A_192 : i32
    %min3A_194 = arith.constant 99872 : i32
    %min3A_195 = arith.minsi %mul3A_193, %min3A_194 : i32
    %dma_start3A_196 = arith.constant 1024 : i32
    %dma_start3A_197 = tpu.memref_slice %arg6[%dma_start3A_196] : memref<3200xi32, #tpu.memory_space<vmem>> -> memref<128xi32, #tpu.memory_space<vmem>>
    %dma_start3A_198 = tpu.memref_slice %arg2[%min3A_195] : memref<100000xi32, #tpu.memory_space<hbm>> -> memref<128xi32, #tpu.memory_space<hbm>>
    %dma_start3A_199 = arith.constant 1024 : i32
    %dma_start3A_200 = tpu.memref_slice %arg6[%dma_start3A_199] : memref<3200xi32, #tpu.memory_space<vmem>> -> memref<128xi32, #tpu.memory_space<vmem>>
    %dma_start3A_201 = tpu.memref_slice %arg2[%min3A_195] : memref<100000xi32, #tpu.memory_space<hbm>> -> memref<128xi32, #tpu.memory_space<hbm>>
    tpu.enqueue_dma source(%dma_start3A_201 : memref<128xi32, #tpu.memory_space<hbm>>) target(%dma_start3A_200 : memref<128xi32, #tpu.memory_space<vmem>>) target_semaphore(%arg13 : memref<!tpu.dma_semaphore, #tpu.memory_space<semaphore_mem>>)
    %add3A_202 = arith.constant 288 : i32
    %add3A_203 = arith.addi %add3A, %add3A_202 : i32
    %mul3A_204 = arith.constant 128 : i32
    %mul3A_205 = arith.muli %add3A_203, %mul3A_204 : i32
    %min3A_206 = arith.constant 99872 : i32
    %min3A_207 = arith.minsi %mul3A_205, %min3A_206 : i32
    %dma_start3A_208 = arith.constant 1152 : i32
    %dma_start3A_209 = tpu.memref_slice %arg6[%dma_start3A_208] : memref<3200xi32, #tpu.memory_space<vmem>> -> memref<128xi32, #tpu.memory_space<vmem>>
    %dma_start3A_210 = tpu.memref_slice %arg2[%min3A_207] : memref<100000xi32, #tpu.memory_space<hbm>> -> memref<128xi32, #tpu.memory_space<hbm>>
    %dma_start3A_211 = arith.constant 1152 : i32
    %dma_start3A_212 = tpu.memref_slice %arg6[%dma_start3A_211] : memref<3200xi32, #tpu.memory_space<vmem>> -> memref<128xi32, #tpu.memory_space<vmem>>
    %dma_start3A_213 = tpu.memref_slice %arg2[%min3A_207] : memref<100000xi32, #tpu.memory_space<hbm>> -> memref<128xi32, #tpu.memory_space<hbm>>
    tpu.enqueue_dma source(%dma_start3A_213 : memref<128xi32, #tpu.memory_space<hbm>>) target(%dma_start3A_212 : memref<128xi32, #tpu.memory_space<vmem>>) target_semaphore(%arg13 : memref<!tpu.dma_semaphore, #tpu.memory_space<semaphore_mem>>)
    %add3A_214 = arith.constant 320 : i32
    %add3A_215 = arith.addi %add3A, %add3A_214 : i32
    %mul3A_216 = arith.constant 128 : i32
    %mul3A_217 = arith.muli %add3A_215, %mul3A_216 : i32
    %min3A_218 = arith.constant 99872 : i32
    %min3A_219 = arith.minsi %mul3A_217, %min3A_218 : i32
    %dma_start3A_220 = arith.constant 1280 : i32
    %dma_start3A_221 = tpu.memref_slice %arg6[%dma_start3A_220] : memref<3200xi32, #tpu.memory_space<vmem>> -> memref<128xi32, #tpu.memory_space<vmem>>
    %dma_start3A_222 = tpu.memref_slice %arg2[%min3A_219] : memref<100000xi32, #tpu.memory_space<hbm>> -> memref<128xi32, #tpu.memory_space<hbm>>
    %dma_start3A_223 = arith.constant 1280 : i32
    %dma_start3A_224 = tpu.memref_slice %arg6[%dma_start3A_223] : memref<3200xi32, #tpu.memory_space<vmem>> -> memref<128xi32, #tpu.memory_space<vmem>>
    %dma_start3A_225 = tpu.memref_slice %arg2[%min3A_219] : memref<100000xi32, #tpu.memory_space<hbm>> -> memref<128xi32, #tpu.memory_space<hbm>>
    tpu.enqueue_dma source(%dma_start3A_225 : memref<128xi32, #tpu.memory_space<hbm>>) target(%dma_start3A_224 : memref<128xi32, #tpu.memory_space<vmem>>) target_semaphore(%arg13 : memref<!tpu.dma_semaphore, #tpu.memory_space<semaphore_mem>>)
    %add3A_226 = arith.constant 352 : i32
    %add3A_227 = arith.addi %add3A, %add3A_226 : i32
    %mul3A_228 = arith.constant 128 : i32
    %mul3A_229 = arith.muli %add3A_227, %mul3A_228 : i32
    %min3A_230 = arith.constant 99872 : i32
    %min3A_231 = arith.minsi %mul3A_229, %min3A_230 : i32
    %dma_start3A_232 = arith.constant 1408 : i32
    %dma_start3A_233 = tpu.memref_slice %arg6[%dma_start3A_232] : memref<3200xi32, #tpu.memory_space<vmem>> -> memref<128xi32, #tpu.memory_space<vmem>>
    %dma_start3A_234 = tpu.memref_slice %arg2[%min3A_231] : memref<100000xi32, #tpu.memory_space<hbm>> -> memref<128xi32, #tpu.memory_space<hbm>>
    %dma_start3A_235 = arith.constant 1408 : i32
    %dma_start3A_236 = tpu.memref_slice %arg6[%dma_start3A_235] : memref<3200xi32, #tpu.memory_space<vmem>> -> memref<128xi32, #tpu.memory_space<vmem>>
    %dma_start3A_237 = tpu.memref_slice %arg2[%min3A_231] : memref<100000xi32, #tpu.memory_space<hbm>> -> memref<128xi32, #tpu.memory_space<hbm>>
    tpu.enqueue_dma source(%dma_start3A_237 : memref<128xi32, #tpu.memory_space<hbm>>) target(%dma_start3A_236 : memref<128xi32, #tpu.memory_space<vmem>>) target_semaphore(%arg13 : memref<!tpu.dma_semaphore, #tpu.memory_space<semaphore_mem>>)
    %add3A_238 = arith.constant 384 : i32
    %add3A_239 = arith.addi %add3A, %add3A_238 : i32
    %mul3A_240 = arith.constant 128 : i32
    %mul3A_241 = arith.muli %add3A_239, %mul3A_240 : i32
    %min3A_242 = arith.constant 99872 : i32
    %min3A_243 = arith.minsi %mul3A_241, %min3A_242 : i32
    %dma_start3A_244 = arith.constant 1536 : i32
    %dma_start3A_245 = tpu.memref_slice %arg6[%dma_start3A_244] : memref<3200xi32, #tpu.memory_space<vmem>> -> memref<128xi32, #tpu.memory_space<vmem>>
    %dma_start3A_246 = tpu.memref_slice %arg2[%min3A_243] : memref<100000xi32, #tpu.memory_space<hbm>> -> memref<128xi32, #tpu.memory_space<hbm>>
    %dma_start3A_247 = arith.constant 1536 : i32
    %dma_start3A_248 = tpu.memref_slice %arg6[%dma_start3A_247] : memref<3200xi32, #tpu.memory_space<vmem>> -> memref<128xi32, #tpu.memory_space<vmem>>
    %dma_start3A_249 = tpu.memref_slice %arg2[%min3A_243] : memref<100000xi32, #tpu.memory_space<hbm>> -> memref<128xi32, #tpu.memory_space<hbm>>
    tpu.enqueue_dma source(%dma_start3A_249 : memref<128xi32, #tpu.memory_space<hbm>>) target(%dma_start3A_248 : memref<128xi32, #tpu.memory_space<vmem>>) target_semaphore(%arg13 : memref<!tpu.dma_semaphore, #tpu.memory_space<semaphore_mem>>)
    %add3A_250 = arith.constant 416 : i32
    %add3A_251 = arith.addi %add3A, %add3A_250 : i32
    %mul3A_252 = arith.constant 128 : i32
    %mul3A_253 = arith.muli %add3A_251, %mul3A_252 : i32
    %min3A_254 = arith.constant 99872 : i32
    %min3A_255 = arith.minsi %mul3A_253, %min3A_254 : i32
    %dma_start3A_256 = arith.constant 1664 : i32
    %dma_start3A_257 = tpu.memref_slice %arg6[%dma_start3A_256] : memref<3200xi32, #tpu.memory_space<vmem>> -> memref<128xi32, #tpu.memory_space<vmem>>
    %dma_start3A_258 = tpu.memref_slice %arg2[%min3A_255] : memref<100000xi32, #tpu.memory_space<hbm>> -> memref<128xi32, #tpu.memory_space<hbm>>
    %dma_start3A_259 = arith.constant 1664 : i32
    %dma_start3A_260 = tpu.memref_slice %arg6[%dma_start3A_259] : memref<3200xi32, #tpu.memory_space<vmem>> -> memref<128xi32, #tpu.memory_space<vmem>>
    %dma_start3A_261 = tpu.memref_slice %arg2[%min3A_255] : memref<100000xi32, #tpu.memory_space<hbm>> -> memref<128xi32, #tpu.memory_space<hbm>>
    tpu.enqueue_dma source(%dma_start3A_261 : memref<128xi32, #tpu.memory_space<hbm>>) target(%dma_start3A_260 : memref<128xi32, #tpu.memory_space<vmem>>) target_semaphore(%arg13 : memref<!tpu.dma_semaphore, #tpu.memory_space<semaphore_mem>>)
    %add3A_262 = arith.constant 448 : i32
    %add3A_263 = arith.addi %add3A, %add3A_262 : i32
    %mul3A_264 = arith.constant 128 : i32
    %mul3A_265 = arith.muli %add3A_263, %mul3A_264 : i32
    %min3A_266 = arith.constant 99872 : i32
    %min3A_267 = arith.minsi %mul3A_265, %min3A_266 : i32
    %dma_start3A_268 = arith.constant 1792 : i32
    %dma_start3A_269 = tpu.memref_slice %arg6[%dma_start3A_268] : memref<3200xi32, #tpu.memory_space<vmem>> -> memref<128xi32, #tpu.memory_space<vmem>>
    %dma_start3A_270 = tpu.memref_slice %arg2[%min3A_267] : memref<100000xi32, #tpu.memory_space<hbm>> -> memref<128xi32, #tpu.memory_space<hbm>>
    %dma_start3A_271 = arith.constant 1792 : i32
    %dma_start3A_272 = tpu.memref_slice %arg6[%dma_start3A_271] : memref<3200xi32, #tpu.memory_space<vmem>> -> memref<128xi32, #tpu.memory_space<vmem>>
    %dma_start3A_273 = tpu.memref_slice %arg2[%min3A_267] : memref<100000xi32, #tpu.memory_space<hbm>> -> memref<128xi32, #tpu.memory_space<hbm>>
    tpu.enqueue_dma source(%dma_start3A_273 : memref<128xi32, #tpu.memory_space<hbm>>) target(%dma_start3A_272 : memref<128xi32, #tpu.memory_space<vmem>>) target_semaphore(%arg13 : memref<!tpu.dma_semaphore, #tpu.memory_space<semaphore_mem>>)
    %add3A_274 = arith.constant 480 : i32
    %add3A_275 = arith.addi %add3A, %add3A_274 : i32
    %mul3A_276 = arith.constant 128 : i32
    %mul3A_277 = arith.muli %add3A_275, %mul3A_276 : i32
    %min3A_278 = arith.constant 99872 : i32
    %min3A_279 = arith.minsi %mul3A_277, %min3A_278 : i32
    %dma_start3A_280 = arith.constant 1920 : i32
    %dma_start3A_281 = tpu.memref_slice %arg6[%dma_start3A_280] : memref<3200xi32, #tpu.memory_space<vmem>> -> memref<128xi32, #tpu.memory_space<vmem>>
    %dma_start3A_282 = tpu.memref_slice %arg2[%min3A_279] : memref<100000xi32, #tpu.memory_space<hbm>> -> memref<128xi32, #tpu.memory_space<hbm>>
    %dma_start3A_283 = arith.constant 1920 : i32
    %dma_start3A_284 = tpu.memref_slice %arg6[%dma_start3A_283] : memref<3200xi32, #tpu.memory_space<vmem>> -> memref<128xi32, #tpu.memory_space<vmem>>
    %dma_start3A_285 = tpu.memref_slice %arg2[%min3A_279] : memref<100000xi32, #tpu.memory_space<hbm>> -> memref<128xi32, #tpu.memory_space<hbm>>
    tpu.enqueue_dma source(%dma_start3A_285 : memref<128xi32, #tpu.memory_space<hbm>>) target(%dma_start3A_284 : memref<128xi32, #tpu.memory_space<vmem>>) target_semaphore(%arg13 : memref<!tpu.dma_semaphore, #tpu.memory_space<semaphore_mem>>)
    %add3A_286 = arith.constant 512 : i32
    %add3A_287 = arith.addi %add3A, %add3A_286 : i32
    %mul3A_288 = arith.constant 128 : i32
    %mul3A_289 = arith.muli %add3A_287, %mul3A_288 : i32
    %min3A_290 = arith.constant 99872 : i32
    %min3A_291 = arith.minsi %mul3A_289, %min3A_290 : i32
    %dma_start3A_292 = arith.constant 2048 : i32
    %dma_start3A_293 = tpu.memref_slice %arg6[%dma_start3A_292] : memref<3200xi32, #tpu.memory_space<vmem>> -> memref<128xi32, #tpu.memory_space<vmem>>
    %dma_start3A_294 = tpu.memref_slice %arg2[%min3A_291] : memref<100000xi32, #tpu.memory_space<hbm>> -> memref<128xi32, #tpu.memory_space<hbm>>
    %dma_start3A_295 = arith.constant 2048 : i32
    %dma_start3A_296 = tpu.memref_slice %arg6[%dma_start3A_295] : memref<3200xi32, #tpu.memory_space<vmem>> -> memref<128xi32, #tpu.memory_space<vmem>>
    %dma_start3A_297 = tpu.memref_slice %arg2[%min3A_291] : memref<100000xi32, #tpu.memory_space<hbm>> -> memref<128xi32, #tpu.memory_space<hbm>>
    tpu.enqueue_dma source(%dma_start3A_297 : memref<128xi32, #tpu.memory_space<hbm>>) target(%dma_start3A_296 : memref<128xi32, #tpu.memory_space<vmem>>) target_semaphore(%arg13 : memref<!tpu.dma_semaphore, #tpu.memory_space<semaphore_mem>>)
    %add3A_298 = arith.constant 544 : i32
    %add3A_299 = arith.addi %add3A, %add3A_298 : i32
    %mul3A_300 = arith.constant 128 : i32
    %mul3A_301 = arith.muli %add3A_299, %mul3A_300 : i32
    %min3A_302 = arith.constant 99872 : i32
    %min3A_303 = arith.minsi %mul3A_301, %min3A_302 : i32
    %dma_start3A_304 = arith.constant 2176 : i32
    %dma_start3A_305 = tpu.memref_slice %arg6[%dma_start3A_304] : memref<3200xi32, #tpu.memory_space<vmem>> -> memref<128xi32, #tpu.memory_space<vmem>>
    %dma_start3A_306 = tpu.memref_slice %arg2[%min3A_303] : memref<100000xi32, #tpu.memory_space<hbm>> -> memref<128xi32, #tpu.memory_space<hbm>>
    %dma_start3A_307 = arith.constant 2176 : i32
    %dma_start3A_308 = tpu.memref_slice %arg6[%dma_start3A_307] : memref<3200xi32, #tpu.memory_space<vmem>> -> memref<128xi32, #tpu.memory_space<vmem>>
    %dma_start3A_309 = tpu.memref_slice %arg2[%min3A_303] : memref<100000xi32, #tpu.memory_space<hbm>> -> memref<128xi32, #tpu.memory_space<hbm>>
    tpu.enqueue_dma source(%dma_start3A_309 : memref<128xi32, #tpu.memory_space<hbm>>) target(%dma_start3A_308 : memref<128xi32, #tpu.memory_space<vmem>>) target_semaphore(%arg13 : memref<!tpu.dma_semaphore, #tpu.memory_space<semaphore_mem>>)
    %add3A_310 = arith.constant 576 : i32
    %add3A_311 = arith.addi %add3A, %add3A_310 : i32
    %mul3A_312 = arith.constant 128 : i32
    %mul3A_313 = arith.muli %add3A_311, %mul3A_312 : i32
    %min3A_314 = arith.constant 99872 : i32
    %min3A_315 = arith.minsi %mul3A_313, %min3A_314 : i32
    %dma_start3A_316 = arith.constant 2304 : i32
    %dma_start3A_317 = tpu.memref_slice %arg6[%dma_start3A_316] : memref<3200xi32, #tpu.memory_space<vmem>> -> memref<128xi32, #tpu.memory_space<vmem>>
    %dma_start3A_318 = tpu.memref_slice %arg2[%min3A_315] : memref<100000xi32, #tpu.memory_space<hbm>> -> memref<128xi32, #tpu.memory_space<hbm>>
    %dma_start3A_319 = arith.constant 2304 : i32
    %dma_start3A_320 = tpu.memref_slice %arg6[%dma_start3A_319] : memref<3200xi32, #tpu.memory_space<vmem>> -> memref<128xi32, #tpu.memory_space<vmem>>
    %dma_start3A_321 = tpu.memref_slice %arg2[%min3A_315] : memref<100000xi32, #tpu.memory_space<hbm>> -> memref<128xi32, #tpu.memory_space<hbm>>
    tpu.enqueue_dma source(%dma_start3A_321 : memref<128xi32, #tpu.memory_space<hbm>>) target(%dma_start3A_320 : memref<128xi32, #tpu.memory_space<vmem>>) target_semaphore(%arg13 : memref<!tpu.dma_semaphore, #tpu.memory_space<semaphore_mem>>)
    %add3A_322 = arith.constant 608 : i32
    %add3A_323 = arith.addi %add3A, %add3A_322 : i32
    %mul3A_324 = arith.constant 128 : i32
    %mul3A_325 = arith.muli %add3A_323, %mul3A_324 : i32
    %min3A_326 = arith.constant 99872 : i32
    %min3A_327 = arith.minsi %mul3A_325, %min3A_326 : i32
    %dma_start3A_328 = arith.constant 2432 : i32
    %dma_start3A_329 = tpu.memref_slice %arg6[%dma_start3A_328] : memref<3200xi32, #tpu.memory_space<vmem>> -> memref<128xi32, #tpu.memory_space<vmem>>
    %dma_start3A_330 = tpu.memref_slice %arg2[%min3A_327] : memref<100000xi32, #tpu.memory_space<hbm>> -> memref<128xi32, #tpu.memory_space<hbm>>
    %dma_start3A_331 = arith.constant 2432 : i32
    %dma_start3A_332 = tpu.memref_slice %arg6[%dma_start3A_331] : memref<3200xi32, #tpu.memory_space<vmem>> -> memref<128xi32, #tpu.memory_space<vmem>>
    %dma_start3A_333 = tpu.memref_slice %arg2[%min3A_327] : memref<100000xi32, #tpu.memory_space<hbm>> -> memref<128xi32, #tpu.memory_space<hbm>>
    tpu.enqueue_dma source(%dma_start3A_333 : memref<128xi32, #tpu.memory_space<hbm>>) target(%dma_start3A_332 : memref<128xi32, #tpu.memory_space<vmem>>) target_semaphore(%arg13 : memref<!tpu.dma_semaphore, #tpu.memory_space<semaphore_mem>>)
    %add3A_334 = arith.constant 640 : i32
    %add3A_335 = arith.addi %add3A, %add3A_334 : i32
    %mul3A_336 = arith.constant 128 : i32
    %mul3A_337 = arith.muli %add3A_335, %mul3A_336 : i32
    %min3A_338 = arith.constant 99872 : i32
    %min3A_339 = arith.minsi %mul3A_337, %min3A_338 : i32
    %dma_start3A_340 = arith.constant 2560 : i32
    %dma_start3A_341 = tpu.memref_slice %arg6[%dma_start3A_340] : memref<3200xi32, #tpu.memory_space<vmem>> -> memref<128xi32, #tpu.memory_space<vmem>>
    %dma_start3A_342 = tpu.memref_slice %arg2[%min3A_339] : memref<100000xi32, #tpu.memory_space<hbm>> -> memref<128xi32, #tpu.memory_space<hbm>>
    %dma_start3A_343 = arith.constant 2560 : i32
    %dma_start3A_344 = tpu.memref_slice %arg6[%dma_start3A_343] : memref<3200xi32, #tpu.memory_space<vmem>> -> memref<128xi32, #tpu.memory_space<vmem>>
    %dma_start3A_345 = tpu.memref_slice %arg2[%min3A_339] : memref<100000xi32, #tpu.memory_space<hbm>> -> memref<128xi32, #tpu.memory_space<hbm>>
    tpu.enqueue_dma source(%dma_start3A_345 : memref<128xi32, #tpu.memory_space<hbm>>) target(%dma_start3A_344 : memref<128xi32, #tpu.memory_space<vmem>>) target_semaphore(%arg13 : memref<!tpu.dma_semaphore, #tpu.memory_space<semaphore_mem>>)
    %add3A_346 = arith.constant 672 : i32
    %add3A_347 = arith.addi %add3A, %add3A_346 : i32
    %mul3A_348 = arith.constant 128 : i32
    %mul3A_349 = arith.muli %add3A_347, %mul3A_348 : i32
    %min3A_350 = arith.constant 99872 : i32
    %min3A_351 = arith.minsi %mul3A_349, %min3A_350 : i32
    %dma_start3A_352 = arith.constant 2688 : i32
    %dma_start3A_353 = tpu.memref_slice %arg6[%dma_start3A_352] : memref<3200xi32, #tpu.memory_space<vmem>> -> memref<128xi32, #tpu.memory_space<vmem>>
    %dma_start3A_354 = tpu.memref_slice %arg2[%min3A_351] : memref<100000xi32, #tpu.memory_space<hbm>> -> memref<128xi32, #tpu.memory_space<hbm>>
    %dma_start3A_355 = arith.constant 2688 : i32
    %dma_start3A_356 = tpu.memref_slice %arg6[%dma_start3A_355] : memref<3200xi32, #tpu.memory_space<vmem>> -> memref<128xi32, #tpu.memory_space<vmem>>
    %dma_start3A_357 = tpu.memref_slice %arg2[%min3A_351] : memref<100000xi32, #tpu.memory_space<hbm>> -> memref<128xi32, #tpu.memory_space<hbm>>
    tpu.enqueue_dma source(%dma_start3A_357 : memref<128xi32, #tpu.memory_space<hbm>>) target(%dma_start3A_356 : memref<128xi32, #tpu.memory_space<vmem>>) target_semaphore(%arg13 : memref<!tpu.dma_semaphore, #tpu.memory_space<semaphore_mem>>)
    %add3A_358 = arith.constant 704 : i32
    %add3A_359 = arith.addi %add3A, %add3A_358 : i32
    %mul3A_360 = arith.constant 128 : i32
    %mul3A_361 = arith.muli %add3A_359, %mul3A_360 : i32
    %min3A_362 = arith.constant 99872 : i32
    %min3A_363 = arith.minsi %mul3A_361, %min3A_362 : i32
    %dma_start3A_364 = arith.constant 2816 : i32
    %dma_start3A_365 = tpu.memref_slice %arg6[%dma_start3A_364] : memref<3200xi32, #tpu.memory_space<vmem>> -> memref<128xi32, #tpu.memory_space<vmem>>
    %dma_start3A_366 = tpu.memref_slice %arg2[%min3A_363] : memref<100000xi32, #tpu.memory_space<hbm>> -> memref<128xi32, #tpu.memory_space<hbm>>
    %dma_start3A_367 = arith.constant 2816 : i32
    %dma_start3A_368 = tpu.memref_slice %arg6[%dma_start3A_367] : memref<3200xi32, #tpu.memory_space<vmem>> -> memref<128xi32, #tpu.memory_space<vmem>>
    %dma_start3A_369 = tpu.memref_slice %arg2[%min3A_363] : memref<100000xi32, #tpu.memory_space<hbm>> -> memref<128xi32, #tpu.memory_space<hbm>>
    tpu.enqueue_dma source(%dma_start3A_369 : memref<128xi32, #tpu.memory_space<hbm>>) target(%dma_start3A_368 : memref<128xi32, #tpu.memory_space<vmem>>) target_semaphore(%arg13 : memref<!tpu.dma_semaphore, #tpu.memory_space<semaphore_mem>>)
    %add3A_370 = arith.constant 736 : i32
    %add3A_371 = arith.addi %add3A, %add3A_370 : i32
    %mul3A_372 = arith.constant 128 : i32
    %mul3A_373 = arith.muli %add3A_371, %mul3A_372 : i32
    %min3A_374 = arith.constant 99872 : i32
    %min3A_375 = arith.minsi %mul3A_373, %min3A_374 : i32
    %dma_start3A_376 = arith.constant 2944 : i32
    %dma_start3A_377 = tpu.memref_slice %arg6[%dma_start3A_376] : memref<3200xi32, #tpu.memory_space<vmem>> -> memref<128xi32, #tpu.memory_space<vmem>>
    %dma_start3A_378 = tpu.memref_slice %arg2[%min3A_375] : memref<100000xi32, #tpu.memory_space<hbm>> -> memref<128xi32, #tpu.memory_space<hbm>>
    %dma_start3A_379 = arith.constant 2944 : i32
    %dma_start3A_380 = tpu.memref_slice %arg6[%dma_start3A_379] : memref<3200xi32, #tpu.memory_space<vmem>> -> memref<128xi32, #tpu.memory_space<vmem>>
    %dma_start3A_381 = tpu.memref_slice %arg2[%min3A_375] : memref<100000xi32, #tpu.memory_space<hbm>> -> memref<128xi32, #tpu.memory_space<hbm>>
    tpu.enqueue_dma source(%dma_start3A_381 : memref<128xi32, #tpu.memory_space<hbm>>) target(%dma_start3A_380 : memref<128xi32, #tpu.memory_space<vmem>>) target_semaphore(%arg13 : memref<!tpu.dma_semaphore, #tpu.memory_space<semaphore_mem>>)
    %add3A_382 = arith.constant 768 : i32
    %add3A_383 = arith.addi %add3A, %add3A_382 : i32
    %mul3A_384 = arith.constant 128 : i32
    %mul3A_385 = arith.muli %add3A_383, %mul3A_384 : i32
    %min3A_386 = arith.constant 99872 : i32
    %min3A_387 = arith.minsi %mul3A_385, %min3A_386 : i32
    %dma_start3A_388 = arith.constant 3072 : i32
    %dma_start3A_389 = tpu.memref_slice %arg6[%dma_start3A_388] : memref<3200xi32, #tpu.memory_space<vmem>> -> memref<128xi32, #tpu.memory_space<vmem>>
    %dma_start3A_390 = tpu.memref_slice %arg2[%min3A_387] : memref<100000xi32, #tpu.memory_space<hbm>> -> memref<128xi32, #tpu.memory_space<hbm>>
    %dma_start3A_391 = arith.constant 3072 : i32
    %dma_start3A_392 = tpu.memref_slice %arg6[%dma_start3A_391] : memref<3200xi32, #tpu.memory_space<vmem>> -> memref<128xi32, #tpu.memory_space<vmem>>
    %dma_start3A_393 = tpu.memref_slice %arg2[%min3A_387] : memref<100000xi32, #tpu.memory_space<hbm>> -> memref<128xi32, #tpu.memory_space<hbm>>
    tpu.enqueue_dma source(%dma_start3A_393 : memref<128xi32, #tpu.memory_space<hbm>>) target(%dma_start3A_392 : memref<128xi32, #tpu.memory_space<vmem>>) target_semaphore(%arg13 : memref<!tpu.dma_semaphore, #tpu.memory_space<semaphore_mem>>)
    "tpu.region"() ({
      %run_scoped3A = tpu.sem_alloc : memref<!tpu.dma_semaphore, #tpu.memory_space<semaphore_mem>>
      tpu.enqueue_dma source(%arg3 : memref<24320xf32, #tpu.memory_space<hbm>>) target(%arg5 : memref<24320xf32, #tpu.memory_space<vmem>>) target_semaphore(%run_scoped3A : memref<!tpu.dma_semaphore, #tpu.memory_space<semaphore_mem>>)
      tpu.wait_dma2 semaphore(%run_scoped3A : memref<!tpu.dma_semaphore, #tpu.memory_space<semaphore_mem>>) src(%arg3 : memref<24320xf32, #tpu.memory_space<hbm>>) dst(%arg5 : memref<24320xf32, #tpu.memory_space<vmem>>)
      tpu.yield
    }) : () -> ()
    %dma_wait3A = arith.constant 0 : i32
    %dma_wait3A_394 = tpu.memref_slice %arg2[%dma_wait3A] : memref<100000xi32, #tpu.memory_space<hbm>> -> memref<3200xi32, #tpu.memory_space<hbm>>
    %dma_wait3A_395 = arith.constant 0 : i32
    %dma_wait3A_396 = tpu.memref_slice %arg2[%dma_wait3A_395] : memref<100000xi32, #tpu.memory_space<hbm>> -> memref<3200xi32, #tpu.memory_space<hbm>>
    tpu.wait_dma2 semaphore(%arg13 : memref<!tpu.dma_semaphore, #tpu.memory_space<semaphore_mem>>) src(%dma_wait3A_396 : memref<3200xi32, #tpu.memory_space<hbm>>) dst(%arg6 : memref<3200xi32, #tpu.memory_space<vmem>>)
    %scan3A = arith.constant 0 : i32
    %scan3A_397 = arith.constant 0 : i32
    %scan3A_398 = arith.constant 8 : i32
    %scan3A_399 = arith.addi %scan3A_397, %scan3A_398 : i32
    %scan3A_400 = arith.constant 1 : i32
    scf.for %scan3A_458 = %scan3A_397 to %scan3A_399 step %scan3A_400  : i32 {
      %mul3A_459 = arith.constant 3 : i32
      %mul3A_460 = arith.muli %mul3A_459, %scan3A_458 : i32
      %add3A_461 = arith.constant 0 : i32
      %add3A_462 = arith.addi %mul3A_460, %add3A_461 : i32
      %gt3A = arith.constant 0 : i32
      %gt3A_463 = arith.cmpi sgt, %scan3A_458, %gt3A : i32
      %convert_element_type3A = arith.extui %gt3A_463 : i1 to i32
      %cond3A = arith.constant 0 : i32
      %cond3A_464 = arith.cmpi ne, %convert_element_type3A, %cond3A : i32
      scf.if %cond3A_464 {
        %sub3A = arith.constant 3 : i32
        %sub3A_534 = arith.subi %add3A_462, %sub3A : i32
        %mul3A_535 = arith.constant 32 : i32
        %mul3A_536 = arith.muli %mul3A_535, %sub3A_534 : i32
        %add3A_537 = arith.addi %add3A, %mul3A_536 : i32
        %mul3A_538 = arith.constant 128 : i32
        %mul3A_539 = arith.muli %add3A_537, %mul3A_538 : i32
        %min3A_540 = arith.constant 99872 : i32
        %min3A_541 = arith.minsi %mul3A_539, %min3A_540 : i32
        %dma_wait3A_542 = arith.constant 0 : i32
        %dma_wait3A_543 = tpu.memref_slice %arg4[%min3A_541, %dma_wait3A_542] : memref<100000x256xf32, #tpu.memory_space<hbm>> -> memref<128x256xf32, #tpu.memory_space<hbm>>
        %dma_wait3A_544 = arith.constant 0 : i32
        %dma_wait3A_545 = tpu.memref_slice %arg4[%min3A_541, %dma_wait3A_544] : memref<100000x256xf32, #tpu.memory_space<hbm>> -> memref<128x256xf32, #tpu.memory_space<hbm>>
        tpu.wait_dma2 semaphore(%arg10 : memref<!tpu.dma_semaphore, #tpu.memory_space<semaphore_mem>>) src(%arg7 : memref<128x256xf32, #tpu.memory_space<vmem>>) dst(%dma_wait3A_545 : memref<128x256xf32, #tpu.memory_space<hbm>>)
      } else {
      }
      %scan3A_465 = arith.constant 0 : i32
      %scan3A_466 = arith.constant 0 : i32
      %scan3A_467 = arith.constant 8 : i32
      %scan3A_468 = arith.addi %scan3A_466, %scan3A_467 : i32
      %scan3A_469 = arith.constant 1 : i32
      scf.for %scan3A_534 = %scan3A_466 to %scan3A_468 step %scan3A_469  : i32 {
        %mul3A_535 = arith.constant 16 : i32
        %mul3A_536 = arith.muli %scan3A_534, %mul3A_535 : i32
        %add3A_537 = vector.broadcast %mul3A_536 : i32 to vector<16xi32>
        %add3A_538 = arith.addi %add3A_537, %iota3A : vector<16xi32>
        %mul3A_539 = arith.constant 128 : i32
        %mul3A_540 = arith.muli %add3A_462, %mul3A_539 : i32
        %add3A_541 = vector.broadcast %mul3A_540 : i32 to vector<16xi32>
        %add3A_542 = arith.addi %add3A_541, %add3A_538 : vector<16xi32>
        %gather3A = tpu.vector_load_idx %arg6[%add3A_542] : memref<3200xi32, #tpu.memory_space<vmem>>[vector<16xi32>], vector<16xi32>,
        %mul3A_543 = arith.constant 256 : i32
        %mul3A_544 = vector.broadcast %mul3A_543 : i32 to vector<16xi32>
        %mul3A_545 = arith.muli %gather3A, %mul3A_544 : vector<16xi32>
        %parallel_loop3A = arith.constant 0 : i32
        %parallel_loop3A_546 = arith.constant 16 : i32
        %parallel_loop3A_547 = arith.constant 1 : i32
        scf.for %parallel_loop3A_548 = %parallel_loop3A to %parallel_loop3A_546 step %parallel_loop3A_547  : i32 {
          %parallel_loop3A_549 = arith.constant 16 : i32
          %parallel_loop3A_550 = arith.muli %parallel_loop3A_548, %parallel_loop3A_549 : i32
          %parallel_loop3A_551 = vector.broadcast %parallel_loop3A_550 : i32 to vector<16xi32>
          %parallel_loop3A_552 = arith.addi %mul3A_545, %parallel_loop3A_551 : vector<16xi32>
          %parallel_loop3A_553 = arith.constant 16 : i32
          %parallel_loop3A_554 = arith.muli %parallel_loop3A_548, %parallel_loop3A_553 : i32
          %parallel_loop3A_555 = arith.addi %parallel_loop3A_552, %and3A_5 : vector<16xi32>
          %parallel_loop3A_556 = tpu.vector_load_idx %arg5[%parallel_loop3A_555] : memref<24320xf32, #tpu.memory_space<vmem>>[vector<16xi32>], vector<16xf32>,
          %parallel_loop3A_557 = vector.broadcast %parallel_loop3A_554 : i32 to vector<16xi32>
          %parallel_loop3A_558 = arith.addi %parallel_loop3A_557, %and3A_5 : vector<16xi32>
          tpu.vector_store_idx %arg7[%add3A_538, %parallel_loop3A_558], %parallel_loop3A_556 : memref<128x256xf32, #tpu.memory_space<vmem>>[vector<16xi32>, vector<16xi32>], vector<16xf32>,
          %parallel_loop3A_559 = arith.addi %parallel_loop3A_552, %and3A_11 : vector<16xi32>
          %parallel_loop3A_560 = tpu.vector_load_idx %arg5[%parallel_loop3A_559] : memref<24320xf32, #tpu.memory_space<vmem>>[vector<16xi32>], vector<16xf32>,
          %parallel_loop3A_561 = vector.broadcast %parallel_loop3A_554 : i32 to vector<16xi32>
          %parallel_loop3A_562 = arith.addi %parallel_loop3A_561, %and3A_11 : vector<16xi32>
          tpu.vector_store_idx %arg7[%add3A_538, %parallel_loop3A_562], %parallel_loop3A_560 : memref<128x256xf32, #tpu.memory_space<vmem>>[vector<16xi32>, vector<16xi32>], vector<16xf32>,
          %parallel_loop3A_563 = arith.addi %parallel_loop3A_552, %and3A_17 : vector<16xi32>
          %parallel_loop3A_564 = tpu.vector_load_idx %arg5[%parallel_loop3A_563] : memref<24320xf32, #tpu.memory_space<vmem>>[vector<16xi32>], vector<16xf32>,
          %parallel_loop3A_565 = vector.broadcast %parallel_loop3A_554 : i32 to vector<16xi32>
          %parallel_loop3A_566 = arith.addi %parallel_loop3A_565, %and3A_17 : vector<16xi32>
          tpu.vector_store_idx %arg7[%add3A_538, %parallel_loop3A_566], %parallel_loop3A_564 : memref<128x256xf32, #tpu.memory_space<vmem>>[vector<16xi32>, vector<16xi32>], vector<16xf32>,
          %parallel_loop3A_567 = arith.addi %parallel_loop3A_552, %and3A_23 : vector<16xi32>
          %parallel_loop3A_568 = tpu.vector_load_idx %arg5[%parallel_loop3A_567] : memref<24320xf32, #tpu.memory_space<vmem>>[vector<16xi32>], vector<16xf32>,
          %parallel_loop3A_569 = vector.broadcast %parallel_loop3A_554 : i32 to vector<16xi32>
          %parallel_loop3A_570 = arith.addi %parallel_loop3A_569, %and3A_23 : vector<16xi32>
          tpu.vector_store_idx %arg7[%add3A_538, %parallel_loop3A_570], %parallel_loop3A_568 : memref<128x256xf32, #tpu.memory_space<vmem>>[vector<16xi32>, vector<16xi32>], vector<16xf32>,
          %parallel_loop3A_571 = arith.addi %parallel_loop3A_552, %and3A_29 : vector<16xi32>
          %parallel_loop3A_572 = tpu.vector_load_idx %arg5[%parallel_loop3A_571] : memref<24320xf32, #tpu.memory_space<vmem>>[vector<16xi32>], vector<16xf32>,
          %parallel_loop3A_573 = vector.broadcast %parallel_loop3A_554 : i32 to vector<16xi32>
          %parallel_loop3A_574 = arith.addi %parallel_loop3A_573, %and3A_29 : vector<16xi32>
          tpu.vector_store_idx %arg7[%add3A_538, %parallel_loop3A_574], %parallel_loop3A_572 : memref<128x256xf32, #tpu.memory_space<vmem>>[vector<16xi32>, vector<16xi32>], vector<16xf32>,
          %parallel_loop3A_575 = arith.addi %parallel_loop3A_552, %and3A_35 : vector<16xi32>
          %parallel_loop3A_576 = tpu.vector_load_idx %arg5[%parallel_loop3A_575] : memref<24320xf32, #tpu.memory_space<vmem>>[vector<16xi32>], vector<16xf32>,
          %parallel_loop3A_577 = vector.broadcast %parallel_loop3A_554 : i32 to vector<16xi32>
          %parallel_loop3A_578 = arith.addi %parallel_loop3A_577, %and3A_35 : vector<16xi32>
          tpu.vector_store_idx %arg7[%add3A_538, %parallel_loop3A_578], %parallel_loop3A_576 : memref<128x256xf32, #tpu.memory_space<vmem>>[vector<16xi32>, vector<16xi32>], vector<16xf32>,
          %parallel_loop3A_579 = arith.addi %parallel_loop3A_552, %and3A_41 : vector<16xi32>
          %parallel_loop3A_580 = tpu.vector_load_idx %arg5[%parallel_loop3A_579] : memref<24320xf32, #tpu.memory_space<vmem>>[vector<16xi32>], vector<16xf32>,
          %parallel_loop3A_581 = vector.broadcast %parallel_loop3A_554 : i32 to vector<16xi32>
          %parallel_loop3A_582 = arith.addi %parallel_loop3A_581, %and3A_41 : vector<16xi32>
          tpu.vector_store_idx %arg7[%add3A_538, %parallel_loop3A_582], %parallel_loop3A_580 : memref<128x256xf32, #tpu.memory_space<vmem>>[vector<16xi32>, vector<16xi32>], vector<16xf32>,
          %parallel_loop3A_583 = arith.addi %parallel_loop3A_552, %and3A_47 : vector<16xi32>
          %parallel_loop3A_584 = tpu.vector_load_idx %arg5[%parallel_loop3A_583] : memref<24320xf32, #tpu.memory_space<vmem>>[vector<16xi32>], vector<16xf32>,
          %parallel_loop3A_585 = vector.broadcast %parallel_loop3A_554 : i32 to vector<16xi32>
          %parallel_loop3A_586 = arith.addi %parallel_loop3A_585, %and3A_47 : vector<16xi32>
          tpu.vector_store_idx %arg7[%add3A_538, %parallel_loop3A_586], %parallel_loop3A_584 : memref<128x256xf32, #tpu.memory_space<vmem>>[vector<16xi32>, vector<16xi32>], vector<16xf32>,
          %parallel_loop3A_587 = arith.addi %parallel_loop3A_552, %and3A_53 : vector<16xi32>
          %parallel_loop3A_588 = tpu.vector_load_idx %arg5[%parallel_loop3A_587] : memref<24320xf32, #tpu.memory_space<vmem>>[vector<16xi32>], vector<16xf32>,
          %parallel_loop3A_589 = vector.broadcast %parallel_loop3A_554 : i32 to vector<16xi32>
          %parallel_loop3A_590 = arith.addi %parallel_loop3A_589, %and3A_53 : vector<16xi32>
          tpu.vector_store_idx %arg7[%add3A_538, %parallel_loop3A_590], %parallel_loop3A_588 : memref<128x256xf32, #tpu.memory_space<vmem>>[vector<16xi32>, vector<16xi32>], vector<16xf32>,
          %parallel_loop3A_591 = arith.addi %parallel_loop3A_552, %and3A_59 : vector<16xi32>
          %parallel_loop3A_592 = tpu.vector_load_idx %arg5[%parallel_loop3A_591] : memref<24320xf32, #tpu.memory_space<vmem>>[vector<16xi32>], vector<16xf32>,
          %parallel_loop3A_593 = vector.broadcast %parallel_loop3A_554 : i32 to vector<16xi32>
          %parallel_loop3A_594 = arith.addi %parallel_loop3A_593, %and3A_59 : vector<16xi32>
          tpu.vector_store_idx %arg7[%add3A_538, %parallel_loop3A_594], %parallel_loop3A_592 : memref<128x256xf32, #tpu.memory_space<vmem>>[vector<16xi32>, vector<16xi32>], vector<16xf32>,
          %parallel_loop3A_595 = arith.addi %parallel_loop3A_552, %and3A_65 : vector<16xi32>
          %parallel_loop3A_596 = tpu.vector_load_idx %arg5[%parallel_loop3A_595] : memref<24320xf32, #tpu.memory_space<vmem>>[vector<16xi32>], vector<16xf32>,
          %parallel_loop3A_597 = vector.broadcast %parallel_loop3A_554 : i32 to vector<16xi32>
          %parallel_loop3A_598 = arith.addi %parallel_loop3A_597, %and3A_65 : vector<16xi32>
          tpu.vector_store_idx %arg7[%add3A_538, %parallel_loop3A_598], %parallel_loop3A_596 : memref<128x256xf32, #tpu.memory_space<vmem>>[vector<16xi32>, vector<16xi32>], vector<16xf32>,
          %parallel_loop3A_599 = arith.addi %parallel_loop3A_552, %and3A_71 : vector<16xi32>
          %parallel_loop3A_600 = tpu.vector_load_idx %arg5[%parallel_loop3A_599] : memref<24320xf32, #tpu.memory_space<vmem>>[vector<16xi32>], vector<16xf32>,
          %parallel_loop3A_601 = vector.broadcast %parallel_loop3A_554 : i32 to vector<16xi32>
          %parallel_loop3A_602 = arith.addi %parallel_loop3A_601, %and3A_71 : vector<16xi32>
          tpu.vector_store_idx %arg7[%add3A_538, %parallel_loop3A_602], %parallel_loop3A_600 : memref<128x256xf32, #tpu.memory_space<vmem>>[vector<16xi32>, vector<16xi32>], vector<16xf32>,
          %parallel_loop3A_603 = arith.addi %parallel_loop3A_552, %and3A_77 : vector<16xi32>
          %parallel_loop3A_604 = tpu.vector_load_idx %arg5[%parallel_loop3A_603] : memref<24320xf32, #tpu.memory_space<vmem>>[vector<16xi32>], vector<16xf32>,
          %parallel_loop3A_605 = vector.broadcast %parallel_loop3A_554 : i32 to vector<16xi32>
          %parallel_loop3A_606 = arith.addi %parallel_loop3A_605, %and3A_77 : vector<16xi32>
          tpu.vector_store_idx %arg7[%add3A_538, %parallel_loop3A_606], %parallel_loop3A_604 : memref<128x256xf32, #tpu.memory_space<vmem>>[vector<16xi32>, vector<16xi32>], vector<16xf32>,
          %parallel_loop3A_607 = arith.addi %parallel_loop3A_552, %and3A_83 : vector<16xi32>
          %parallel_loop3A_608 = tpu.vector_load_idx %arg5[%parallel_loop3A_607] : memref<24320xf32, #tpu.memory_space<vmem>>[vector<16xi32>], vector<16xf32>,
          %parallel_loop3A_609 = vector.broadcast %parallel_loop3A_554 : i32 to vector<16xi32>
          %parallel_loop3A_610 = arith.addi %parallel_loop3A_609, %and3A_83 : vector<16xi32>
          tpu.vector_store_idx %arg7[%add3A_538, %parallel_loop3A_610], %parallel_loop3A_608 : memref<128x256xf32, #tpu.memory_space<vmem>>[vector<16xi32>, vector<16xi32>], vector<16xf32>,
          %parallel_loop3A_611 = arith.addi %parallel_loop3A_552, %and3A_89 : vector<16xi32>
          %parallel_loop3A_612 = tpu.vector_load_idx %arg5[%parallel_loop3A_611] : memref<24320xf32, #tpu.memory_space<vmem>>[vector<16xi32>], vector<16xf32>,
          %parallel_loop3A_613 = vector.broadcast %parallel_loop3A_554 : i32 to vector<16xi32>
          %parallel_loop3A_614 = arith.addi %parallel_loop3A_613, %and3A_89 : vector<16xi32>
          tpu.vector_store_idx %arg7[%add3A_538, %parallel_loop3A_614], %parallel_loop3A_612 : memref<128x256xf32, #tpu.memory_space<vmem>>[vector<16xi32>, vector<16xi32>], vector<16xf32>,
          %parallel_loop3A_615 = arith.addi %parallel_loop3A_552, %and3A_95 : vector<16xi32>
          %parallel_loop3A_616 = tpu.vector_load_idx %arg5[%parallel_loop3A_615] : memref<24320xf32, #tpu.memory_space<vmem>>[vector<16xi32>], vector<16xf32>,
          %parallel_loop3A_617 = vector.broadcast %parallel_loop3A_554 : i32 to vector<16xi32>
          %parallel_loop3A_618 = arith.addi %parallel_loop3A_617, %and3A_95 : vector<16xi32>
          tpu.vector_store_idx %arg7[%add3A_538, %parallel_loop3A_618], %parallel_loop3A_616 : memref<128x256xf32, #tpu.memory_space<vmem>>[vector<16xi32>, vector<16xi32>], vector<16xf32>,
        } {sc.loop_unroll_factor = 4 : i64, sc.parallel_access}
      }
      %scan3A_470 = arith.constant 8 : i32
      %mul3A_471 = arith.constant 32 : i32
      %mul3A_472 = arith.muli %mul3A_471, %add3A_462 : i32
      %add3A_473 = arith.addi %add3A, %mul3A_472 : i32
      %mul3A_474 = arith.constant 128 : i32
      %mul3A_475 = arith.muli %add3A_473, %mul3A_474 : i32
      %min3A_476 = arith.constant 99872 : i32
      %min3A_477 = arith.minsi %mul3A_475, %min3A_476 : i32
      %dma_start3A_478 = arith.constant 0 : i32
      %dma_start3A_479 = tpu.memref_slice %arg4[%min3A_477, %dma_start3A_478] : memref<100000x256xf32, #tpu.memory_space<hbm>> -> memref<128x256xf32, #tpu.memory_space<hbm>>
      %dma_start3A_480 = arith.constant 0 : i32
      %dma_start3A_481 = tpu.memref_slice %arg4[%min3A_477, %dma_start3A_480] : memref<100000x256xf32, #tpu.memory_space<hbm>> -> memref<128x256xf32, #tpu.memory_space<hbm>>
      tpu.enqueue_dma source(%arg7 : memref<128x256xf32, #tpu.memory_space<vmem>>) target(%dma_start3A_481 : memref<128x256xf32, #tpu.memory_space<hbm>>) target_semaphore(%arg10 : memref<!tpu.dma_semaphore, #tpu.memory_space<semaphore_mem>>)
      %mul3A_482 = arith.constant 3 : i32
      %mul3A_483 = arith.muli %mul3A_482, %scan3A_458 : i32
      %add3A_484 = arith.constant 1 : i32
      %add3A_485 = arith.addi %mul3A_483, %add3A_484 : i32
      %gt3A_486 = arith.constant 0 : i32
      %gt3A_487 = arith.cmpi sgt, %scan3A_458, %gt3A_486 : i32
      %convert_element_type3A_488 = arith.extui %gt3A_487 : i1 to i32
      %cond3A_489 = arith.constant 0 : i32
      %cond3A_490 = arith.cmpi ne, %convert_element_type3A_488, %cond3A_489 : i32
      scf.if %cond3A_490 {
        %sub3A = arith.constant 3 : i32
        %sub3A_534 = arith.subi %add3A_485, %sub3A : i32
        %mul3A_535 = arith.constant 32 : i32
        %mul3A_536 = arith.muli %mul3A_535, %sub3A_534 : i32
        %add3A_537 = arith.addi %add3A, %mul3A_536 : i32
        %mul3A_538 = arith.constant 128 : i32
        %mul3A_539 = arith.muli %add3A_537, %mul3A_538 : i32
        %min3A_540 = arith.constant 99872 : i32
        %min3A_541 = arith.minsi %mul3A_539, %min3A_540 : i32
        %dma_wait3A_542 = arith.constant 0 : i32
        %dma_wait3A_543 = tpu.memref_slice %arg4[%min3A_541, %dma_wait3A_542] : memref<100000x256xf32, #tpu.memory_space<hbm>> -> memref<128x256xf32, #tpu.memory_space<hbm>>
        %dma_wait3A_544 = arith.constant 0 : i32
        %dma_wait3A_545 = tpu.memref_slice %arg4[%min3A_541, %dma_wait3A_544] : memref<100000x256xf32, #tpu.memory_space<hbm>> -> memref<128x256xf32, #tpu.memory_space<hbm>>
        tpu.wait_dma2 semaphore(%arg11 : memref<!tpu.dma_semaphore, #tpu.memory_space<semaphore_mem>>) src(%arg8 : memref<128x256xf32, #tpu.memory_space<vmem>>) dst(%dma_wait3A_545 : memref<128x256xf32, #tpu.memory_space<hbm>>)
      } else {
      }
      %scan3A_491 = arith.constant 0 : i32
      %scan3A_492 = arith.constant 0 : i32
      %scan3A_493 = arith.constant 8 : i32
      %scan3A_494 = arith.addi %scan3A_492, %scan3A_493 : i32
      %scan3A_495 = arith.constant 1 : i32
      scf.for %scan3A_534 = %scan3A_492 to %scan3A_494 step %scan3A_495  : i32 {
        %mul3A_535 = arith.constant 16 : i32
        %mul3A_536 = arith.muli %scan3A_534, %mul3A_535 : i32
        %add3A_537 = vector.broadcast %mul3A_536 : i32 to vector<16xi32>
        %add3A_538 = arith.addi %add3A_537, %iota3A : vector<16xi32>
        %mul3A_539 = arith.constant 128 : i32
        %mul3A_540 = arith.muli %add3A_485, %mul3A_539 : i32
        %add3A_541 = vector.broadcast %mul3A_540 : i32 to vector<16xi32>
        %add3A_542 = arith.addi %add3A_541, %add3A_538 : vector<16xi32>
        %gather3A = tpu.vector_load_idx %arg6[%add3A_542] : memref<3200xi32, #tpu.memory_space<vmem>>[vector<16xi32>], vector<16xi32>,
        %mul3A_543 = arith.constant 256 : i32
        %mul3A_544 = vector.broadcast %mul3A_543 : i32 to vector<16xi32>
        %mul3A_545 = arith.muli %gather3A, %mul3A_544 : vector<16xi32>
        %parallel_loop3A = arith.constant 0 : i32
        %parallel_loop3A_546 = arith.constant 16 : i32
        %parallel_loop3A_547 = arith.constant 1 : i32
        scf.for %parallel_loop3A_548 = %parallel_loop3A to %parallel_loop3A_546 step %parallel_loop3A_547  : i32 {
          %parallel_loop3A_549 = arith.constant 16 : i32
          %parallel_loop3A_550 = arith.muli %parallel_loop3A_548, %parallel_loop3A_549 : i32
          %parallel_loop3A_551 = vector.broadcast %parallel_loop3A_550 : i32 to vector<16xi32>
          %parallel_loop3A_552 = arith.addi %mul3A_545, %parallel_loop3A_551 : vector<16xi32>
          %parallel_loop3A_553 = arith.constant 16 : i32
          %parallel_loop3A_554 = arith.muli %parallel_loop3A_548, %parallel_loop3A_553 : i32
          %parallel_loop3A_555 = arith.addi %parallel_loop3A_552, %and3A_5 : vector<16xi32>
          %parallel_loop3A_556 = tpu.vector_load_idx %arg5[%parallel_loop3A_555] : memref<24320xf32, #tpu.memory_space<vmem>>[vector<16xi32>], vector<16xf32>,
          %parallel_loop3A_557 = vector.broadcast %parallel_loop3A_554 : i32 to vector<16xi32>
          %parallel_loop3A_558 = arith.addi %parallel_loop3A_557, %and3A_5 : vector<16xi32>
          tpu.vector_store_idx %arg8[%add3A_538, %parallel_loop3A_558], %parallel_loop3A_556 : memref<128x256xf32, #tpu.memory_space<vmem>>[vector<16xi32>, vector<16xi32>], vector<16xf32>,
          %parallel_loop3A_559 = arith.addi %parallel_loop3A_552, %and3A_11 : vector<16xi32>
          %parallel_loop3A_560 = tpu.vector_load_idx %arg5[%parallel_loop3A_559] : memref<24320xf32, #tpu.memory_space<vmem>>[vector<16xi32>], vector<16xf32>,
          %parallel_loop3A_561 = vector.broadcast %parallel_loop3A_554 : i32 to vector<16xi32>
          %parallel_loop3A_562 = arith.addi %parallel_loop3A_561, %and3A_11 : vector<16xi32>
          tpu.vector_store_idx %arg8[%add3A_538, %parallel_loop3A_562], %parallel_loop3A_560 : memref<128x256xf32, #tpu.memory_space<vmem>>[vector<16xi32>, vector<16xi32>], vector<16xf32>,
          %parallel_loop3A_563 = arith.addi %parallel_loop3A_552, %and3A_17 : vector<16xi32>
          %parallel_loop3A_564 = tpu.vector_load_idx %arg5[%parallel_loop3A_563] : memref<24320xf32, #tpu.memory_space<vmem>>[vector<16xi32>], vector<16xf32>,
          %parallel_loop3A_565 = vector.broadcast %parallel_loop3A_554 : i32 to vector<16xi32>
          %parallel_loop3A_566 = arith.addi %parallel_loop3A_565, %and3A_17 : vector<16xi32>
          tpu.vector_store_idx %arg8[%add3A_538, %parallel_loop3A_566], %parallel_loop3A_564 : memref<128x256xf32, #tpu.memory_space<vmem>>[vector<16xi32>, vector<16xi32>], vector<16xf32>,
          %parallel_loop3A_567 = arith.addi %parallel_loop3A_552, %and3A_23 : vector<16xi32>
          %parallel_loop3A_568 = tpu.vector_load_idx %arg5[%parallel_loop3A_567] : memref<24320xf32, #tpu.memory_space<vmem>>[vector<16xi32>], vector<16xf32>,
          %parallel_loop3A_569 = vector.broadcast %parallel_loop3A_554 : i32 to vector<16xi32>
          %parallel_loop3A_570 = arith.addi %parallel_loop3A_569, %and3A_23 : vector<16xi32>
          tpu.vector_store_idx %arg8[%add3A_538, %parallel_loop3A_570], %parallel_loop3A_568 : memref<128x256xf32, #tpu.memory_space<vmem>>[vector<16xi32>, vector<16xi32>], vector<16xf32>,
          %parallel_loop3A_571 = arith.addi %parallel_loop3A_552, %and3A_29 : vector<16xi32>
          %parallel_loop3A_572 = tpu.vector_load_idx %arg5[%parallel_loop3A_571] : memref<24320xf32, #tpu.memory_space<vmem>>[vector<16xi32>], vector<16xf32>,
          %parallel_loop3A_573 = vector.broadcast %parallel_loop3A_554 : i32 to vector<16xi32>
          %parallel_loop3A_574 = arith.addi %parallel_loop3A_573, %and3A_29 : vector<16xi32>
          tpu.vector_store_idx %arg8[%add3A_538, %parallel_loop3A_574], %parallel_loop3A_572 : memref<128x256xf32, #tpu.memory_space<vmem>>[vector<16xi32>, vector<16xi32>], vector<16xf32>,
          %parallel_loop3A_575 = arith.addi %parallel_loop3A_552, %and3A_35 : vector<16xi32>
          %parallel_loop3A_576 = tpu.vector_load_idx %arg5[%parallel_loop3A_575] : memref<24320xf32, #tpu.memory_space<vmem>>[vector<16xi32>], vector<16xf32>,
          %parallel_loop3A_577 = vector.broadcast %parallel_loop3A_554 : i32 to vector<16xi32>
          %parallel_loop3A_578 = arith.addi %parallel_loop3A_577, %and3A_35 : vector<16xi32>
          tpu.vector_store_idx %arg8[%add3A_538, %parallel_loop3A_578], %parallel_loop3A_576 : memref<128x256xf32, #tpu.memory_space<vmem>>[vector<16xi32>, vector<16xi32>], vector<16xf32>,
          %parallel_loop3A_579 = arith.addi %parallel_loop3A_552, %and3A_41 : vector<16xi32>
          %parallel_loop3A_580 = tpu.vector_load_idx %arg5[%parallel_loop3A_579] : memref<24320xf32, #tpu.memory_space<vmem>>[vector<16xi32>], vector<16xf32>,
          %parallel_loop3A_581 = vector.broadcast %parallel_loop3A_554 : i32 to vector<16xi32>
          %parallel_loop3A_582 = arith.addi %parallel_loop3A_581, %and3A_41 : vector<16xi32>
          tpu.vector_store_idx %arg8[%add3A_538, %parallel_loop3A_582], %parallel_loop3A_580 : memref<128x256xf32, #tpu.memory_space<vmem>>[vector<16xi32>, vector<16xi32>], vector<16xf32>,
          %parallel_loop3A_583 = arith.addi %parallel_loop3A_552, %and3A_47 : vector<16xi32>
          %parallel_loop3A_584 = tpu.vector_load_idx %arg5[%parallel_loop3A_583] : memref<24320xf32, #tpu.memory_space<vmem>>[vector<16xi32>], vector<16xf32>,
          %parallel_loop3A_585 = vector.broadcast %parallel_loop3A_554 : i32 to vector<16xi32>
          %parallel_loop3A_586 = arith.addi %parallel_loop3A_585, %and3A_47 : vector<16xi32>
          tpu.vector_store_idx %arg8[%add3A_538, %parallel_loop3A_586], %parallel_loop3A_584 : memref<128x256xf32, #tpu.memory_space<vmem>>[vector<16xi32>, vector<16xi32>], vector<16xf32>,
          %parallel_loop3A_587 = arith.addi %parallel_loop3A_552, %and3A_53 : vector<16xi32>
          %parallel_loop3A_588 = tpu.vector_load_idx %arg5[%parallel_loop3A_587] : memref<24320xf32, #tpu.memory_space<vmem>>[vector<16xi32>], vector<16xf32>,
          %parallel_loop3A_589 = vector.broadcast %parallel_loop3A_554 : i32 to vector<16xi32>
          %parallel_loop3A_590 = arith.addi %parallel_loop3A_589, %and3A_53 : vector<16xi32>
          tpu.vector_store_idx %arg8[%add3A_538, %parallel_loop3A_590], %parallel_loop3A_588 : memref<128x256xf32, #tpu.memory_space<vmem>>[vector<16xi32>, vector<16xi32>], vector<16xf32>,
          %parallel_loop3A_591 = arith.addi %parallel_loop3A_552, %and3A_59 : vector<16xi32>
          %parallel_loop3A_592 = tpu.vector_load_idx %arg5[%parallel_loop3A_591] : memref<24320xf32, #tpu.memory_space<vmem>>[vector<16xi32>], vector<16xf32>,
          %parallel_loop3A_593 = vector.broadcast %parallel_loop3A_554 : i32 to vector<16xi32>
          %parallel_loop3A_594 = arith.addi %parallel_loop3A_593, %and3A_59 : vector<16xi32>
          tpu.vector_store_idx %arg8[%add3A_538, %parallel_loop3A_594], %parallel_loop3A_592 : memref<128x256xf32, #tpu.memory_space<vmem>>[vector<16xi32>, vector<16xi32>], vector<16xf32>,
          %parallel_loop3A_595 = arith.addi %parallel_loop3A_552, %and3A_65 : vector<16xi32>
          %parallel_loop3A_596 = tpu.vector_load_idx %arg5[%parallel_loop3A_595] : memref<24320xf32, #tpu.memory_space<vmem>>[vector<16xi32>], vector<16xf32>,
          %parallel_loop3A_597 = vector.broadcast %parallel_loop3A_554 : i32 to vector<16xi32>
          %parallel_loop3A_598 = arith.addi %parallel_loop3A_597, %and3A_65 : vector<16xi32>
          tpu.vector_store_idx %arg8[%add3A_538, %parallel_loop3A_598], %parallel_loop3A_596 : memref<128x256xf32, #tpu.memory_space<vmem>>[vector<16xi32>, vector<16xi32>], vector<16xf32>,
          %parallel_loop3A_599 = arith.addi %parallel_loop3A_552, %and3A_71 : vector<16xi32>
          %parallel_loop3A_600 = tpu.vector_load_idx %arg5[%parallel_loop3A_599] : memref<24320xf32, #tpu.memory_space<vmem>>[vector<16xi32>], vector<16xf32>,
          %parallel_loop3A_601 = vector.broadcast %parallel_loop3A_554 : i32 to vector<16xi32>
          %parallel_loop3A_602 = arith.addi %parallel_loop3A_601, %and3A_71 : vector<16xi32>
          tpu.vector_store_idx %arg8[%add3A_538, %parallel_loop3A_602], %parallel_loop3A_600 : memref<128x256xf32, #tpu.memory_space<vmem>>[vector<16xi32>, vector<16xi32>], vector<16xf32>,
          %parallel_loop3A_603 = arith.addi %parallel_loop3A_552, %and3A_77 : vector<16xi32>
          %parallel_loop3A_604 = tpu.vector_load_idx %arg5[%parallel_loop3A_603] : memref<24320xf32, #tpu.memory_space<vmem>>[vector<16xi32>], vector<16xf32>,
          %parallel_loop3A_605 = vector.broadcast %parallel_loop3A_554 : i32 to vector<16xi32>
          %parallel_loop3A_606 = arith.addi %parallel_loop3A_605, %and3A_77 : vector<16xi32>
          tpu.vector_store_idx %arg8[%add3A_538, %parallel_loop3A_606], %parallel_loop3A_604 : memref<128x256xf32, #tpu.memory_space<vmem>>[vector<16xi32>, vector<16xi32>], vector<16xf32>,
          %parallel_loop3A_607 = arith.addi %parallel_loop3A_552, %and3A_83 : vector<16xi32>
          %parallel_loop3A_608 = tpu.vector_load_idx %arg5[%parallel_loop3A_607] : memref<24320xf32, #tpu.memory_space<vmem>>[vector<16xi32>], vector<16xf32>,
          %parallel_loop3A_609 = vector.broadcast %parallel_loop3A_554 : i32 to vector<16xi32>
          %parallel_loop3A_610 = arith.addi %parallel_loop3A_609, %and3A_83 : vector<16xi32>
          tpu.vector_store_idx %arg8[%add3A_538, %parallel_loop3A_610], %parallel_loop3A_608 : memref<128x256xf32, #tpu.memory_space<vmem>>[vector<16xi32>, vector<16xi32>], vector<16xf32>,
          %parallel_loop3A_611 = arith.addi %parallel_loop3A_552, %and3A_89 : vector<16xi32>
          %parallel_loop3A_612 = tpu.vector_load_idx %arg5[%parallel_loop3A_611] : memref<24320xf32, #tpu.memory_space<vmem>>[vector<16xi32>], vector<16xf32>,
          %parallel_loop3A_613 = vector.broadcast %parallel_loop3A_554 : i32 to vector<16xi32>
          %parallel_loop3A_614 = arith.addi %parallel_loop3A_613, %and3A_89 : vector<16xi32>
          tpu.vector_store_idx %arg8[%add3A_538, %parallel_loop3A_614], %parallel_loop3A_612 : memref<128x256xf32, #tpu.memory_space<vmem>>[vector<16xi32>, vector<16xi32>], vector<16xf32>,
          %parallel_loop3A_615 = arith.addi %parallel_loop3A_552, %and3A_95 : vector<16xi32>
          %parallel_loop3A_616 = tpu.vector_load_idx %arg5[%parallel_loop3A_615] : memref<24320xf32, #tpu.memory_space<vmem>>[vector<16xi32>], vector<16xf32>,
          %parallel_loop3A_617 = vector.broadcast %parallel_loop3A_554 : i32 to vector<16xi32>
          %parallel_loop3A_618 = arith.addi %parallel_loop3A_617, %and3A_95 : vector<16xi32>
          tpu.vector_store_idx %arg8[%add3A_538, %parallel_loop3A_618], %parallel_loop3A_616 : memref<128x256xf32, #tpu.memory_space<vmem>>[vector<16xi32>, vector<16xi32>], vector<16xf32>,
        } {sc.loop_unroll_factor = 4 : i64, sc.parallel_access}
      }
      %scan3A_496 = arith.constant 8 : i32
      %mul3A_497 = arith.constant 32 : i32
      %mul3A_498 = arith.muli %mul3A_497, %add3A_485 : i32
      %add3A_499 = arith.addi %add3A, %mul3A_498 : i32
      %mul3A_500 = arith.constant 128 : i32
      %mul3A_501 = arith.muli %add3A_499, %mul3A_500 : i32
      %min3A_502 = arith.constant 99872 : i32
      %min3A_503 = arith.minsi %mul3A_501, %min3A_502 : i32
      %dma_start3A_504 = arith.constant 0 : i32
      %dma_start3A_505 = tpu.memref_slice %arg4[%min3A_503, %dma_start3A_504] : memref<100000x256xf32, #tpu.memory_space<hbm>> -> memref<128x256xf32, #tpu.memory_space<hbm>>
      %dma_start3A_506 = arith.constant 0 : i32
      %dma_start3A_507 = tpu.memref_slice %arg4[%min3A_503, %dma_start3A_506] : memref<100000x256xf32, #tpu.memory_space<hbm>> -> memref<128x256xf32, #tpu.memory_space<hbm>>
      tpu.enqueue_dma source(%arg8 : memref<128x256xf32, #tpu.memory_space<vmem>>) target(%dma_start3A_507 : memref<128x256xf32, #tpu.memory_space<hbm>>) target_semaphore(%arg11 : memref<!tpu.dma_semaphore, #tpu.memory_space<semaphore_mem>>)
      %mul3A_508 = arith.constant 3 : i32
      %mul3A_509 = arith.muli %mul3A_508, %scan3A_458 : i32
      %add3A_510 = arith.constant 2 : i32
      %add3A_511 = arith.addi %mul3A_509, %add3A_510 : i32
      %gt3A_512 = arith.constant 0 : i32
      %gt3A_513 = arith.cmpi sgt, %scan3A_458, %gt3A_512 : i32
      %convert_element_type3A_514 = arith.extui %gt3A_513 : i1 to i32
      %cond3A_515 = arith.constant 0 : i32
      %cond3A_516 = arith.cmpi ne, %convert_element_type3A_514, %cond3A_515 : i32
      scf.if %cond3A_516 {
        %sub3A = arith.constant 3 : i32
        %sub3A_534 = arith.subi %add3A_511, %sub3A : i32
        %mul3A_535 = arith.constant 32 : i32
        %mul3A_536 = arith.muli %mul3A_535, %sub3A_534 : i32
        %add3A_537 = arith.addi %add3A, %mul3A_536 : i32
        %mul3A_538 = arith.constant 128 : i32
        %mul3A_539 = arith.muli %add3A_537, %mul3A_538 : i32
        %min3A_540 = arith.constant 99872 : i32
        %min3A_541 = arith.minsi %mul3A_539, %min3A_540 : i32
        %dma_wait3A_542 = arith.constant 0 : i32
        %dma_wait3A_543 = tpu.memref_slice %arg4[%min3A_541, %dma_wait3A_542] : memref<100000x256xf32, #tpu.memory_space<hbm>> -> memref<128x256xf32, #tpu.memory_space<hbm>>
        %dma_wait3A_544 = arith.constant 0 : i32
        %dma_wait3A_545 = tpu.memref_slice %arg4[%min3A_541, %dma_wait3A_544] : memref<100000x256xf32, #tpu.memory_space<hbm>> -> memref<128x256xf32, #tpu.memory_space<hbm>>
        tpu.wait_dma2 semaphore(%arg12 : memref<!tpu.dma_semaphore, #tpu.memory_space<semaphore_mem>>) src(%arg9 : memref<128x256xf32, #tpu.memory_space<vmem>>) dst(%dma_wait3A_545 : memref<128x256xf32, #tpu.memory_space<hbm>>)
      } else {
      }
      %scan3A_517 = arith.constant 0 : i32
      %scan3A_518 = arith.constant 0 : i32
      %scan3A_519 = arith.constant 8 : i32
      %scan3A_520 = arith.addi %scan3A_518, %scan3A_519 : i32
      %scan3A_521 = arith.constant 1 : i32
      scf.for %scan3A_534 = %scan3A_518 to %scan3A_520 step %scan3A_521  : i32 {
        %mul3A_535 = arith.constant 16 : i32
        %mul3A_536 = arith.muli %scan3A_534, %mul3A_535 : i32
        %add3A_537 = vector.broadcast %mul3A_536 : i32 to vector<16xi32>
        %add3A_538 = arith.addi %add3A_537, %iota3A : vector<16xi32>
        %mul3A_539 = arith.constant 128 : i32
        %mul3A_540 = arith.muli %add3A_511, %mul3A_539 : i32
        %add3A_541 = vector.broadcast %mul3A_540 : i32 to vector<16xi32>
        %add3A_542 = arith.addi %add3A_541, %add3A_538 : vector<16xi32>
        %gather3A = tpu.vector_load_idx %arg6[%add3A_542] : memref<3200xi32, #tpu.memory_space<vmem>>[vector<16xi32>], vector<16xi32>,
        %mul3A_543 = arith.constant 256 : i32
        %mul3A_544 = vector.broadcast %mul3A_543 : i32 to vector<16xi32>
        %mul3A_545 = arith.muli %gather3A, %mul3A_544 : vector<16xi32>
        %parallel_loop3A = arith.constant 0 : i32
        %parallel_loop3A_546 = arith.constant 16 : i32
        %parallel_loop3A_547 = arith.constant 1 : i32
        scf.for %parallel_loop3A_548 = %parallel_loop3A to %parallel_loop3A_546 step %parallel_loop3A_547  : i32 {
          %parallel_loop3A_549 = arith.constant 16 : i32
          %parallel_loop3A_550 = arith.muli %parallel_loop3A_548, %parallel_loop3A_549 : i32
          %parallel_loop3A_551 = vector.broadcast %parallel_loop3A_550 : i32 to vector<16xi32>
          %parallel_loop3A_552 = arith.addi %mul3A_545, %parallel_loop3A_551 : vector<16xi32>
          %parallel_loop3A_553 = arith.constant 16 : i32
          %parallel_loop3A_554 = arith.muli %parallel_loop3A_548, %parallel_loop3A_553 : i32
          %parallel_loop3A_555 = arith.addi %parallel_loop3A_552, %and3A_5 : vector<16xi32>
          %parallel_loop3A_556 = tpu.vector_load_idx %arg5[%parallel_loop3A_555] : memref<24320xf32, #tpu.memory_space<vmem>>[vector<16xi32>], vector<16xf32>,
          %parallel_loop3A_557 = vector.broadcast %parallel_loop3A_554 : i32 to vector<16xi32>
          %parallel_loop3A_558 = arith.addi %parallel_loop3A_557, %and3A_5 : vector<16xi32>
          tpu.vector_store_idx %arg9[%add3A_538, %parallel_loop3A_558], %parallel_loop3A_556 : memref<128x256xf32, #tpu.memory_space<vmem>>[vector<16xi32>, vector<16xi32>], vector<16xf32>,
          %parallel_loop3A_559 = arith.addi %parallel_loop3A_552, %and3A_11 : vector<16xi32>
          %parallel_loop3A_560 = tpu.vector_load_idx %arg5[%parallel_loop3A_559] : memref<24320xf32, #tpu.memory_space<vmem>>[vector<16xi32>], vector<16xf32>,
          %parallel_loop3A_561 = vector.broadcast %parallel_loop3A_554 : i32 to vector<16xi32>
          %parallel_loop3A_562 = arith.addi %parallel_loop3A_561, %and3A_11 : vector<16xi32>
          tpu.vector_store_idx %arg9[%add3A_538, %parallel_loop3A_562], %parallel_loop3A_560 : memref<128x256xf32, #tpu.memory_space<vmem>>[vector<16xi32>, vector<16xi32>], vector<16xf32>,
          %parallel_loop3A_563 = arith.addi %parallel_loop3A_552, %and3A_17 : vector<16xi32>
          %parallel_loop3A_564 = tpu.vector_load_idx %arg5[%parallel_loop3A_563] : memref<24320xf32, #tpu.memory_space<vmem>>[vector<16xi32>], vector<16xf32>,
          %parallel_loop3A_565 = vector.broadcast %parallel_loop3A_554 : i32 to vector<16xi32>
          %parallel_loop3A_566 = arith.addi %parallel_loop3A_565, %and3A_17 : vector<16xi32>
          tpu.vector_store_idx %arg9[%add3A_538, %parallel_loop3A_566], %parallel_loop3A_564 : memref<128x256xf32, #tpu.memory_space<vmem>>[vector<16xi32>, vector<16xi32>], vector<16xf32>,
          %parallel_loop3A_567 = arith.addi %parallel_loop3A_552, %and3A_23 : vector<16xi32>
          %parallel_loop3A_568 = tpu.vector_load_idx %arg5[%parallel_loop3A_567] : memref<24320xf32, #tpu.memory_space<vmem>>[vector<16xi32>], vector<16xf32>,
          %parallel_loop3A_569 = vector.broadcast %parallel_loop3A_554 : i32 to vector<16xi32>
          %parallel_loop3A_570 = arith.addi %parallel_loop3A_569, %and3A_23 : vector<16xi32>
          tpu.vector_store_idx %arg9[%add3A_538, %parallel_loop3A_570], %parallel_loop3A_568 : memref<128x256xf32, #tpu.memory_space<vmem>>[vector<16xi32>, vector<16xi32>], vector<16xf32>,
          %parallel_loop3A_571 = arith.addi %parallel_loop3A_552, %and3A_29 : vector<16xi32>
          %parallel_loop3A_572 = tpu.vector_load_idx %arg5[%parallel_loop3A_571] : memref<24320xf32, #tpu.memory_space<vmem>>[vector<16xi32>], vector<16xf32>,
          %parallel_loop3A_573 = vector.broadcast %parallel_loop3A_554 : i32 to vector<16xi32>
          %parallel_loop3A_574 = arith.addi %parallel_loop3A_573, %and3A_29 : vector<16xi32>
          tpu.vector_store_idx %arg9[%add3A_538, %parallel_loop3A_574], %parallel_loop3A_572 : memref<128x256xf32, #tpu.memory_space<vmem>>[vector<16xi32>, vector<16xi32>], vector<16xf32>,
          %parallel_loop3A_575 = arith.addi %parallel_loop3A_552, %and3A_35 : vector<16xi32>
          %parallel_loop3A_576 = tpu.vector_load_idx %arg5[%parallel_loop3A_575] : memref<24320xf32, #tpu.memory_space<vmem>>[vector<16xi32>], vector<16xf32>,
          %parallel_loop3A_577 = vector.broadcast %parallel_loop3A_554 : i32 to vector<16xi32>
          %parallel_loop3A_578 = arith.addi %parallel_loop3A_577, %and3A_35 : vector<16xi32>
          tpu.vector_store_idx %arg9[%add3A_538, %parallel_loop3A_578], %parallel_loop3A_576 : memref<128x256xf32, #tpu.memory_space<vmem>>[vector<16xi32>, vector<16xi32>], vector<16xf32>,
          %parallel_loop3A_579 = arith.addi %parallel_loop3A_552, %and3A_41 : vector<16xi32>
          %parallel_loop3A_580 = tpu.vector_load_idx %arg5[%parallel_loop3A_579] : memref<24320xf32, #tpu.memory_space<vmem>>[vector<16xi32>], vector<16xf32>,
          %parallel_loop3A_581 = vector.broadcast %parallel_loop3A_554 : i32 to vector<16xi32>
          %parallel_loop3A_582 = arith.addi %parallel_loop3A_581, %and3A_41 : vector<16xi32>
          tpu.vector_store_idx %arg9[%add3A_538, %parallel_loop3A_582], %parallel_loop3A_580 : memref<128x256xf32, #tpu.memory_space<vmem>>[vector<16xi32>, vector<16xi32>], vector<16xf32>,
          %parallel_loop3A_583 = arith.addi %parallel_loop3A_552, %and3A_47 : vector<16xi32>
          %parallel_loop3A_584 = tpu.vector_load_idx %arg5[%parallel_loop3A_583] : memref<24320xf32, #tpu.memory_space<vmem>>[vector<16xi32>], vector<16xf32>,
          %parallel_loop3A_585 = vector.broadcast %parallel_loop3A_554 : i32 to vector<16xi32>
          %parallel_loop3A_586 = arith.addi %parallel_loop3A_585, %and3A_47 : vector<16xi32>
          tpu.vector_store_idx %arg9[%add3A_538, %parallel_loop3A_586], %parallel_loop3A_584 : memref<128x256xf32, #tpu.memory_space<vmem>>[vector<16xi32>, vector<16xi32>], vector<16xf32>,
          %parallel_loop3A_587 = arith.addi %parallel_loop3A_552, %and3A_53 : vector<16xi32>
          %parallel_loop3A_588 = tpu.vector_load_idx %arg5[%parallel_loop3A_587] : memref<24320xf32, #tpu.memory_space<vmem>>[vector<16xi32>], vector<16xf32>,
          %parallel_loop3A_589 = vector.broadcast %parallel_loop3A_554 : i32 to vector<16xi32>
          %parallel_loop3A_590 = arith.addi %parallel_loop3A_589, %and3A_53 : vector<16xi32>
          tpu.vector_store_idx %arg9[%add3A_538, %parallel_loop3A_590], %parallel_loop3A_588 : memref<128x256xf32, #tpu.memory_space<vmem>>[vector<16xi32>, vector<16xi32>], vector<16xf32>,
          %parallel_loop3A_591 = arith.addi %parallel_loop3A_552, %and3A_59 : vector<16xi32>
          %parallel_loop3A_592 = tpu.vector_load_idx %arg5[%parallel_loop3A_591] : memref<24320xf32, #tpu.memory_space<vmem>>[vector<16xi32>], vector<16xf32>,
          %parallel_loop3A_593 = vector.broadcast %parallel_loop3A_554 : i32 to vector<16xi32>
          %parallel_loop3A_594 = arith.addi %parallel_loop3A_593, %and3A_59 : vector<16xi32>
          tpu.vector_store_idx %arg9[%add3A_538, %parallel_loop3A_594], %parallel_loop3A_592 : memref<128x256xf32, #tpu.memory_space<vmem>>[vector<16xi32>, vector<16xi32>], vector<16xf32>,
          %parallel_loop3A_595 = arith.addi %parallel_loop3A_552, %and3A_65 : vector<16xi32>
          %parallel_loop3A_596 = tpu.vector_load_idx %arg5[%parallel_loop3A_595] : memref<24320xf32, #tpu.memory_space<vmem>>[vector<16xi32>], vector<16xf32>,
          %parallel_loop3A_597 = vector.broadcast %parallel_loop3A_554 : i32 to vector<16xi32>
          %parallel_loop3A_598 = arith.addi %parallel_loop3A_597, %and3A_65 : vector<16xi32>
          tpu.vector_store_idx %arg9[%add3A_538, %parallel_loop3A_598], %parallel_loop3A_596 : memref<128x256xf32, #tpu.memory_space<vmem>>[vector<16xi32>, vector<16xi32>], vector<16xf32>,
          %parallel_loop3A_599 = arith.addi %parallel_loop3A_552, %and3A_71 : vector<16xi32>
          %parallel_loop3A_600 = tpu.vector_load_idx %arg5[%parallel_loop3A_599] : memref<24320xf32, #tpu.memory_space<vmem>>[vector<16xi32>], vector<16xf32>,
          %parallel_loop3A_601 = vector.broadcast %parallel_loop3A_554 : i32 to vector<16xi32>
          %parallel_loop3A_602 = arith.addi %parallel_loop3A_601, %and3A_71 : vector<16xi32>
          tpu.vector_store_idx %arg9[%add3A_538, %parallel_loop3A_602], %parallel_loop3A_600 : memref<128x256xf32, #tpu.memory_space<vmem>>[vector<16xi32>, vector<16xi32>], vector<16xf32>,
          %parallel_loop3A_603 = arith.addi %parallel_loop3A_552, %and3A_77 : vector<16xi32>
          %parallel_loop3A_604 = tpu.vector_load_idx %arg5[%parallel_loop3A_603] : memref<24320xf32, #tpu.memory_space<vmem>>[vector<16xi32>], vector<16xf32>,
          %parallel_loop3A_605 = vector.broadcast %parallel_loop3A_554 : i32 to vector<16xi32>
          %parallel_loop3A_606 = arith.addi %parallel_loop3A_605, %and3A_77 : vector<16xi32>
          tpu.vector_store_idx %arg9[%add3A_538, %parallel_loop3A_606], %parallel_loop3A_604 : memref<128x256xf32, #tpu.memory_space<vmem>>[vector<16xi32>, vector<16xi32>], vector<16xf32>,
          %parallel_loop3A_607 = arith.addi %parallel_loop3A_552, %and3A_83 : vector<16xi32>
          %parallel_loop3A_608 = tpu.vector_load_idx %arg5[%parallel_loop3A_607] : memref<24320xf32, #tpu.memory_space<vmem>>[vector<16xi32>], vector<16xf32>,
          %parallel_loop3A_609 = vector.broadcast %parallel_loop3A_554 : i32 to vector<16xi32>
          %parallel_loop3A_610 = arith.addi %parallel_loop3A_609, %and3A_83 : vector<16xi32>
          tpu.vector_store_idx %arg9[%add3A_538, %parallel_loop3A_610], %parallel_loop3A_608 : memref<128x256xf32, #tpu.memory_space<vmem>>[vector<16xi32>, vector<16xi32>], vector<16xf32>,
          %parallel_loop3A_611 = arith.addi %parallel_loop3A_552, %and3A_89 : vector<16xi32>
          %parallel_loop3A_612 = tpu.vector_load_idx %arg5[%parallel_loop3A_611] : memref<24320xf32, #tpu.memory_space<vmem>>[vector<16xi32>], vector<16xf32>,
          %parallel_loop3A_613 = vector.broadcast %parallel_loop3A_554 : i32 to vector<16xi32>
          %parallel_loop3A_614 = arith.addi %parallel_loop3A_613, %and3A_89 : vector<16xi32>
          tpu.vector_store_idx %arg9[%add3A_538, %parallel_loop3A_614], %parallel_loop3A_612 : memref<128x256xf32, #tpu.memory_space<vmem>>[vector<16xi32>, vector<16xi32>], vector<16xf32>,
          %parallel_loop3A_615 = arith.addi %parallel_loop3A_552, %and3A_95 : vector<16xi32>
          %parallel_loop3A_616 = tpu.vector_load_idx %arg5[%parallel_loop3A_615] : memref<24320xf32, #tpu.memory_space<vmem>>[vector<16xi32>], vector<16xf32>,
          %parallel_loop3A_617 = vector.broadcast %parallel_loop3A_554 : i32 to vector<16xi32>
          %parallel_loop3A_618 = arith.addi %parallel_loop3A_617, %and3A_95 : vector<16xi32>
          tpu.vector_store_idx %arg9[%add3A_538, %parallel_loop3A_618], %parallel_loop3A_616 : memref<128x256xf32, #tpu.memory_space<vmem>>[vector<16xi32>, vector<16xi32>], vector<16xf32>,
        } {sc.loop_unroll_factor = 4 : i64, sc.parallel_access}
      }
      %scan3A_522 = arith.constant 8 : i32
      %mul3A_523 = arith.constant 32 : i32
      %mul3A_524 = arith.muli %mul3A_523, %add3A_511 : i32
      %add3A_525 = arith.addi %add3A, %mul3A_524 : i32
      %mul3A_526 = arith.constant 128 : i32
      %mul3A_527 = arith.muli %add3A_525, %mul3A_526 : i32
      %min3A_528 = arith.constant 99872 : i32
      %min3A_529 = arith.minsi %mul3A_527, %min3A_528 : i32
      %dma_start3A_530 = arith.constant 0 : i32
      %dma_start3A_531 = tpu.memref_slice %arg4[%min3A_529, %dma_start3A_530] : memref<100000x256xf32, #tpu.memory_space<hbm>> -> memref<128x256xf32, #tpu.memory_space<hbm>>
      %dma_start3A_532 = arith.constant 0 : i32
      %dma_start3A_533 = tpu.memref_slice %arg4[%min3A_529, %dma_start3A_532] : memref<100000x256xf32, #tpu.memory_space<hbm>> -> memref<128x256xf32, #tpu.memory_space<hbm>>
      tpu.enqueue_dma source(%arg9 : memref<128x256xf32, #tpu.memory_space<vmem>>) target(%dma_start3A_533 : memref<128x256xf32, #tpu.memory_space<hbm>>) target_semaphore(%arg12 : memref<!tpu.dma_semaphore, #tpu.memory_space<semaphore_mem>>)
    }
    %scan3A_401 = arith.constant 8 : i32
    %add3A_402 = arith.constant 672 : i32
    %add3A_403 = arith.addi %add3A, %add3A_402 : i32
    %mul3A_404 = arith.constant 128 : i32
    %mul3A_405 = arith.muli %add3A_403, %mul3A_404 : i32
    %min3A_406 = arith.constant 99872 : i32
    %min3A_407 = arith.minsi %mul3A_405, %min3A_406 : i32
    %dma_wait3A_408 = arith.constant 0 : i32
    %dma_wait3A_409 = tpu.memref_slice %arg4[%min3A_407, %dma_wait3A_408] : memref<100000x256xf32, #tpu.memory_space<hbm>> -> memref<128x256xf32, #tpu.memory_space<hbm>>
    %dma_wait3A_410 = arith.constant 0 : i32
    %dma_wait3A_411 = tpu.memref_slice %arg4[%min3A_407, %dma_wait3A_410] : memref<100000x256xf32, #tpu.memory_space<hbm>> -> memref<128x256xf32, #tpu.memory_space<hbm>>
    tpu.wait_dma2 semaphore(%arg10 : memref<!tpu.dma_semaphore, #tpu.memory_space<semaphore_mem>>) src(%arg7 : memref<128x256xf32, #tpu.memory_space<vmem>>) dst(%dma_wait3A_411 : memref<128x256xf32, #tpu.memory_space<hbm>>)
    %scan3A_412 = arith.constant 0 : i32
    %scan3A_413 = arith.constant 0 : i32
    %scan3A_414 = arith.constant 8 : i32
    %scan3A_415 = arith.addi %scan3A_413, %scan3A_414 : i32
    %scan3A_416 = arith.constant 1 : i32
    scf.for %scan3A_458 = %scan3A_413 to %scan3A_415 step %scan3A_416  : i32 {
      %mul3A_459 = arith.constant 16 : i32
      %mul3A_460 = arith.muli %scan3A_458, %mul3A_459 : i32
      %add3A_461 = vector.broadcast %mul3A_460 : i32 to vector<16xi32>
      %add3A_462 = arith.addi %add3A_461, %iota3A : vector<16xi32>
      %add3A_463 = arith.constant 3072 : i32
      %add3A_464 = vector.broadcast %add3A_463 : i32 to vector<16xi32>
      %add3A_465 = arith.addi %add3A_464, %add3A_462 : vector<16xi32>
      %gather3A = tpu.vector_load_idx %arg6[%add3A_465] : memref<3200xi32, #tpu.memory_space<vmem>>[vector<16xi32>], vector<16xi32>,
      %mul3A_466 = arith.constant 256 : i32
      %mul3A_467 = vector.broadcast %mul3A_466 : i32 to vector<16xi32>
      %mul3A_468 = arith.muli %gather3A, %mul3A_467 : vector<16xi32>
      %parallel_loop3A = arith.constant 0 : i32
      %parallel_loop3A_469 = arith.constant 16 : i32
      %parallel_loop3A_470 = arith.constant 1 : i32
      scf.for %parallel_loop3A_471 = %parallel_loop3A to %parallel_loop3A_469 step %parallel_loop3A_470  : i32 {
        %parallel_loop3A_472 = arith.constant 16 : i32
        %parallel_loop3A_473 = arith.muli %parallel_loop3A_471, %parallel_loop3A_472 : i32
        %parallel_loop3A_474 = vector.broadcast %parallel_loop3A_473 : i32 to vector<16xi32>
        %parallel_loop3A_475 = arith.addi %mul3A_468, %parallel_loop3A_474 : vector<16xi32>
        %parallel_loop3A_476 = arith.constant 16 : i32
        %parallel_loop3A_477 = arith.muli %parallel_loop3A_471, %parallel_loop3A_476 : i32
        %parallel_loop3A_478 = arith.addi %parallel_loop3A_475, %and3A_5 : vector<16xi32>
        %parallel_loop3A_479 = tpu.vector_load_idx %arg5[%parallel_loop3A_478] : memref<24320xf32, #tpu.memory_space<vmem>>[vector<16xi32>], vector<16xf32>,
        %parallel_loop3A_480 = vector.broadcast %parallel_loop3A_477 : i32 to vector<16xi32>
        %parallel_loop3A_481 = arith.addi %parallel_loop3A_480, %and3A_5 : vector<16xi32>
        tpu.vector_store_idx %arg7[%add3A_462, %parallel_loop3A_481], %parallel_loop3A_479 : memref<128x256xf32, #tpu.memory_space<vmem>>[vector<16xi32>, vector<16xi32>], vector<16xf32>,
        %parallel_loop3A_482 = arith.addi %parallel_loop3A_475, %and3A_11 : vector<16xi32>
        %parallel_loop3A_483 = tpu.vector_load_idx %arg5[%parallel_loop3A_482] : memref<24320xf32, #tpu.memory_space<vmem>>[vector<16xi32>], vector<16xf32>,
        %parallel_loop3A_484 = vector.broadcast %parallel_loop3A_477 : i32 to vector<16xi32>
        %parallel_loop3A_485 = arith.addi %parallel_loop3A_484, %and3A_11 : vector<16xi32>
        tpu.vector_store_idx %arg7[%add3A_462, %parallel_loop3A_485], %parallel_loop3A_483 : memref<128x256xf32, #tpu.memory_space<vmem>>[vector<16xi32>, vector<16xi32>], vector<16xf32>,
        %parallel_loop3A_486 = arith.addi %parallel_loop3A_475, %and3A_17 : vector<16xi32>
        %parallel_loop3A_487 = tpu.vector_load_idx %arg5[%parallel_loop3A_486] : memref<24320xf32, #tpu.memory_space<vmem>>[vector<16xi32>], vector<16xf32>,
        %parallel_loop3A_488 = vector.broadcast %parallel_loop3A_477 : i32 to vector<16xi32>
        %parallel_loop3A_489 = arith.addi %parallel_loop3A_488, %and3A_17 : vector<16xi32>
        tpu.vector_store_idx %arg7[%add3A_462, %parallel_loop3A_489], %parallel_loop3A_487 : memref<128x256xf32, #tpu.memory_space<vmem>>[vector<16xi32>, vector<16xi32>], vector<16xf32>,
        %parallel_loop3A_490 = arith.addi %parallel_loop3A_475, %and3A_23 : vector<16xi32>
        %parallel_loop3A_491 = tpu.vector_load_idx %arg5[%parallel_loop3A_490] : memref<24320xf32, #tpu.memory_space<vmem>>[vector<16xi32>], vector<16xf32>,
        %parallel_loop3A_492 = vector.broadcast %parallel_loop3A_477 : i32 to vector<16xi32>
        %parallel_loop3A_493 = arith.addi %parallel_loop3A_492, %and3A_23 : vector<16xi32>
        tpu.vector_store_idx %arg7[%add3A_462, %parallel_loop3A_493], %parallel_loop3A_491 : memref<128x256xf32, #tpu.memory_space<vmem>>[vector<16xi32>, vector<16xi32>], vector<16xf32>,
        %parallel_loop3A_494 = arith.addi %parallel_loop3A_475, %and3A_29 : vector<16xi32>
        %parallel_loop3A_495 = tpu.vector_load_idx %arg5[%parallel_loop3A_494] : memref<24320xf32, #tpu.memory_space<vmem>>[vector<16xi32>], vector<16xf32>,
        %parallel_loop3A_496 = vector.broadcast %parallel_loop3A_477 : i32 to vector<16xi32>
        %parallel_loop3A_497 = arith.addi %parallel_loop3A_496, %and3A_29 : vector<16xi32>
        tpu.vector_store_idx %arg7[%add3A_462, %parallel_loop3A_497], %parallel_loop3A_495 : memref<128x256xf32, #tpu.memory_space<vmem>>[vector<16xi32>, vector<16xi32>], vector<16xf32>,
        %parallel_loop3A_498 = arith.addi %parallel_loop3A_475, %and3A_35 : vector<16xi32>
        %parallel_loop3A_499 = tpu.vector_load_idx %arg5[%parallel_loop3A_498] : memref<24320xf32, #tpu.memory_space<vmem>>[vector<16xi32>], vector<16xf32>,
        %parallel_loop3A_500 = vector.broadcast %parallel_loop3A_477 : i32 to vector<16xi32>
        %parallel_loop3A_501 = arith.addi %parallel_loop3A_500, %and3A_35 : vector<16xi32>
        tpu.vector_store_idx %arg7[%add3A_462, %parallel_loop3A_501], %parallel_loop3A_499 : memref<128x256xf32, #tpu.memory_space<vmem>>[vector<16xi32>, vector<16xi32>], vector<16xf32>,
        %parallel_loop3A_502 = arith.addi %parallel_loop3A_475, %and3A_41 : vector<16xi32>
        %parallel_loop3A_503 = tpu.vector_load_idx %arg5[%parallel_loop3A_502] : memref<24320xf32, #tpu.memory_space<vmem>>[vector<16xi32>], vector<16xf32>,
        %parallel_loop3A_504 = vector.broadcast %parallel_loop3A_477 : i32 to vector<16xi32>
        %parallel_loop3A_505 = arith.addi %parallel_loop3A_504, %and3A_41 : vector<16xi32>
        tpu.vector_store_idx %arg7[%add3A_462, %parallel_loop3A_505], %parallel_loop3A_503 : memref<128x256xf32, #tpu.memory_space<vmem>>[vector<16xi32>, vector<16xi32>], vector<16xf32>,
        %parallel_loop3A_506 = arith.addi %parallel_loop3A_475, %and3A_47 : vector<16xi32>
        %parallel_loop3A_507 = tpu.vector_load_idx %arg5[%parallel_loop3A_506] : memref<24320xf32, #tpu.memory_space<vmem>>[vector<16xi32>], vector<16xf32>,
        %parallel_loop3A_508 = vector.broadcast %parallel_loop3A_477 : i32 to vector<16xi32>
        %parallel_loop3A_509 = arith.addi %parallel_loop3A_508, %and3A_47 : vector<16xi32>
        tpu.vector_store_idx %arg7[%add3A_462, %parallel_loop3A_509], %parallel_loop3A_507 : memref<128x256xf32, #tpu.memory_space<vmem>>[vector<16xi32>, vector<16xi32>], vector<16xf32>,
        %parallel_loop3A_510 = arith.addi %parallel_loop3A_475, %and3A_53 : vector<16xi32>
        %parallel_loop3A_511 = tpu.vector_load_idx %arg5[%parallel_loop3A_510] : memref<24320xf32, #tpu.memory_space<vmem>>[vector<16xi32>], vector<16xf32>,
        %parallel_loop3A_512 = vector.broadcast %parallel_loop3A_477 : i32 to vector<16xi32>
        %parallel_loop3A_513 = arith.addi %parallel_loop3A_512, %and3A_53 : vector<16xi32>
        tpu.vector_store_idx %arg7[%add3A_462, %parallel_loop3A_513], %parallel_loop3A_511 : memref<128x256xf32, #tpu.memory_space<vmem>>[vector<16xi32>, vector<16xi32>], vector<16xf32>,
        %parallel_loop3A_514 = arith.addi %parallel_loop3A_475, %and3A_59 : vector<16xi32>
        %parallel_loop3A_515 = tpu.vector_load_idx %arg5[%parallel_loop3A_514] : memref<24320xf32, #tpu.memory_space<vmem>>[vector<16xi32>], vector<16xf32>,
        %parallel_loop3A_516 = vector.broadcast %parallel_loop3A_477 : i32 to vector<16xi32>
        %parallel_loop3A_517 = arith.addi %parallel_loop3A_516, %and3A_59 : vector<16xi32>
        tpu.vector_store_idx %arg7[%add3A_462, %parallel_loop3A_517], %parallel_loop3A_515 : memref<128x256xf32, #tpu.memory_space<vmem>>[vector<16xi32>, vector<16xi32>], vector<16xf32>,
        %parallel_loop3A_518 = arith.addi %parallel_loop3A_475, %and3A_65 : vector<16xi32>
        %parallel_loop3A_519 = tpu.vector_load_idx %arg5[%parallel_loop3A_518] : memref<24320xf32, #tpu.memory_space<vmem>>[vector<16xi32>], vector<16xf32>,
        %parallel_loop3A_520 = vector.broadcast %parallel_loop3A_477 : i32 to vector<16xi32>
        %parallel_loop3A_521 = arith.addi %parallel_loop3A_520, %and3A_65 : vector<16xi32>
        tpu.vector_store_idx %arg7[%add3A_462, %parallel_loop3A_521], %parallel_loop3A_519 : memref<128x256xf32, #tpu.memory_space<vmem>>[vector<16xi32>, vector<16xi32>], vector<16xf32>,
        %parallel_loop3A_522 = arith.addi %parallel_loop3A_475, %and3A_71 : vector<16xi32>
        %parallel_loop3A_523 = tpu.vector_load_idx %arg5[%parallel_loop3A_522] : memref<24320xf32, #tpu.memory_space<vmem>>[vector<16xi32>], vector<16xf32>,
        %parallel_loop3A_524 = vector.broadcast %parallel_loop3A_477 : i32 to vector<16xi32>
        %parallel_loop3A_525 = arith.addi %parallel_loop3A_524, %and3A_71 : vector<16xi32>
        tpu.vector_store_idx %arg7[%add3A_462, %parallel_loop3A_525], %parallel_loop3A_523 : memref<128x256xf32, #tpu.memory_space<vmem>>[vector<16xi32>, vector<16xi32>], vector<16xf32>,
        %parallel_loop3A_526 = arith.addi %parallel_loop3A_475, %and3A_77 : vector<16xi32>
        %parallel_loop3A_527 = tpu.vector_load_idx %arg5[%parallel_loop3A_526] : memref<24320xf32, #tpu.memory_space<vmem>>[vector<16xi32>], vector<16xf32>,
        %parallel_loop3A_528 = vector.broadcast %parallel_loop3A_477 : i32 to vector<16xi32>
        %parallel_loop3A_529 = arith.addi %parallel_loop3A_528, %and3A_77 : vector<16xi32>
        tpu.vector_store_idx %arg7[%add3A_462, %parallel_loop3A_529], %parallel_loop3A_527 : memref<128x256xf32, #tpu.memory_space<vmem>>[vector<16xi32>, vector<16xi32>], vector<16xf32>,
        %parallel_loop3A_530 = arith.addi %parallel_loop3A_475, %and3A_83 : vector<16xi32>
        %parallel_loop3A_531 = tpu.vector_load_idx %arg5[%parallel_loop3A_530] : memref<24320xf32, #tpu.memory_space<vmem>>[vector<16xi32>], vector<16xf32>,
        %parallel_loop3A_532 = vector.broadcast %parallel_loop3A_477 : i32 to vector<16xi32>
        %parallel_loop3A_533 = arith.addi %parallel_loop3A_532, %and3A_83 : vector<16xi32>
        tpu.vector_store_idx %arg7[%add3A_462, %parallel_loop3A_533], %parallel_loop3A_531 : memref<128x256xf32, #tpu.memory_space<vmem>>[vector<16xi32>, vector<16xi32>], vector<16xf32>,
        %parallel_loop3A_534 = arith.addi %parallel_loop3A_475, %and3A_89 : vector<16xi32>
        %parallel_loop3A_535 = tpu.vector_load_idx %arg5[%parallel_loop3A_534] : memref<24320xf32, #tpu.memory_space<vmem>>[vector<16xi32>], vector<16xf32>,
        %parallel_loop3A_536 = vector.broadcast %parallel_loop3A_477 : i32 to vector<16xi32>
        %parallel_loop3A_537 = arith.addi %parallel_loop3A_536, %and3A_89 : vector<16xi32>
        tpu.vector_store_idx %arg7[%add3A_462, %parallel_loop3A_537], %parallel_loop3A_535 : memref<128x256xf32, #tpu.memory_space<vmem>>[vector<16xi32>, vector<16xi32>], vector<16xf32>,
        %parallel_loop3A_538 = arith.addi %parallel_loop3A_475, %and3A_95 : vector<16xi32>
        %parallel_loop3A_539 = tpu.vector_load_idx %arg5[%parallel_loop3A_538] : memref<24320xf32, #tpu.memory_space<vmem>>[vector<16xi32>], vector<16xf32>,
        %parallel_loop3A_540 = vector.broadcast %parallel_loop3A_477 : i32 to vector<16xi32>
        %parallel_loop3A_541 = arith.addi %parallel_loop3A_540, %and3A_95 : vector<16xi32>
        tpu.vector_store_idx %arg7[%add3A_462, %parallel_loop3A_541], %parallel_loop3A_539 : memref<128x256xf32, #tpu.memory_space<vmem>>[vector<16xi32>, vector<16xi32>], vector<16xf32>,
      } {sc.loop_unroll_factor = 4 : i64, sc.parallel_access}
    }
    %scan3A_417 = arith.constant 8 : i32
    %add3A_418 = arith.constant 768 : i32
    %add3A_419 = arith.addi %add3A, %add3A_418 : i32
    %mul3A_420 = arith.constant 128 : i32
    %mul3A_421 = arith.muli %add3A_419, %mul3A_420 : i32
    %min3A_422 = arith.constant 99872 : i32
    %min3A_423 = arith.minsi %mul3A_421, %min3A_422 : i32
    %dma_start3A_424 = arith.constant 0 : i32
    %dma_start3A_425 = tpu.memref_slice %arg4[%min3A_423, %dma_start3A_424] : memref<100000x256xf32, #tpu.memory_space<hbm>> -> memref<128x256xf32, #tpu.memory_space<hbm>>
    %dma_start3A_426 = arith.constant 0 : i32
    %dma_start3A_427 = tpu.memref_slice %arg4[%min3A_423, %dma_start3A_426] : memref<100000x256xf32, #tpu.memory_space<hbm>> -> memref<128x256xf32, #tpu.memory_space<hbm>>
    tpu.enqueue_dma source(%arg7 : memref<128x256xf32, #tpu.memory_space<vmem>>) target(%dma_start3A_427 : memref<128x256xf32, #tpu.memory_space<hbm>>) target_semaphore(%arg10 : memref<!tpu.dma_semaphore, #tpu.memory_space<semaphore_mem>>)
    %add3A_428 = arith.constant 704 : i32
    %add3A_429 = arith.addi %add3A, %add3A_428 : i32
    %mul3A_430 = arith.constant 128 : i32
    %mul3A_431 = arith.muli %add3A_429, %mul3A_430 : i32
    %min3A_432 = arith.constant 99872 : i32
    %min3A_433 = arith.minsi %mul3A_431, %min3A_432 : i32
    %dma_wait3A_434 = arith.constant 0 : i32
    %dma_wait3A_435 = tpu.memref_slice %arg4[%min3A_433, %dma_wait3A_434] : memref<100000x256xf32, #tpu.memory_space<hbm>> -> memref<128x256xf32, #tpu.memory_space<hbm>>
    %dma_wait3A_436 = arith.constant 0 : i32
    %dma_wait3A_437 = tpu.memref_slice %arg4[%min3A_433, %dma_wait3A_436] : memref<100000x256xf32, #tpu.memory_space<hbm>> -> memref<128x256xf32, #tpu.memory_space<hbm>>
    tpu.wait_dma2 semaphore(%arg11 : memref<!tpu.dma_semaphore, #tpu.memory_space<semaphore_mem>>) src(%arg8 : memref<128x256xf32, #tpu.memory_space<vmem>>) dst(%dma_wait3A_437 : memref<128x256xf32, #tpu.memory_space<hbm>>)
    %add3A_438 = arith.constant 736 : i32
    %add3A_439 = arith.addi %add3A, %add3A_438 : i32
    %mul3A_440 = arith.constant 128 : i32
    %mul3A_441 = arith.muli %add3A_439, %mul3A_440 : i32
    %min3A_442 = arith.constant 99872 : i32
    %min3A_443 = arith.minsi %mul3A_441, %min3A_442 : i32
    %dma_wait3A_444 = arith.constant 0 : i32
    %dma_wait3A_445 = tpu.memref_slice %arg4[%min3A_443, %dma_wait3A_444] : memref<100000x256xf32, #tpu.memory_space<hbm>> -> memref<128x256xf32, #tpu.memory_space<hbm>>
    %dma_wait3A_446 = arith.constant 0 : i32
    %dma_wait3A_447 = tpu.memref_slice %arg4[%min3A_443, %dma_wait3A_446] : memref<100000x256xf32, #tpu.memory_space<hbm>> -> memref<128x256xf32, #tpu.memory_space<hbm>>
    tpu.wait_dma2 semaphore(%arg12 : memref<!tpu.dma_semaphore, #tpu.memory_space<semaphore_mem>>) src(%arg9 : memref<128x256xf32, #tpu.memory_space<vmem>>) dst(%dma_wait3A_447 : memref<128x256xf32, #tpu.memory_space<hbm>>)
    %add3A_448 = arith.constant 768 : i32
    %add3A_449 = arith.addi %add3A, %add3A_448 : i32
    %mul3A_450 = arith.constant 128 : i32
    %mul3A_451 = arith.muli %add3A_449, %mul3A_450 : i32
    %min3A_452 = arith.constant 99872 : i32
    %min3A_453 = arith.minsi %mul3A_451, %min3A_452 : i32
    %dma_wait3A_454 = arith.constant 0 : i32
    %dma_wait3A_455 = tpu.memref_slice %arg4[%min3A_453, %dma_wait3A_454] : memref<100000x256xf32, #tpu.memory_space<hbm>> -> memref<128x256xf32, #tpu.memory_space<hbm>>
    %dma_wait3A_456 = arith.constant 0 : i32
    %dma_wait3A_457 = tpu.memref_slice %arg4[%min3A_453, %dma_wait3A_456] : memref<100000x256xf32, #tpu.memory_space<hbm>> -> memref<128x256xf32, #tpu.memory_space<hbm>>
    tpu.wait_dma2 semaphore(%arg10 : memref<!tpu.dma_semaphore, #tpu.memory_space<semaphore_mem>>) src(%arg7 : memref<128x256xf32, #tpu.memory_space<vmem>>) dst(%dma_wait3A_457 : memref<128x256xf32, #tpu.memory_space<hbm>>)
    return
  }
}

</mosaic_0001>

<sc_bundles>
// kernel: kernel.3.cloned.1.call-start
scs
__scs_entry_jumppad:
0x0: {  	(pc) =	sbr.rel $0x88, $3  }
0x1: {  	(tag) =	ssettag $0x0;
	lr =	simm.s32 $0x1  }
0x2: {  	[smem:$0x3F9F] =	sst lr;
	_ =	strace $0xD0000000  }
0x3: {  	_ = 	snop  }
0x4: {  	_ = 	snop  }
0x5: {  	_ = 	snop  }
0x6: {  	_ = 	snop  }
0x7: {  	_ = 	snop  }
__scs_overlays_trampoline_lowered:
0x8: {  	[smem:$0x3FAE] =	sst s0  }
0x9: {  	[smem:$0x3FAF] =	sst s1  }
0xa: {  	[smem:$0x3FB0] =	sst s2  }
0xb: {  	[smem:$0x3FB1] =	sst s3  }
0xc: {  	[smem:$0x3FB2] =	sst s4  }
0xd: {  	[smem:$0x3FB3] =	sst s5  }
0xe: {  	[smem:$0x3FB4] =	sst s6  }
0xf: {  	[smem:$0x3FB5] =	sst s7  }
0x10: {  	[smem:$0x3FB6] =	sst s8  }
0x11: {  	[smem:$0x3FB7] =	sst s9;
	s0 =	simm.s32 @!p0 $0x0  }
0x12: {  	s1 =	sld [smem:$0x3F9D];
	s0 =	simm.s32 @p0 $0x1  }
0x13: {  	[smem:$0x3FB8] =	sst s0;
	s0 =	simm.s32 @!p1 $0x0  }
0x14: {  	s2 =	sld [smem:$0x3F9C];
	s0 =	simm.s32 @p1 $0x1  }
0x15: {  	[smem:$0x3FB9] =	sst s0;
	s0 =	simm.s32 @!p2 $0x0  }
0x16: {  	s3 =	sld [smem:$0x3FDB];
	s0 =	simm.s32 @p2 $0x1  }
0x17: {  	s4 =	simm.s32 $0x1BF5;
	[smem:$0x3FBB] =	sst s0  }
0x18: {  	s0 =	sld [smem:$0x3F9E];
	_ =	swait.ge [sflag:s4], $0x0  }
0x19: {  	s7 =	sld [smem:$0x3F9F]  }
0x1a: {  	s8 =	sadd.s32 $0xFFFFE003, lr  }
0x1b: {  	s9 =	sadd.s32 $0xFFFFFEF7, lr;
	s5 =	simm.s32 $0xFFFFFFFF;
	p2 =	slt.u32 s8, $0xFFFFF086  }
0x1c: {  	p1 =	slt.u32 s9, $0xF7A;
	s5 =	simm.s32 @!p2 $0x0  }
0x1d: {  	s5 =	simm.s32 @p1 $0x1;
	p0 =	seq.s32 s7, s2  }
0x1e: {  	s7 =	smul.u32 @!p0 $0xF7A, s2;
	p2 =	seq.s32 @!p0 s5, $0x0  }
0x1f: {  	s9 =	smul.u32 $0xF7A, s1;
	s8 =	simm.s32 @!p0 $0x1BF5;
	p2 =	por !p2, p0  }
0x20: {  	[sflag:s8] =	ssyncset.s32 @!p0 $0xFFFFF086;
	s6 =	sadd.s32 @!p0 s3, s7;
	s7 =	simm.s32 @!p0 $0x108  }
0x21: {  	s3 =	sadd.s32 s3, s9;
	s6 =	sadd.s32 @!p0 $0x88, s6;
	s7 =	simm.s32 @p2 $0x1082  }
0x22: {  	[simem:s7], [sflag:s8] =	dma.local @!p0 [hbm:s6], $0xF7A  }
0x23: {  	s9 =	sor.u32 $0xD0000000, s2;
	s6 =	simm.s32 $0x108;
	_ =	swait.ge @!p0 [sflag:s8], $0x0  }
0x24: {  	s3 =	sadd.s32 $0x88, s3;
	s6 =	simm.s32 @!p1 $0x1082;
	[sflag:s4] =	ssyncset.s32 $0xFFFFF086  }
0x25: {  	[simem:s6], [sflag:s4] =	dma.local [hbm:s3], $0xF7A  }
0x26: {  	[smem:$0x3F9F] =	sst s1;
	(tag) =	ssettag s2;
	_ =	strace s9  }
0x27: {  	s1 =	sld [smem:$0x3FAF]  }
0x28: {  	s2 =	sld [smem:$0x3FB0]  }
0x29: {  	s4 =	sld [smem:$0x3FB2]  }
0x2a: {  	p0 =	seq.s32 s5, $0x0;
	s5 =	sld [smem:$0x3FB3]  }
0x2b: {  	s6 =	sld [smem:$0x3FB4]  }
0x2c: {  	s7 =	sld [smem:$0x3FB5]  }
0x2d: {  	s3 =	simm.s32 $0x108;
	s8 =	sld [smem:$0x3FB6]  }
0x2e: {  	s3 =	simm.s32 @!p0 $0x1082;
	s9 =	sld [smem:$0x3FB7]  }
0x2f: {  	lr =	sadd.s32 s0, s3;
	s0 =	sld [smem:$0x3FAE]  }
0x30: {  	s3 =	sld [smem:$0x3FB1]  }
0x31: {  	[smem:$0x3FBA] =	sst s10  }
0x32: {  	s10 =	sld [smem:$0x3FB8];
	_ =	sdelay $0x3  }
0x33: {  	p0 =	seq.s32 s10, $0x1;
	s10 =	sld [smem:$0x3FBA];
	_ =	sdelay $0x3  }
0x34: {  	[smem:$0x3FBA] =	sst s10  }
0x35: {  	s10 =	sld [smem:$0x3FB9];
	_ =	sdelay $0x3  }
0x36: {  	p1 =	seq.s32 s10, $0x1;
	s10 =	sld [smem:$0x3FBA];
	_ =	sdelay $0x3  }
0x37: {  	[smem:$0x3FBA] =	sst s10  }
0x38: {  	s10 =	sld [smem:$0x3FBB]  }
0x39: {  	_ = 	snop;
	(pc) =	sbr.ind lr, $3  }
0x3a: {  	_ = 	snop  }
0x3b: {  	_ = 	snop  }
0x3c: {  	p2 =	seq.s32 s10, $0x1;
	s10 =	sld [smem:$0x3FBA]  }
0x3d: {  	_ =	shalt  }
0x3e: {  	_ =	shalt  }
0x3f: {  	_ =	shalt  }
0x40: {  	_ =	shalt  }
0x41: {  	_ =	shalt  }
0x42: {  	_ =	shalt  }
0x43: {  	_ =	shalt  }
0x44: {  	_ =	shalt  }
0x45: {  	_ =	shalt  }
0x46: {  	_ =	shalt  }
0x47: {  	_ =	shalt  }
0x48: {  	_ =	shalt  }
0x49: {  	_ =	shalt  }
0x4a: {  	_ =	shalt  }
0x4b: {  	_ =	shalt  }
0x4c: {  	_ =	shalt  }
0x4d: {  	_ =	shalt  }
0x4e: {  	_ =	shalt  }
0x4f: {  	_ =	shalt  }
0x50: {  	_ =	shalt  }
0x51: {  	_ =	shalt  }
0x52: {  	_ =	shalt  }
0x53: {  	_ =	shalt  }
0x54: {  	_ =	shalt  }
0x55: {  	_ =	shalt  }
0x56: {  	_ =	shalt  }
0x57: {  	_ =	shalt  }
0x58: {  	_ =	shalt  }
0x59: {  	_ =	shalt  }
0x5a: {  	_ =	shalt  }
0x5b: {  	_ =	shalt  }
0x5c: {  	_ =	shalt  }
0x5d: {  	_ =	shalt  }
0x5e: {  	_ =	shalt  }
0x5f: {  	_ =	shalt  }
0x60: {  	_ =	shalt  }
0x61: {  	_ =	shalt  }
0x62: {  	_ =	shalt  }
0x63: {  	_ =	shalt  }
0x64: {  	_ =	shalt  }
0x65: {  	_ =	shalt  }
0x66: {  	_ =	shalt  }
0x67: {  	_ =	shalt  }
0x68: {  	_ =	shalt  }
0x69: {  	_ =	shalt  }
0x6a: {  	_ =	shalt  }
0x6b: {  	_ =	shalt  }
0x6c: {  	_ =	shalt  }
0x6d: {  	_ =	shalt  }
0x6e: {  	_ =	shalt  }
0x6f: {  	_ =	shalt  }
0x70: {  	_ =	shalt  }
0x71: {  	_ =	shalt  }
0x72: {  	_ =	shalt  }
0x73: {  	_ =	shalt  }
0x74: {  	_ =	shalt  }
0x75: {  	_ =	shalt  }
0x76: {  	_ =	shalt  }
0x77: {  	_ =	shalt  }
0x78: {  	_ =	shalt  }
0x79: {  	_ =	shalt  }
0x7a: {  	_ =	shalt  }
0x7b: {  	_ =	shalt  }
0x7c: {  	_ =	shalt  }
0x7d: {  	_ =	shalt  }
0x7e: {  	_ =	shalt  }
0x7f: {  	_ =	shalt  }
0x80: {  	_ =	shalt  }
0x81: {  	_ =	shalt  }
0x82: {  	_ =	shalt  }
0x83: {  	_ =	shalt  }
0x84: {  	_ =	shalt  }
0x85: {  	_ =	shalt  }
0x86: {  	_ =	shalt  }
0x87: {  	_ =	shalt  }
.Lfunc_end0:
.L_simem_size_0:
called_computation_lowered:
.L_overlay_start_0:
0x88: {  	s2 =	sld [smem:$0x3FD9]  }
0x89: {  	s3 =	sld [smem:$0x3FFE];
	_ =	sdelay $0x1  }
0x8a: {  	s1 =	srdreg.scid  }
0x8b: {  	s0 =	sand.u32 $0x1, s1  }
0x8c: {  	s17 =	sshll.u32 s0, $0xA;
	s2 =	sadd.s32 s3, s2  }
0x8d: {  	s2 =	sadd.s32 s2, s17  }
0x8e: {  	[smem:$0x3FC6] =	sst s2  }
0x8f: {  	_ = 	snop  }
0x90: {  	s2 =	sld [smem:$0x3FC9]  }
0x91: {  	s18 =	sld [smem:$0x3FD0];
	(tm) =	ssettm $0x1  }
0x92: {  	s4 =	sld [smem:$0x3FFB];
	_ =	sdelay $0x3  }
0x93: {  	_ =	strace s4  }
0x94: {  	s4 =	sld [smem:$0x3FFC];
	_ =	sdelay $0x3  }
0x95: {  	_ =	strace s4  }
0x96: {  	s4 =	sld [smem:$0x3FFD];
	_ =	sdelay $0x3  }
0x97: {  	_ =	strace s4  }
0x98: {  	_ =	strace $0x8FFFFFFF  }
0x99: {  	s19 =	sld [smem:$0x3FDB];
	_ =	sdelay $0x1  }
0x9a: {  	s5 =	simm.s32 $_scs_section_size  }
0x9b: {  	s6 =	simm.s32 $_size__tile_overlayer_lowered;
	s7 =	simm.s32 $_tile_overlayer_lowered  }
0x9c: {  	s22 =	simm.s32 $0x1BFF;
	s21 =	sshll.u32 s7, $0x1;
	s4 =	sadd.s32 s5, s19  }
0x9d: {  	s8 =	simm.s32 $0x0;
	s20 =	sshll.u32 s6, $0x1;
	s6 =	sadd.s32 s21, s4  }
0x9e: {  	[timem:s8], [sflag:s22] =	dma.local [hbm:s6], s20  }
0x9f: {  	_ =	swait.ge [sflag:s22], s20  }
0xa0: {  	s5 =	ssub.s32 $0x0, s20;
	[sflag:s22] =	ssyncset.done $0x0  }
0xa1: {  	[sflag:s22] =	ssyncadd.s32 s5;
	_ =	sdelay $0x1  }
0xa2: {  	s23 =	simm.s32 $0x1B8B  }
0xa3: {  	_ =	swait.ge [sflag:s23], $0x1  }
0xa4: {  	[sflag:s23] =	ssyncset.done $0x0  }
0xa5: {  	s25 =	simm.s32 $0x1B8E;
	s24 =	sld [smem:$0x3FFE];
	[sflag:s23] =	ssyncadd.s32 $0xFFFFFFFF  }
0xa6: {  	s26 =	simm.s32 $execute0_lowered;
	[smem:$0x3FD2] =	sst s25  }
0xa7: {  	s6 =	sshll.u32 s26, $0x1;
	_ =	strace $0x80000046;
	[dreg:$0x1] =	wrdreg $0xFFFFFFFF  }
0xa8: {  	s28 =	simm.s32 $_size_execute0_lowered;
	s4 =	sadd.s32 s4, s6;
	[dreg:$0x0] =	wrdreg $0x0  }
0xa9: {  	s6 =	sshll.u32 s28, $0x1;
	[dreg:$0x2] =	wrdreg s4  }
0xaa: {  	[dreg:$0x3] =	wrdreg s6  }
0xab: {  	[dreg:$0x4] =	wrdreg $0xC0  }
0xac: {  	_ =	task [dreg:s8], $0x5FFFF  }
0xad: {  	[dreg:$0x1] =	wrdreg $0xFFFFFFFF  }
0xae: {  	[dreg:$0x0] =	wrdreg $0x60  }
0xaf: {  	[dreg:$0x2] =	wrdreg s2  }
0xb0: {  	[dreg:$0x3] =	wrdreg s24  }
0xb1: {  	[dreg:$0x4] =	wrdreg s18  }
0xb2: {  	[dreg:$0x5] =	wrdreg $0x9  }
0xb3: {  	_ =	task.clear_ibuf [dreg:s8], $0x6FFFF;
	_ =	strace $0x90000046  }
0xb4: {  	s29 =	simm.s32 $0x9;
	_ =	strace $0x80000048  }
0xb5: {  	_ =	swait.ge [sflag:s29], $0x1  }
0xb6: {  	[sflag:s29] =	ssyncadd.s32 $0xFFFFFFFF  }
0xb7: {  	_ =	strace $0x90000048  }
0xb8: {  	_ =	sfence  }
0xb9: {  	s30 =	sld [smem:$0x0];
	_ =	sdelay $0x2  }
0xba: {  	s31 =	sshll.u32 s1, $0xD;
	s1 =	sshrl.u32 s1, $0x2  }
0xbb: {  	s3 =	sand.u32 $0x4000, s31;
	s1 =	sadd.s32 s1, s30  }
0xbc: {  	s0 =	sor.u32 s3, s0;
	s1 =	sshll.u32 s1, $0x11  }
0xbd: {  	s0 =	sor.u32 s1, s0  }
0xbe: {  	s0 =	sadd.s32 $0x8F2B, s0  }
0xbf: {  	[sflag:s0] =	ssyncadd.remote.s32 $0x1  }
0xc0: {  	_ =	sfence.sel $0xFFFF  }
0xc1: {  	[dreg:$0x0] =	wrdreg $0xFFFFFFFF;
	(pc) =	sbr.abs _section_cstart, $3  }
0xc2: {  	[dreg:$0x1] =	wrdreg $0xFFFFFFFF  }
0xc3: {  	_ =	task.clear_ibuf [dreg:s8], $0x2FFFF;
	_ =	strace $0x9FFFFFFF  }
0xc4: {  	(tm) =	ssettm $0x7FFFFFFF  }
0xc5: {  	_ =	shalt  }
tec
execute0_lowered:
.L_overlay_start_1:
0x0: {  	(tag) =	ssettag $0x1  }
0x1: {  	s0 =	rddreg [dreg:$0x0];
	v0 =	vlaneseq.u32;
	v3 =	vimm.s32 $0xFEDCBA9;
	v4 =	vimm.s32 $0x87654321  }
0x2: {  	s1 =	rddreg [dreg:$0x1];
	v5 =	vimm.s32 $0x10FEDCBA;
	v6 =	vimm.s32 $0x98765432;
	v7 =	vimm.s32 $0x210FEDCB  }
0x3: {  	s4 =	srdreg.scid;
	s5 =	stileid.u32;
	v8 =	vimm.s32 $0xA9876543;
	v17 =	vimm.s32 $0xDCBA9876;
	v21 =	vimm.s32 $0xFEDCBA98  }
0x4: {  	s2 =	rddreg [dreg:$0x2];
	v22 =	vimm.s32 $0x76543210;
	v1 =	vmul.u32 $0x100, v0;
	v2 =	vand.u32 $0x7, v0;
	s4 =	sand.u32 $0x1, s4;
	s5 =	sshll.u32 s5, $0x1  }
0x5: {  	s3 =	simm.s32 $0x0;
	v3 =	vunpack.c.l.s4.s8 v3;
	v4 =	vunpack.c.l.s4.s8 v4;
	v5 =	vunpack.c.l.s4.s8 v5;
	s6 =	ssub.s32 $0x2, s4;
	s4 =	sor.u32 s4, s5  }
0x6: {  	[smem:$0x7FF] =	sst s3;
	v6 =	vunpack.c.l.s4.s8 v6;
	v48 =	vunpack.c.l.s4.s8 v7;
	v7 =	vunpack.c.l.s4.s8 v8;
	s25 =	sshrl.u32 s6, $0x1;
	s7 =	sshll.u32 s4, $0x4  }
0x7: {  	s1 =	sadd.s32 $0x400, s1;
	v17 =	vunpack.c.l.s4.s8 v17;
	v21 =	vunpack.c.l.s4.s8 v21;
	v0 =	vmul.u32 $0x80, v2;
	s26 =	ssub.s32 s6, s25;
	s6 =	sadd.s32 s0, s7  }
0x8: {  	_ =	strace $0x80000047;
	[dreg:$0x4] =	wrdreg s1;
	v9 =	vunpack.c.0.s8.s32 v3;
	v10 =	vunpack.c.0.s8.s32 v4;
	v11 =	vunpack.c.0.s8.s32 v5;
	s7 =	sadd.s32 $0x200, s6  }
0x9: {  	v12 =	vunpack.c.0.s8.s32 v6;
	v27 =	vunpack.c.0.s8.s32 v48;
	v5 =	vimm.s32 $0x3210FEDC;
	s9 =	sadd.s32 $0x400, s6;
	[dreg:$0x5] =	wrdreg s7  }
0xa: {  	v14 =	vunpack.c.0.s8.s32 v7;
	v17 =	vunpack.c.0.s8.s32 v17;
	v7 =	vunpack.c.l.s4.s8 v5;
	s10 =	sadd.s32 $0x600, s6;
	[dreg:$0x6] =	wrdreg s9  }
0xb: {  	v5 =	vimm.s32 $0xBA987654;
	s11 =	sadd.s32 $0x800, s6;
	v49 =	vcombine.low v10, v9;
	v4 =	vcombine.low v12, v11;
	[dreg:$0x7] =	wrdreg s10  }
0xc: {  	s12 =	sadd.s32 $0xA00, s6;
	v6 =	vcombine.low v14, v27;
	v8 =	vunpack.c.l.s4.s8 v5;
	v12 =	vcombine.low v11, v12;
	[dreg:$0x8] =	wrdreg s11  }
0xd: {  	s13 =	sadd.s32 $0xC00, s6;
	[dreg:$0x9] =	wrdreg s12;
	v15 =	vunpack.c.0.s8.s32 v7;
	v7 =	vimm.s32 $0xCBA98765;
	v41 =	vand.u32 $0xF, v49  }
0xe: {  	s14 =	sadd.s32 $0xE00, s6;
	[dreg:$0xa] =	wrdreg s13;
	v47 =	vand.u32 $0xF, v4;
	v50 =	vand.u32 $0xF, v6;
	v6 =	vimm.s32 $0x43210FED  }
0xf: {  	s15 =	sadd.s32 $0x1000, s6;
	[dreg:$0xb] =	wrdreg s14;
	v16 =	vunpack.c.0.s8.s32 v8;
	v7 =	vunpack.c.l.s4.s8 v7;
	v8 =	vimm.s32 $0x543210FE  }
0x10: {  	s16 =	sadd.s32 $0x1200, s6;
	[dreg:$0xc] =	wrdreg s15;
	v4 =	vcombine.low v27, v14;
	v58 =	vand.u32 $0xF, v12;
	v6 =	vunpack.c.l.s4.s8 v6  }
0x11: {  	s8 =	sshll.u32 s4, $0x7;
	[tilespmem:$0x1FF10] =	vst v0;
	s17 =	sadd.s32 $0x1400, s6;
	[dreg:$0xd] =	wrdreg s16;
	v18 =	vcombine.low v16, v15;
	v20 =	vunpack.c.0.s8.s32 v7;
	v7 =	vunpack.c.l.s4.s8 v8  }
0x12: {  	s5 =	smin.u32 s8, $0x620;
	s18 =	sadd.s32 $0x1600, s6;
	[dreg:$0xe] =	wrdreg s17;
	[tilespmem:$0x1FFA0] =	vst v58;
	v8 =	vimm.s32 $0xEDCBA987;
	v14 =	vcombine.low v15, v16;
	v19 =	vunpack.c.0.s8.s32 v6  }
0x13: {  	s19 =	sadd.s32 $0x1800, s6;
	s5 =	sor.u32 $0x18000, s5;
	[dreg:$0xf] =	wrdreg s18;
	[tilespmem:$0x1FFE0] =	vst v47;
	v59 =	vand.u32 $0xF, v4;
	v6 =	vimm.s32 $0x6543210F;
	v8 =	vunpack.c.l.s4.s8 v8  }
0x14: {  	s20 =	sadd.s32 $0x1A00, s6;
	s21 =	sadd.s32 $0x1C00, s6;
	[dreg:$0x10] =	wrdreg s19;
	[tilespmem:$0x1FFF0] =	vst v41;
	v6 =	vunpack.c.l.s4.s8 v6;
	v51 =	vand.u32 $0xF, v18;
	v18 =	vcombine.low v20, v19  }
0x15: {  	s8 =	sadd.s32 $0x1E00, s6;
	s24 =	sadd.s32 $0x2000, s6;
	[dreg:$0x11] =	wrdreg s20;
	[tilespmem:$0x1FFB0] =	vst v59;
	v23 =	vunpack.c.0.s8.s32 v7;
	v7 =	vunpack.c.l.s4.s8 v22;
	v60 =	vand.u32 $0xF, v14  }
0x16: {  	s25 =	smax.u32 s26, $0x1;
	s26 =	sadd.s32 $0x2200, s6;
	[dreg:$0x12] =	wrdreg s21;
	v15 =	vcombine.low v19, v20;
	[tilespmem:$0x1FF20] =	vst v60;
	v13 =	vand.u32 $0xF, v18;
	v18 =	vcombine.low v9, v10;
	v10 =	vmovc v51  }
0x17: {  	s28 =	sadd.s32 $0x2400, s6;
	s29 =	sadd.s32 $0x2600, s6;
	[dreg:$0x13] =	wrdreg s8;
	v24 =	vunpack.c.0.s8.s32 v8;
	v8 =	vunpack.c.0.s8.s32 v21;
	v16 =	vcombine.low v23, v17;
	[tilespmem:$0x1FF60] =	vst v10  }
0x18: {  	s30 =	sadd.s32 $0x2800, s6;
	s31 =	sadd.s32 $0x2A00, s6;
	[dreg:$0x15] =	wrdreg s24;
	v22 =	vunpack.c.0.s8.s32 v6;
	v63 =	vand.u32 $0xF, v15;
	[tilespmem:$0x1FF70] =	vst v13  }
0x19: {  	s1 =	sadd.s32 $0x2E00, s6;
	s22 =	sshrl.u32 s5, $0x3;
	[dreg:$0x17] =	wrdreg s25;
	v21 =	vunpack.c.0.s8.s32 v7;
	v8 =	vand.u32 $0xF, v8;
	v61 =	vand.u32 $0xF, v16;
	[tilespmem:$0x1FFC0] =	vst v63  }
0x1a: {  	s23 =	sshll.u32 s5, $0x5;
	[dreg:$0x18] =	wrdreg s26;
	s5 =	sshll.u32 s4, $0xC;
	v25 =	vcombine.low v17, v23;
	v6 =	vmov v1;
	[tilespmem:$0x1FF30] =	vst v61  }
0x1b: {  	s7 =	simm.s32 $0x5F00;
	s8 =	simm.s32 $0x5;
	s9 =	simm.s32 $0x4;
	v52 =	vcombine.low v8, v21;
	v17 =	vcombine.low v22, v24;
	v62 =	vand.u32 $0xF, v18;
	[tilespmem:$0x1FF40] =	vst v6  }
0x1c: {  	s10 =	simm.s32 $0x6B80;
	s11 =	simm.s32 $0xEB80;
	s12 =	simm.s32 $0x16B80;
	v8 =	vmov v50;
	[tilespmem:$0x1FF90] =	vst v62  }
0x1d: {  	s13 =	simm.s32 $0x1;
	s14 =	simm.s32 $0x2;
	s0 =	sadd.s32 s0, s22;
	v26 =	vcombine.low v24, v22;
	v11 =	vmov v52;
	[tilespmem:$0x1FF50] =	vst v8  }
0x1e: {  	s15 =	simm.s32 $0x3;
	[dreg:$0x14] =	wrdreg s0;
	s0 =	sadd.s32 s2, s23;
	v53 =	vand.u32 $0xF, v25;
	v22 =	vand.u32 $0xF, v17;
	[tilespmem:$0x1FF80] =	vst v11  }
0x1f: {  	v34 =	vlaneseq.u32;
	s16 =	simm.s32 $0x0;
	[dreg:$0x16] =	wrdreg s0;
	s0 =	sadd.s32 $0x2C00, s6;
	v12 =	vmovc v53;
	v15 =	vmovc v58;
	v56 =	vand.u32 $0xF, v26;
	[tilespmem:$0x1FFD0] =	vst v22;
	v17 =	vmov v59  }
.LBB2_1:
0x20: {  	[tilespmem:s7], [sflag:$0x4] =	stream.linear.gather [hbm4b:s6+s3], $0x80, $0x38;
	[tilespmem:$0x1EB80] =	vst v63  }
0x21: {  	s17 =	rddreg [dreg:$0x5];
	s18 =	simm.s32 $0x5F80  }
0x22: {  	[tilespmem:s18], [sflag:$0x4] =	stream.linear.gather [hbm4b:s17+s3], $0x80, $0x38;
	[tilespmem:$0x1EB80] =	vst v63  }
0x23: {  	s19 =	rddreg [dreg:$0x6];
	s20 =	simm.s32 $0x6000  }
0x24: {  	[tilespmem:s20], [sflag:$0x4] =	stream.linear.gather [hbm4b:s19+s3], $0x80, $0x38;
	[tilespmem:$0x1EB80] =	vst v63  }
0x25: {  	s21 =	rddreg [dreg:$0x7];
	s22 =	simm.s32 $0x6080  }
0x26: {  	[tilespmem:s22], [sflag:$0x4] =	stream.linear.gather [hbm4b:s21+s3], $0x80, $0x38;
	[tilespmem:$0x1EB80] =	vst v63  }
0x27: {  	s23 =	rddreg [dreg:$0x8];
	s24 =	simm.s32 $0x6100  }
0x28: {  	[tilespmem:s24], [sflag:$0x4] =	stream.linear.gather [hbm4b:s23+s3], $0x80, $0x38;
	[tilespmem:$0x1EB80] =	vst v63  }
0x29: {  	s25 =	rddreg [dreg:$0x9];
	s26 =	simm.s32 $0x6180  }
0x2a: {  	[tilespmem:s26], [sflag:$0x4] =	stream.linear.gather [hbm4b:s25+s3], $0x80, $0x38;
	[tilespmem:$0x1EB80] =	vst v63  }
0x2b: {  	s19 =	rddreg [dreg:$0xa];
	s20 =	simm.s32 $0x6200  }
0x2c: {  	[tilespmem:s20], [sflag:$0x4] =	stream.linear.gather [hbm4b:s19+s3], $0x80, $0x38;
	[tilespmem:$0x1EB80] =	vst v63  }
0x2d: {  	s21 =	rddreg [dreg:$0xb];
	s22 =	simm.s32 $0x6280  }
0x2e: {  	[tilespmem:s22], [sflag:$0x4] =	stream.linear.gather [hbm4b:s21+s3], $0x80, $0x38;
	[tilespmem:$0x1EB80] =	vst v63  }
0x2f: {  	s23 =	rddreg [dreg:$0xc];
	s24 =	simm.s32 $0x6300  }
0x30: {  	[tilespmem:s24], [sflag:$0x4] =	stream.linear.gather [hbm4b:s23+s3], $0x80, $0x38;
	[tilespmem:$0x1EB80] =	vst v63  }
0x31: {  	s25 =	rddreg [dreg:$0xd];
	s26 =	simm.s32 $0x6380  }
0x32: {  	[tilespmem:s26], [sflag:$0x4] =	stream.linear.gather [hbm4b:s25+s3], $0x80, $0x38;
	[tilespmem:$0x1EB80] =	vst v63  }
0x33: {  	s19 =	rddreg [dreg:$0xe];
	s20 =	simm.s32 $0x6400  }
0x34: {  	[tilespmem:s20], [sflag:$0x4] =	stream.linear.gather [hbm4b:s19+s3], $0x80, $0x38;
	[tilespmem:$0x1EB80] =	vst v63  }
0x35: {  	s21 =	rddreg [dreg:$0xf];
	s22 =	simm.s32 $0x6480  }
0x36: {  	[tilespmem:s22], [sflag:$0x4] =	stream.linear.gather [hbm4b:s21+s3], $0x80, $0x38;
	[tilespmem:$0x1EB80] =	vst v63  }
0x37: {  	s23 =	rddreg [dreg:$0x10];
	s24 =	simm.s32 $0x6500  }
0x38: {  	[tilespmem:s24], [sflag:$0x4] =	stream.linear.gather [hbm4b:s23+s3], $0x80, $0x38;
	[tilespmem:$0x1EB80] =	vst v63  }
0x39: {  	s25 =	rddreg [dreg:$0x11];
	s26 =	simm.s32 $0x6580  }
0x3a: {  	[tilespmem:s26], [sflag:$0x4] =	stream.linear.gather [hbm4b:s25+s3], $0x80, $0x38;
	[tilespmem:$0x1EB80] =	vst v63  }
0x3b: {  	s19 =	rddreg [dreg:$0x12];
	s20 =	simm.s32 $0x6600  }
0x3c: {  	[tilespmem:s20], [sflag:$0x4] =	stream.linear.gather [hbm4b:s19+s3], $0x80, $0x38;
	[tilespmem:$0x1EB80] =	vst v63  }
0x3d: {  	s21 =	rddreg [dreg:$0x13];
	s22 =	simm.s32 $0x6680  }
0x3e: {  	[tilespmem:s22], [sflag:$0x4] =	stream.linear.gather [hbm4b:s21+s3], $0x80, $0x38;
	[tilespmem:$0x1EB80] =	vst v63  }
0x3f: {  	s23 =	rddreg [dreg:$0x15];
	s24 =	simm.s32 $0x6700  }
0x40: {  	[tilespmem:s24], [sflag:$0x4] =	stream.linear.gather [hbm4b:s23+s3], $0x80, $0x38;
	[tilespmem:$0x1EB80] =	vst v63  }
0x41: {  	s25 =	rddreg [dreg:$0x18];
	s26 =	simm.s32 $0x6780  }
0x42: {  	[tilespmem:s26], [sflag:$0x4] =	stream.linear.gather [hbm4b:s25+s3], $0x80, $0x38;
	[tilespmem:$0x1EB80] =	vst v63  }
0x43: {  	s18 =	simm.s32 $0x6800  }
0x44: {  	[tilespmem:s18], [sflag:$0x4] =	stream.linear.gather [hbm4b:s28+s3], $0x80, $0x38;
	[tilespmem:$0x1EB80] =	vst v63  }
0x45: {  	s19 =	simm.s32 $0x6880  }
0x46: {  	[tilespmem:s19], [sflag:$0x4] =	stream.linear.gather [hbm4b:s29+s3], $0x80, $0x38;
	[tilespmem:$0x1EB80] =	vst v63  }
0x47: {  	s20 =	simm.s32 $0x6900  }
0x48: {  	[tilespmem:s20], [sflag:$0x4] =	stream.linear.gather [hbm4b:s30+s3], $0x80, $0x38;
	[tilespmem:$0x1EB80] =	vst v63  }
0x49: {  	s21 =	simm.s32 $0x6980  }
0x4a: {  	[tilespmem:s21], [sflag:$0x4] =	stream.linear.gather [hbm4b:s31+s3], $0x80, $0x38;
	[tilespmem:$0x1EB80] =	vst v63  }
0x4b: {  	s22 =	simm.s32 $0x6A00  }
0x4c: {  	[tilespmem:s22], [sflag:$0x4] =	stream.linear.gather [hbm4b:s0+s3], $0x80, $0x38;
	[tilespmem:$0x1EB80] =	vst v63  }
0x4d: {  	s23 =	simm.s32 $0x6A80  }
0x4e: {  	[tilespmem:s23], [sflag:$0x4] =	stream.linear.gather [hbm4b:s1+s3], $0x80, $0x38;
	[tilespmem:$0x1EB80] =	vst v63  }
0x4f: {  	s24 =	rddreg [dreg:$0x14];
	s25 =	simm.s32 $0x6B00  }
0x50: {  	[tilespmem:s25], [sflag:$0x4] =	stream.linear.gather [hbm4b:s24+s3], $0x80, $0x38;
	[tilespmem:$0x1EB80] =	vst v63  }
0x51: {  	s26 =	rddreg [dreg:$0x4]  }
0x52: {  	[tilespmem:s3], [sflag:$0x5] =	stream.linear.gather [hbm4b:s26+s3], $0x5F00, $0x38;
	[tilespmem:$0x1EB80] =	vst v63  }
0x53: {  	_ =	swait.ge [sflag:s8], $0x5F00  }
0x54: {  	[sflag:s8] =	ssyncset.done $0x0  }
0x55: {  	[sflag:s8] =	ssyncadd.s32 $0xFFFFA100  }
0x56: {  	_ =	swait.ge [sflag:s9], $0xC80  }
0x57: {  	[sflag:s9] =	ssyncset.done $0x0  }
0x58: {  	s17 =	simm.s32 $0x0;
	[sflag:s9] =	ssyncadd.s32 $0xFFFFF380  }
.LBB2_2:
0x59: {  	p0 =	seq.s32 s17, $0x0  }
0x5a: {  	s20 =	smul.u32 $0x180, s17;
	s19 =	simm.s32 @!p0 $0x1  }
0x5b: {  	_ =	swait.ge @!p0 [sflag:s19], $0x8000  }
0x5c: {  	v0 =	vor.u32 s20, v34;
	[sflag:s19] =	ssyncset.done @!p0 $0x0;
	v9 =	vld [tilespmem:$0x1FF30]  }
0x5d: {  	s18 =	smul.u32 $0x3, s17;
	[tilespmem:$0x1FF00] =	vst v0;
	v7 =	vld [tilespmem:$0x1FF20];
	[sflag:s19] =	ssyncadd.s32 @!p0 $0xFFFF8000;
	s19 =	simm.s32 $0x0  }
.LBB2_3:
0x5e: {  	v0 =	vld [tilespmem:$0x1FF00];
	_ =	sdelay $0x3  }
0x5f: {  	s20 =	sshll.u32 s19, $0x4  }
0x60: {  	v19 =	vor.u32 s20, v0  }
0x61: {  	s21 =	simm.s32 $0x30;
	v20 =	vmov s20  }
0x62: {  	s22 =	simm.s32 $0x0;
	s23 =	simm.s32 $0x10;
	v26 =	vmov s21;
	v27 =	vor.u32 s21, v34;
	v29 =	vor.u32 s21, v41  }
0x63: {  	v28 =	vmov s22;
	v30 =	vmov s23;
	v24 =	vor.u32 s22, v34  }
0x64: {  	v43 =	vld [tilespmem:$0x1FF10];
	v48 =	vor.u32 s22, v41;
	v49 =	vor.u32 s23, v41;
	v55 =	vor.u32 s21, v47  }
0x65: {  	v61 =	vor.u32 s22, v8;
	v20 =	vshll.u32 v20, $0x8;
	v33 =	vand.u32 $0x80, v30;
	v19 =	vld.idx.msk [tilespmem:v19+s7+$0x0], $0xffff  }
0x66: {  	v44 =	vand.u32 $0x80, v26;
	v35 =	vand.u32 $0x4F, v24;
	v36 =	vand.u32 $0x7F, v27  }
0x67: {  	v27 =	vshll.u32 v28, $0x3;
	v26 =	vshll.u32 v26, $0x3;
	v20 =	vor.u32 v6, v20  }
0x68: {  	v53 =	vand.u32 $0x4F, v48;
	v29 =	vand.u32 $0x7F, v29;
	v20 =	vand.u32 $0x7800, v20;
	s20 =	simm.s32 $0x20  }
0x69: {  	v59 =	vand.u32 $0x7F, v55;
	v2 =	vor.u32 v43, v20;
	v20 =	vmov s20  }
0x6a: {  	v23 =	vor.u32 s20, v34;
	v1 =	vshll.u32 v19, $0x8;
	v19 =	vand.u32 $0x80, v20  }
0x6b: {  	v55 =	vor.u32 s22, v10;
	v31 =	vand.u32 $0x6F, v23;
	v19 =	vor.u32 v1, v19  }
0x6c: {  	v27 =	vand.u32 $0x400, v27;
	v23 =	vand.u32 $0x80, v28;
	v32 =	vor.u32 v31, v19  }
0x6d: {  	v46 =	vor.u32 s20, v41;
	v25 =	vor.u32 v1, v23;
	v23 =	vor.u32 s23, v34  }
0x6e: {  	v20 =	vshll.u32 v20, $0x3;
	v24 =	vor.u32 v1, v33;
	v45 =	vand.u32 $0x5F, v23  }
0x6f: {  	v20 =	vand.u32 $0x400, v20;
	v23 =	vor.u32 v1, v44;
	v39 =	vor.u32 v45, v24  }
0x70: {  	v28 =	vshll.u32 v30, $0x3;
	[tilespmem:$0x1FEE0] =	vst v1;
	v20 =	vor.u32 v20, v2;
	v30 =	vor.u32 v36, v23  }
0x71: {  	v34 =	vand.u32 $0x6F, v46;
	v38 =	vor.u32 v35, v25;
	v31 =	vor.u32 v31, v20;
	v32 =	vld.idx.msk [tilespmem:v32+s3+$0x0], $0xffff  }
0x72: {  	v26 =	vand.u32 $0x400, v26;
	v40 =	vand.u32 $0x400, v28;
	v37 =	vor.u32 v34, v19  }
0x73: {  	v43 =	vor.u32 s22, v47;
	v28 =	vor.u32 v27, v2;
	v27 =	vor.u32 v40, v2;
	[tilespmem:$0x1FEF0] =	vst v2  }
0x74: {  	v6 =	vmovc v41;
	v26 =	vor.u32 v26, v2;
	v41 =	vand.u32 $0x5F, v49;
	v33 =	vor.u32 v45, v27;
	v39 =	vld.idx.msk [tilespmem:v39+s3+$0x0], $0xffff  }
0x75: {  	v51 =	vor.u32 s20, v47;
	v44 =	vor.u32 v41, v24;
	v36 =	vor.u32 v36, v26;
	v30 =	vld.idx.msk [tilespmem:v30+s3+$0x0], $0xffff  }
0x76: {  	v45 =	vor.u32 v29, v23;
	v38 =	vld.idx.msk [tilespmem:v38+s3+$0x0], $0xffff;
	[tilespmem:v31+s10+$0x0] =	vst.idx.msk $0xffff, v32;
	v31 =	vor.u32 v35, v28  }
0x77: {  	v42 =	vor.u32 v53, v25;
	v50 =	vor.u32 v34, v20;
	v34 =	vand.u32 $0x6F, v51;
	v52 =	vld.idx.msk [tilespmem:v37+s3+$0x0], $0xffff  }
0x78: {  	v43 =	vand.u32 $0x4F, v43;
	v58 =	vor.u32 s20, v8;
	v54 =	vor.u32 v34, v19  }
0x79: {  	v63 =	vand.u32 $0x6F, v58;
	v40 =	vor.u32 v59, v26;
	v46 =	vor.u32 s23, v47;
	[tilespmem:v33+s10+$0x0] =	vst.idx.msk $0xffff, v39  }
0x7a: {  	v58 =	vor.u32 s23, v10;
	v57 =	vand.u32 $0x5F, v46;
	v32 =	vor.u32 v41, v27;
	[tilespmem:v36+s10+$0x0] =	vst.idx.msk $0xffff, v30;
	v44 =	vld.idx.msk [tilespmem:v44+s3+$0x0], $0xffff  }
0x7b: {  	v1 =	vor.u32 v43, v25;
	v29 =	vor.u32 v29, v26;
	v45 =	vld.idx.msk [tilespmem:v45+s3+$0x0], $0xffff;
	[tilespmem:v31+s10+$0x0] =	vst.idx.msk $0xffff, v38  }
0x7c: {  	v37 =	vor.u32 v53, v28;
	v30 =	vor.u32 v57, v24;
	[tilespmem:v50+s10+$0x0] =	vst.idx.msk $0xffff, v52;
	v60 =	vld.idx.msk [tilespmem:v42+s3+$0x0], $0xffff  }
0x7d: {  	v43 =	vor.u32 v43, v28;
	v34 =	vor.u32 v34, v20;
	v2 =	vor.u32 v63, v19;
	v31 =	vld.idx.msk [tilespmem:v54+s3+$0x0], $0xffff  }
0x7e: {  	v35 =	vor.u32 v57, v27;
	v53 =	vor.u32 v59, v23;
	v57 =	vor.u32 s20, v10  }
0x7f: {  	v33 =	vor.u32 v63, v20;
	v63 =	vor.u32 s22, v13;
	v52 =	vor.u32 s23, v8;
	[tilespmem:v32+s10+$0x0] =	vst.idx.msk $0xffff, v44  }
0x80: {  	v42 =	vand.u32 $0x4F, v61;
	v36 =	vand.u32 $0x5F, v52;
	v54 =	vor.u32 s21, v8;
	[tilespmem:v29+s10+$0x0] =	vst.idx.msk $0xffff, v45  }
0x81: {  	v48 =	vor.u32 v42, v25;
	v42 =	vor.u32 v42, v28;
	v30 =	vld.idx.msk [tilespmem:v30+s3+$0x0], $0xffff;
	[tilespmem:v37+s10+$0x0] =	vst.idx.msk $0xffff, v60  }
0x82: {  	v32 =	vand.u32 $0x5F, v58;
	v52 =	vor.u32 s23, v13;
	v49 =	vor.u32 v36, v24;
	[tilespmem:v34+s10+$0x0] =	vst.idx.msk $0xffff, v31;
	v38 =	vld.idx.msk [tilespmem:v1+s3+$0x0], $0xffff  }
0x83: {  	v36 =	vor.u32 v36, v27;
	v50 =	vor.u32 v32, v24;
	v37 =	vand.u32 $0x6F, v57;
	v39 =	vld.idx.msk [tilespmem:v2+s3+$0x0], $0xffff  }
0x84: {  	v45 =	vld.idx.msk [tilespmem:v53+s3+$0x0], $0xffff;
	v32 =	vor.u32 v32, v27;
	v53 =	vor.u32 s21, v12;
	v59 =	vor.u32 v37, v19  }
0x85: {  	v60 =	vor.u32 s21, v10;
	v57 =	vand.u32 $0x4F, v63;
	v63 =	vor.u32 s23, v12  }
0x86: {  	v31 =	vand.u32 $0x7F, v54;
	v34 =	vand.u32 $0x4F, v55;
	v61 =	vand.u32 $0x7F, v60;
	[tilespmem:v35+s10+$0x0] =	vst.idx.msk $0xffff, v30  }
0x87: {  	v1 =	vor.u32 s21, v13;
	v55 =	vor.u32 s20, v13;
	v41 =	vor.u32 v31, v23;
	v49 =	vld.idx.msk [tilespmem:v49+s3+$0x0], $0xffff;
	[tilespmem:v43+s10+$0x0] =	vst.idx.msk $0xffff, v38  }
0x88: {  	v37 =	vor.u32 v37, v20;
	v29 =	vor.u32 v31, v26;
	[tilespmem:v33+s10+$0x0] =	vst.idx.msk $0xffff, v39;
	v58 =	vld.idx.msk [tilespmem:v48+s3+$0x0], $0xffff  }
0x89: {  	v31 =	vor.u32 v34, v25;
	v51 =	vor.u32 v61, v23;
	v39 =	vand.u32 $0x6F, v55;
	v2 =	vld.idx.msk [tilespmem:v59+s3+$0x0], $0xffff  }
0x8a: {  	v34 =	vor.u32 v34, v28;
	v46 =	vor.u32 v61, v26;
	v60 =	vor.u32 v39, v19  }
0x8b: {  	v30 =	vor.u32 v57, v25;
	[tilespmem:v40+s10+$0x0] =	vst.idx.msk $0xffff, v45;
	v61 =	vor.u32 s22, v12;
	v43 =	vor.u32 v57, v28  }
0x8c: {  	v0 =	vmovc v9;
	v57 =	vand.u32 $0x5F, v63;
	v33 =	vand.u32 $0x7F, v1;
	v1 =	vld.idx.msk [tilespmem:v41+s3+$0x0], $0xffff;
	v59 =	vand.u32 $0x5F, v52;
	[tilespmem:v36+s10+$0x0] =	vst.idx.msk $0xffff, v49  }
0x8d: {  	v52 =	vor.u32 v33, v23;
	v33 =	vor.u32 v33, v26;
	v50 =	vld.idx.msk [tilespmem:v50+s3+$0x0], $0xffff;
	[tilespmem:v42+s10+$0x0] =	vst.idx.msk $0xffff, v58  }
0x8e: {  	v63 =	vor.u32 s23, v56;
	v39 =	vor.u32 v39, v20;
	v58 =	vor.u32 s20, v12;
	[tilespmem:v37+s10+$0x0] =	vst.idx.msk $0xffff, v2;
	v31 =	vld.idx.msk [tilespmem:v31+s3+$0x0], $0xffff  }
0x8f: {  	v9 =	vmovc v47;
	v35 =	vor.u32 v59, v24;
	v47 =	vor.u32 v59, v27;
	v44 =	vand.u32 $0x6F, v58;
	v42 =	vld.idx.msk [tilespmem:v60+s3+$0x0], $0xffff  }
0x90: {  	v59 =	vand.u32 $0x7F, v53;
	v2 =	vand.u32 $0x4F, v61;
	v61 =	vor.u32 v44, v19  }
0x91: {  	v55 =	vor.u32 s21, v56;
	v36 =	vor.u32 v57, v24;
	v54 =	vor.u32 v59, v23;
	[tilespmem:v29+s10+$0x0] =	vst.idx.msk $0xffff, v1  }
0x92: {  	v29 =	vor.u32 v57, v27;
	v57 =	vand.u32 $0x5F, v63;
	v37 =	vor.u32 v59, v26;
	[tilespmem:v32+s10+$0x0] =	vst.idx.msk $0xffff, v50  }
0x93: {  	v41 =	vor.u32 v2, v25;
	v38 =	vor.u32 v2, v28;
	v2 =	vld.idx.msk [tilespmem:v51+s3+$0x0], $0xffff;
	[tilespmem:v34+s10+$0x0] =	vst.idx.msk $0xffff, v31  }
0x94: {  	v58 =	vand.u32 $0x7F, v55;
	v59 =	vor.u32 s22, v11;
	v35 =	vld.idx.msk [tilespmem:v35+s3+$0x0], $0xffff;
	v31 =	vor.u32 s20, v56;
	[tilespmem:v39+s10+$0x0] =	vst.idx.msk $0xffff, v42  }
0x95: {  	v48 =	vor.u32 v57, v27;
	v44 =	vor.u32 v44, v20;
	v31 =	vand.u32 $0x6F, v31;
	v34 =	vld.idx.msk [tilespmem:v61+s3+$0x0], $0xffff  }
0x96: {  	v60 =	vor.u32 s22, v56;
	v49 =	vor.u32 v58, v23;
	v30 =	vld.idx.msk [tilespmem:v30+s3+$0x0], $0xffff;
	v63 =	vor.u32 v31, v19  }
0x97: {  	v14 =	vmovc v13;
	v45 =	vor.u32 v58, v26;
	v1 =	vand.u32 $0x4F, v60;
	v60 =	vor.u32 s23, v11  }
0x98: {  	v53 =	vor.u32 v1, v25;
	v40 =	vor.u32 v1, v28;
	v1 =	vand.u32 $0x5F, v60;
	[tilespmem:v46+s10+$0x0] =	vst.idx.msk $0xffff, v2  }
0x99: {  	v13 =	vmovc v56;
	v58 =	vor.u32 s23, v62;
	v55 =	vor.u32 v1, v27;
	v61 =	vor.u32 s21, v11;
	[tilespmem:v47+s10+$0x0] =	vst.idx.msk $0xffff, v35  }
0x9a: {  	v56 =	vor.u32 v1, v24;
	v52 =	vld.idx.msk [tilespmem:v52+s3+$0x0], $0xffff;
	v32 =	vand.u32 $0x7F, v61;
	v61 =	vor.u32 s20, v11;
	[tilespmem:v44+s10+$0x0] =	vst.idx.msk $0xffff, v34  }
0x9b: {  	v60 =	vor.u32 s21, v62;
	v31 =	vor.u32 v31, v20;
	v35 =	vand.u32 $0x6F, v61;
	[tilespmem:v43+s10+$0x0] =	vst.idx.msk $0xffff, v30;
	v30 =	vld.idx.msk [tilespmem:v63+s3+$0x0], $0xffff  }
0x9c: {  	v1 =	vor.u32 s22, v15;
	v39 =	vand.u32 $0x4F, v59;
	v47 =	vor.u32 v35, v19;
	v41 =	vld.idx.msk [tilespmem:v41+s3+$0x0], $0xffff  }
0x9d: {  	v42 =	vor.u32 v57, v24;
	v46 =	vor.u32 v39, v25;
	v39 =	vor.u32 v39, v28;
	v36 =	vld.idx.msk [tilespmem:v36+s3+$0x0], $0xffff  }
0x9e: {  	v57 =	vor.u32 v32, v23;
	v32 =	vor.u32 v32, v26;
	v43 =	vand.u32 $0x5F, v58  }
0x9f: {  	v35 =	vor.u32 v35, v20;
	[tilespmem:v33+s10+$0x0] =	vst.idx.msk $0xffff, v52;
	v58 =	vor.u32 v43, v24;
	v34 =	vand.u32 $0x7F, v60  }
0xa0: {  	v50 =	vld.idx.msk [tilespmem:v54+s3+$0x0], $0xffff;
	v59 =	vor.u32 v34, v23;
	[tilespmem:v31+s10+$0x0] =	vst.idx.msk $0xffff, v30;
	v30 =	vand.u32 $0x4F, v1;
	v1 =	vor.u32 s20, v62  }
0xa1: {  	v2 =	vor.u32 s22, v62;
	[tilespmem:v38+s10+$0x0] =	vst.idx.msk $0xffff, v41;
	v31 =	vor.u32 v34, v26;
	v41 =	vld.idx.msk [tilespmem:v47+s3+$0x0], $0xffff;
	v34 =	vand.u32 $0x6F, v1  }
0xa2: {  	v61 =	vor.u32 v43, v27;
	[tilespmem:v29+s10+$0x0] =	vst.idx.msk $0xffff, v36;
	v47 =	vld.idx.msk [tilespmem:v53+s3+$0x0], $0xffff;
	v29 =	vor.u32 v34, v19  }
0xa3: {  	v52 =	vor.u32 s21, v17;
	v44 =	vor.u32 s23, v7;
	v63 =	vand.u32 $0x4F, v2;
	v42 =	vld.idx.msk [tilespmem:v42+s3+$0x0], $0xffff  }
0xa4: {  	v33 =	vor.u32 v63, v25;
	v60 =	vor.u32 v63, v28;
	v63 =	vor.u32 s21, v15  }
0xa5: {  	v16 =	vmovc v62;
	v2 =	vor.u32 s23, v15;
	v54 =	vor.u32 s23, v17;
	v43 =	vand.u32 $0x7F, v63;
	[tilespmem:v37+s10+$0x0] =	vst.idx.msk $0xffff, v50  }
0xa6: {  	v2 =	vand.u32 $0x5F, v2;
	v63 =	vor.u32 v43, v23;
	v53 =	vor.u32 s22, v17;
	v49 =	vld.idx.msk [tilespmem:v49+s3+$0x0], $0xffff;
	[tilespmem:v35+s10+$0x0] =	vst.idx.msk $0xffff, v41  }
0xa7: {  	v36 =	vand.u32 $0x4F, v53;
	v53 =	vor.u32 s20, v15;
	v34 =	vor.u32 v34, v20;
	[tilespmem:v40+s10+$0x0] =	vst.idx.msk $0xffff, v47;
	v29 =	vld.idx.msk [tilespmem:v29+s3+$0x0], $0xffff  }
0xa8: {  	v62 =	vor.u32 v2, v24;
	v37 =	vand.u32 $0x5F, v54;
	[tilespmem:v48+s10+$0x0] =	vst.idx.msk $0xffff, v42;
	v35 =	vand.u32 $0x6F, v53;
	v40 =	vld.idx.msk [tilespmem:v46+s3+$0x0], $0xffff  }
0xa9: {  	v38 =	vor.u32 v30, v25;
	v30 =	vor.u32 v30, v28;
	v42 =	vor.u32 v35, v19;
	v46 =	vld.idx.msk [tilespmem:v56+s3+$0x0], $0xffff  }
0xaa: {  	v1 =	vor.u32 v2, v27;
	v2 =	vor.u32 v43, v26;
	v21 =	vor.u32 v37, v24  }
0xab: {  	v54 =	vor.u32 s22, v7;
	v4 =	vor.u32 v36, v25;
	v50 =	vor.u32 v36, v28;
	[tilespmem:v45+s10+$0x0] =	vst.idx.msk $0xffff, v49  }
0xac: {  	v41 =	vand.u32 $0x7F, v52;
	v47 =	vand.u32 $0x4F, v54;
	v52 =	vor.u32 v37, v27;
	v43 =	vld.idx.msk [tilespmem:v57+s3+$0x0], $0xffff;
	[tilespmem:v34+s10+$0x0] =	vst.idx.msk $0xffff, v29  }
0xad: {  	v5 =	vmovc v17;
	v37 =	vand.u32 $0x5F, v44;
	v18 =	vor.u32 v41, v23;
	v56 =	vor.u32 s21, v7;
	[tilespmem:v39+s10+$0x0] =	vst.idx.msk $0xffff, v40  }
0xae: {  	v35 =	vor.u32 v35, v20;
	v29 =	vor.u32 s20, v17;
	[tilespmem:v55+s10+$0x0] =	vst.idx.msk $0xffff, v46;
	v17 =	vmov v15;
	v39 =	vld.idx.msk [tilespmem:v42+s3+$0x0], $0xffff  }
0xaf: {  	v15 =	vmovc v11;
	v11 =	vmovc v10;
	v10 =	vmov v8;
	v8 =	vmov v12;
	v29 =	vand.u32 $0x6F, v29;
	v12 =	vld [tilespmem:$0x1FFC0]  }
0xb0: {  	v48 =	vor.u32 v41, v26;
	v53 =	vor.u32 v47, v25;
	v33 =	vld.idx.msk [tilespmem:v33+s3+$0x0], $0xffff;
	v40 =	vor.u32 v29, v19  }
0xb1: {  	v51 =	vor.u32 v37, v24;
	v49 =	vand.u32 $0x7F, v56;
	v57 =	vld.idx.msk [tilespmem:v58+s3+$0x0], $0xffff;
	[tilespmem:v32+s10+$0x0] =	vst.idx.msk $0xffff, v43  }
0xb2: {  	v44 =	vor.u32 v37, v27;
	v54 =	vor.u32 v49, v23;
	v46 =	vor.u32 v47, v28;
	v37 =	vld.idx.msk [tilespmem:v59+s3+$0x0], $0xffff  }
0xb3: {  	v47 =	vor.u32 v49, v26;
	v34 =	vor.u32 s22, v0;
	v29 =	vor.u32 v29, v20  }
0xb4: {  	v59 =	vor.u32 s20, v7;
	v55 =	vor.u32 s22, v12;
	v56 =	vor.u32 s23, v12;
	[tilespmem:v35+s10+$0x0] =	vst.idx.msk $0xffff, v39  }
0xb5: {  	v58 =	vor.u32 s21, v12;
	[tilespmem:v60+s10+$0x0] =	vst.idx.msk $0xffff, v33;
	v35 =	vor.u32 s23, v0;
	v60 =	vor.u32 s21, v0;
	v33 =	vld.idx.msk [tilespmem:v40+s3+$0x0], $0xffff  }
0xb6: {  	[tilespmem:v61+s10+$0x0] =	vst.idx.msk $0xffff, v57;
	v57 =	vand.u32 $0x6F, v59;
	v41 =	vand.u32 $0x4F, v55;
	v36 =	vand.u32 $0x5F, v56;
	v38 =	vld.idx.msk [tilespmem:v38+s3+$0x0], $0xffff  }
0xb7: {  	v32 =	vand.u32 $0x7F, v58;
	v61 =	vld.idx.msk [tilespmem:v62+s3+$0x0], $0xffff;
	[tilespmem:v31+s10+$0x0] =	vst.idx.msk $0xffff, v37;
	v31 =	vand.u32 $0x4F, v34;
	v62 =	vand.u32 $0x5F, v35  }
0xb8: {  	v56 =	vor.u32 v57, v19;
	v57 =	vor.u32 v57, v20;
	v55 =	vor.u32 v41, v25  }
0xb9: {  	v49 =	vor.u32 v36, v24;
	v42 =	vor.u32 v32, v23;
	v43 =	vor.u32 v41, v28  }
0xba: {  	v36 =	vor.u32 v36, v27;
	v63 =	vld.idx.msk [tilespmem:v63+s3+$0x0], $0xffff;
	v40 =	vor.u32 v32, v26;
	v45 =	vor.u32 v31, v25  }
0xbb: {  	v32 =	vand.u32 $0x7F, v60;
	v41 =	vor.u32 v62, v24;
	v39 =	vor.u32 v62, v27;
	[tilespmem:v29+s10+$0x0] =	vst.idx.msk $0xffff, v33  }
0xbc: {  	v60 =	vor.u32 s22, v22;
	v37 =	vor.u32 v32, v23;
	v32 =	vor.u32 v32, v26;
	[tilespmem:v30+s10+$0x0] =	vst.idx.msk $0xffff, v38  }
0xbd: {  	v29 =	vor.u32 s23, v22;
	v38 =	vor.u32 v31, v28;
	v30 =	vand.u32 $0x4F, v60;
	[tilespmem:v1+s10+$0x0] =	vst.idx.msk $0xffff, v61  }
0xbe: {  	v61 =	vor.u32 s21, v22;
	v35 =	vor.u32 v30, v25;
	v30 =	vor.u32 v30, v28;
	v56 =	vld.idx.msk [tilespmem:v56+s3+$0x0], $0xffff  }
0xbf: {  	[tilespmem:v2+s10+$0x0] =	vst.idx.msk $0xffff, v63;
	v62 =	vand.u32 $0x5F, v29;
	v1 =	vand.u32 $0x7F, v61;
	v63 =	vor.u32 s20, v12;
	v25 =	vld.idx.msk [tilespmem:v21+s3+$0x0], $0xffff  }
0xc0: {  	v33 =	vor.u32 v62, v24;
	v24 =	vld.idx.msk [tilespmem:v4+s3+$0x0], $0xffff;
	v34 =	vor.u32 v1, v23;
	v23 =	vand.u32 $0x6F, v63  }
0xc1: {  	s22 =	simm.s32 $0x70;
	s21 =	simm.s32 $0x0;
	v31 =	vor.u32 v62, v27;
	v29 =	vor.u32 v1, v26;
	v26 =	vld.idx.msk [tilespmem:v18+s3+$0x0], $0xffff;
	v27 =	vor.u32 v23, v19  }
.LBB2_4:
0xc2: {  	_ = 	snop  }
0xc3: {  	s24 =	sadd.s32 $0xFFFFFFD0, s22;
	v1 =	vmov s22;
	v3 =	vlaneseq.u32;
	v0 =	vld [tilespmem:$0x1FEE0]  }
0xc4: {  	s23 =	sadd.s32 $0xFFFFFFE0, s22;
	s25 =	sadd.s32 $0xFFFFFFF0, s22;
	v18 =	vor.u32 s22, v6;
	v22 =	vld [tilespmem:$0x1FF30];
	v2 =	vor.u32 s22, v3;
	v28 =	vmov s24  }
0xc5: {  	v58 =	vmov s23;
	v59 =	vmov s25;
	v61 =	vor.u32 s25, v3;
	[tilespmem:v57+s10+$0x0] =	vst.idx.msk $0xffff, v56  }
0xc6: {  	v18 =	vand.u32 $0x7F, v18;
	v60 =	vand.u32 $0x80, v28;
	v62 =	vand.u32 $0x80, v59;
	[tilespmem:v50+s10+$0x0] =	vst.idx.msk $0xffff, v24  }
0xc7: {  	v2 =	vand.u32 $0x7F, v2;
	v57 =	vand.u32 $0x6F, v61;
	[tilespmem:v52+s10+$0x0] =	vst.idx.msk $0xffff, v25;
	v52 =	vor.u32 v23, v20  }
0xc8: {  	v4 =	vld [tilespmem:$0x1FEF0];
	v25 =	vand.u32 $0x80, v58;
	[tilespmem:v48+s10+$0x0] =	vst.idx.msk $0xffff, v26;
	v26 =	vor.u32 s23, v3;
	v48 =	vand.u32 $0x80, v1  }
0xc9: {  	v1 =	vshll.u32 v1, $0x3;
	v56 =	vor.u32 v0, v62;
	v24 =	vor.u32 s20, v22;
	v53 =	vld.idx.msk [tilespmem:v53+s3+$0x0], $0xffff  }
0xca: {  	v54 =	vld.idx.msk [tilespmem:v54+s3+$0x0], $0xffff;
	v50 =	vor.u32 v57, v56;
	v61 =	vand.u32 $0x6F, v24;
	v24 =	vor.u32 s24, v3  }
0xcb: {  	v27 =	vld.idx.msk [tilespmem:v27+s3+$0x0], $0xffff;
	v23 =	vor.u32 v0, v60;
	v62 =	vor.u32 v61, v19;
	v60 =	vand.u32 $0x4F, v24  }
0xcc: {  	v21 =	vld [tilespmem:$0x1FFD0];
	v24 =	vor.u32 v0, v25;
	v25 =	vshll.u32 v59, $0x3;
	v59 =	vand.u32 $0x5F, v26  }
0xcd: {  	v26 =	vand.u32 $0x400, v25;
	v25 =	vor.u32 v0, v48;
	v0 =	vor.u32 v59, v24  }
0xce: {  	v51 =	vld.idx.msk [tilespmem:v51+s3+$0x0], $0xffff;
	[tilespmem:v46+s10+$0x0] =	vst.idx.msk $0xffff, v53;
	v46 =	vor.u32 v61, v20;
	v61 =	vor.u32 v60, v23  }
0xcf: {  	v1 =	vand.u32 $0x400, v1;
	[tilespmem:v47+s10+$0x0] =	vst.idx.msk $0xffff, v54;
	v47 =	vor.u32 s24, v6;
	v48 =	vld.idx.msk [tilespmem:v50+s3+$0x0], $0xffff;
	v50 =	vor.u32 v26, v4  }
0xd0: {  	v26 =	vor.u32 s25, v6;
	[tilespmem:v52+s10+$0x0] =	vst.idx.msk $0xffff, v27;
	v27 =	vshll.u32 v58, $0x3;
	v58 =	vor.u32 v2, v25  }
0xd1: {  	v52 =	vor.u32 v57, v50;
	v57 =	vand.u32 $0x6F, v26;
	v26 =	vor.u32 s20, v21  }
0xd2: {  	v47 =	vand.u32 $0x4F, v47;
	v62 =	vld.idx.msk [tilespmem:v62+s3+$0x0], $0xffff;
	v63 =	vor.u32 v57, v56;
	v53 =	vand.u32 $0x6F, v26  }
0xd3: {  	[tilespmem:v44+s10+$0x0] =	vst.idx.msk $0xffff, v51;
	v26 =	vshll.u32 v28, $0x3;
	v28 =	vand.u32 $0x400, v27;
	v3 =	vor.u32 v53, v19  }
0xd4: {  	v55 =	vld.idx.msk [tilespmem:v55+s3+$0x0], $0xffff;
	v19 =	vmovc v56;
	v26 =	vand.u32 $0x400, v26;
	v53 =	vor.u32 v53, v20;
	v56 =	vor.u32 v47, v23  }
0xd5: {  	v44 =	vld.idx.msk [tilespmem:v49+s3+$0x0], $0xffff;
	v27 =	vor.u32 v26, v4;
	v26 =	vor.u32 v28, v4;
	v28 =	vor.u32 v1, v4  }
0xd6: {  	v0 =	vld.idx.msk [tilespmem:v0+s3+$0x0], $0xffff;
	v1 =	vor.u32 v60, v27;
	v54 =	vor.u32 v59, v26;
	[tilespmem:v52+s10+$0x0] =	vst.idx.msk $0xffff, v48  }
0xd7: {  	v2 =	vor.u32 v2, v28;
	v49 =	vld.idx.msk [tilespmem:v63+s3+$0x0], $0xffff;
	[tilespmem:v46+s10+$0x0] =	vst.idx.msk $0xffff, v62;
	v46 =	vor.u32 v57, v50  }
0xd8: {  	s20 =	smov.u32 s25;
	v60 =	vor.u32 s24, v9;
	v47 =	vor.u32 v47, v27;
	v48 =	vor.u32 s23, v6;
	v63 =	vld.idx.msk [tilespmem:v61+s3+$0x0], $0xffff  }
0xd9: {  	v59 =	vor.u32 s23, v11;
	v62 =	vor.u32 s20, v9;
	v48 =	vand.u32 $0x5F, v48;
	v57 =	vld.idx.msk [tilespmem:v58+s3+$0x0], $0xffff;
	[tilespmem:v43+s10+$0x0] =	vst.idx.msk $0xffff, v55  }
0xda: {  	v58 =	vor.u32 v18, v25;
	v3 =	vld.idx.msk [tilespmem:v3+s3+$0x0], $0xffff;
	v51 =	vand.u32 $0x6F, v62;
	v55 =	vor.u32 v48, v24  }
0xdb: {  	v20 =	vmovc v50;
	v61 =	vor.u32 s23, v9;
	v43 =	vand.u32 $0x4F, v60;
	v50 =	vor.u32 v51, v19;
	[tilespmem:v54+s10+$0x0] =	vst.idx.msk $0xffff, v0  }
0xdc: {  	v42 =	vld.idx.msk [tilespmem:v42+s3+$0x0], $0xffff;
	v18 =	vor.u32 v18, v28;
	v60 =	vor.u32 s20, v10;
	v62 =	vor.u32 s22, v9;
	[tilespmem:v46+s10+$0x0] =	vst.idx.msk $0xffff, v49  }
0xdd: {  	v45 =	vld.idx.msk [tilespmem:v45+s3+$0x0], $0xffff;
	v48 =	vor.u32 v48, v26;
	v0 =	vor.u32 v51, v20;
	[tilespmem:v1+s10+$0x0] =	vst.idx.msk $0xffff, v63  }
0xde: {  	v51 =	vor.u32 v43, v23;
	v43 =	vor.u32 v43, v27;
	v63 =	vand.u32 $0x5F, v61;
	[tilespmem:v2+s10+$0x0] =	vst.idx.msk $0xffff, v57  }
0xdf: {  	v46 =	vand.u32 $0x7F, v62;
	v61 =	vor.u32 s24, v10;
	v49 =	vand.u32 $0x6F, v60;
	[tilespmem:v53+s10+$0x0] =	vst.idx.msk $0xffff, v3;
	v53 =	vld.idx.msk [tilespmem:v55+s3+$0x0], $0xffff  }
0xe0: {  	v54 =	vor.u32 v49, v19;
	v2 =	vor.u32 v63, v24;
	v57 =	vor.u32 v46, v25;
	v3 =	vld.idx.msk [tilespmem:v50+s3+$0x0], $0xffff  }
0xe1: {  	v62 =	vor.u32 s23, v10;
	v1 =	vor.u32 v63, v26;
	[tilespmem:v36+s10+$0x0] =	vst.idx.msk $0xffff, v44;
	v60 =	vand.u32 $0x4F, v61;
	v50 =	vld.idx.msk [tilespmem:v56+s3+$0x0], $0xffff  }
0xe2: {  	v61 =	vand.u32 $0x5F, v62;
	v46 =	vor.u32 v46, v28;
	v49 =	vor.u32 v49, v20;
	v56 =	vld.idx.msk [tilespmem:v58+s3+$0x0], $0xffff  }
0xe3: {  	v63 =	vor.u32 s22, v10;
	[tilespmem:v40+s10+$0x0] =	vst.idx.msk $0xffff, v42;
	v40 =	vor.u32 v60, v23;
	v42 =	vor.u32 v61, v24  }
0xe4: {  	v41 =	vld.idx.msk [tilespmem:v41+s3+$0x0], $0xffff;
	v62 =	vand.u32 $0x7F, v63;
	v58 =	vor.u32 s20, v11;
	v36 =	vor.u32 v60, v27;
	[tilespmem:v48+s10+$0x0] =	vst.idx.msk $0xffff, v53  }
0xe5: {  	v44 =	vor.u32 v61, v26;
	v61 =	vor.u32 s24, v14;
	v52 =	vor.u32 v62, v25;
	[tilespmem:v0+s10+$0x0] =	vst.idx.msk $0xffff, v3  }
0xe6: {  	v48 =	vand.u32 $0x5F, v59;
	v59 =	vor.u32 s24, v8;
	[tilespmem:v47+s10+$0x0] =	vst.idx.msk $0xffff, v50;
	v3 =	vor.u32 s24, v11;
	v2 =	vld.idx.msk [tilespmem:v2+s3+$0x0], $0xffff  }
0xe7: {  	v50 =	vand.u32 $0x6F, v58;
	[tilespmem:v18+s10+$0x0] =	vst.idx.msk $0xffff, v56;
	v18 =	vor.u32 s22, v11;
	v0 =	vor.u32 v62, v28;
	v63 =	vld.idx.msk [tilespmem:v54+s3+$0x0], $0xffff  }
0xe8: {  	v62 =	vor.u32 s23, v14;
	v51 =	vld.idx.msk [tilespmem:v51+s3+$0x0], $0xffff;
	v3 =	vand.u32 $0x4F, v3;
	v53 =	vor.u32 v50, v19  }
0xe9: {  	v60 =	vld.idx.msk [tilespmem:v57+s3+$0x0], $0xffff;
	v18 =	vand.u32 $0x7F, v18;
	[tilespmem:v38+s10+$0x0] =	vst.idx.msk $0xffff, v45;
	v45 =	vor.u32 v48, v24;
	v38 =	vand.u32 $0x4F, v61  }
0xea: {  	[tilespmem:v39+s10+$0x0] =	vst.idx.msk $0xffff, v41;
	v37 =	vld.idx.msk [tilespmem:v37+s3+$0x0], $0xffff;
	v57 =	vand.u32 $0x5F, v62;
	v58 =	vor.u32 v50, v20;
	v61 =	vor.u32 s22, v8  }
0xeb: {  	v62 =	vand.u32 $0x4F, v59;
	v55 =	vor.u32 v3, v23;
	v56 =	vor.u32 v18, v25;
	[tilespmem:v1+s10+$0x0] =	vst.idx.msk $0xffff, v2  }
0xec: {  	v3 =	vor.u32 v3, v27;
	v35 =	vld.idx.msk [tilespmem:v35+s3+$0x0], $0xffff;
	v18 =	vor.u32 v18, v28;
	[tilespmem:v49+s10+$0x0] =	vst.idx.msk $0xffff, v63  }
0xed: {  	v54 =	vor.u32 s20, v8;
	v1 =	vor.u32 v57, v26;
	v63 =	vor.u32 s22, v14;
	[tilespmem:v43+s10+$0x0] =	vst.idx.msk $0xffff, v51;
	v42 =	vld.idx.msk [tilespmem:v42+s3+$0x0], $0xffff  }
0xee: {  	v43 =	vor.u32 v48, v26;
	[tilespmem:v46+s10+$0x0] =	vst.idx.msk $0xffff, v60;
	v46 =	vor.u32 v38, v23;
	v47 =	vld.idx.msk [tilespmem:v53+s3+$0x0], $0xffff  }
0xef: {  	v49 =	vor.u32 v57, v24;
	v60 =	vor.u32 s23, v8;
	v53 =	vor.u32 s20, v14;
	v40 =	vld.idx.msk [tilespmem:v40+s3+$0x0], $0xffff  }
0xf0: {  	v50 =	vld.idx.msk [tilespmem:v52+s3+$0x0], $0xffff;
	v41 =	vand.u32 $0x7F, v63;
	[tilespmem:v32+s10+$0x0] =	vst.idx.msk $0xffff, v37;
	v32 =	vor.u32 v38, v27;
	v63 =	vand.u32 $0x5F, v60  }
0xf1: {  	v37 =	vand.u32 $0x7F, v61;
	v60 =	vor.u32 s23, v13;
	v61 =	vor.u32 s22, v13  }
0xf2: {  	v33 =	vld.idx.msk [tilespmem:v33+s3+$0x0], $0xffff;
	v39 =	vand.u32 $0x6F, v53;
	v53 =	vor.u32 v41, v25;
	v2 =	vor.u32 v41, v28  }
0xf3: {  	v34 =	vld.idx.msk [tilespmem:v34+s3+$0x0], $0xffff;
	v41 =	vand.u32 $0x6F, v54;
	v52 =	vor.u32 v37, v25;
	v48 =	vor.u32 v39, v19  }
0xf4: {  	v37 =	vor.u32 v37, v28;
	v54 =	vor.u32 s24, v15;
	v39 =	vor.u32 v39, v20;
	[tilespmem:v44+s10+$0x0] =	vst.idx.msk $0xffff, v42  }
0xf5: {  	v59 =	vor.u32 v41, v19;
	v41 =	vor.u32 v41, v20;
	[tilespmem:v36+s10+$0x0] =	vst.idx.msk $0xffff, v40;
	v42 =	vld.idx.msk [tilespmem:v45+s3+$0x0], $0xffff  }
0xf6: {  	v44 =	vor.u32 v63, v24;
	v36 =	vor.u32 v62, v23;
	[tilespmem:v0+s10+$0x0] =	vst.idx.msk $0xffff, v50;
	v57 =	vld.idx.msk [tilespmem:v55+s3+$0x0], $0xffff  }
0xf7: {  	[tilespmem:v58+s10+$0x0] =	vst.idx.msk $0xffff, v47;
	v58 =	vor.u32 s24, v13;
	v0 =	vand.u32 $0x5F, v60;
	v60 =	vor.u32 s22, v16;
	v50 =	vld.idx.msk [tilespmem:v56+s3+$0x0], $0xffff  }
0xf8: {  	[tilespmem:v30+s10+$0x0] =	vst.idx.msk $0xffff, v35;
	v30 =	vor.u32 v62, v27;
	v35 =	vor.u32 v63, v26;
	v40 =	vld.idx.msk [tilespmem:v48+s3+$0x0], $0xffff  }
0xf9: {  	[tilespmem:v31+s10+$0x0] =	vst.idx.msk $0xffff, v33;
	v62 =	vand.u32 $0x4F, v58;
	v63 =	vand.u32 $0x7F, v61;
	v51 =	vor.u32 v0, v24  }
0xfa: {  	v55 =	vor.u32 s20, v13;
	v0 =	vor.u32 v0, v26;
	v31 =	vor.u32 v62, v23;
	[tilespmem:v43+s10+$0x0] =	vst.idx.msk $0xffff, v42  }
0xfb: {  	v56 =	vor.u32 s22, v15;
	v45 =	vor.u32 v63, v25;
	v38 =	vor.u32 v62, v27;
	[tilespmem:v3+s10+$0x0] =	vst.idx.msk $0xffff, v57  }
0xfc: {  	v61 =	vor.u32 s20, v15;
	v48 =	vor.u32 v63, v28;
	v42 =	vand.u32 $0x7F, v56;
	v43 =	vld.idx.msk [tilespmem:v49+s3+$0x0], $0xffff;
	[tilespmem:v18+s10+$0x0] =	vst.idx.msk $0xffff, v50  }
0xfd: {  	v3 =	vor.u32 s23, v15;
	v18 =	vand.u32 $0x4F, v54;
	[tilespmem:v39+s10+$0x0] =	vst.idx.msk $0xffff, v40;
	v46 =	vld.idx.msk [tilespmem:v46+s3+$0x0], $0xffff;
	v40 =	vand.u32 $0x6F, v55  }
0xfe: {  	v58 =	vld.idx.msk [tilespmem:v53+s3+$0x0], $0xffff;
	v49 =	vor.u32 v18, v23;
	v3 =	vand.u32 $0x5F, v3;
	[tilespmem:v29+s10+$0x0] =	vst.idx.msk $0xffff, v34;
	v29 =	vor.u32 s24, v16  }
0xff: {  	v53 =	vor.u32 v42, v25;
	v18 =	vor.u32 v18, v27;
	v39 =	vld.idx.msk [tilespmem:v59+s3+$0x0], $0xffff;
	v57 =	vor.u32 v40, v19  }
0x100: {  	v34 =	vor.u32 v3, v24;
	v59 =	vor.u32 s23, v16;
	v29 =	vand.u32 $0x4F, v29  }
0x101: {  	v3 =	vor.u32 v3, v26;
	v40 =	vor.u32 v40, v20;
	v62 =	vand.u32 $0x5F, v59;
	[tilespmem:v1+s10+$0x0] =	vst.idx.msk $0xffff, v43  }
0x102: {  	v33 =	vor.u32 v29, v23;
	v29 =	vor.u32 v29, v27;
	[tilespmem:v32+s10+$0x0] =	vst.idx.msk $0xffff, v46;
	v43 =	vld.idx.msk [tilespmem:v44+s3+$0x0], $0xffff  }
0x103: {  	v1 =	vor.u32 v62, v26;
	[tilespmem:v2+s10+$0x0] =	vst.idx.msk $0xffff, v58;
	v2 =	vor.u32 v42, v28;
	v36 =	vld.idx.msk [tilespmem:v36+s3+$0x0], $0xffff  }
0x104: {  	v55 =	vor.u32 s24, v5;
	v42 =	vor.u32 v62, v24;
	v62 =	vor.u32 s22, v17;
	[tilespmem:v41+s10+$0x0] =	vst.idx.msk $0xffff, v39;
	v46 =	vld.idx.msk [tilespmem:v52+s3+$0x0], $0xffff  }
0x105: {  	v41 =	vand.u32 $0x6F, v61;
	v39 =	vand.u32 $0x7F, v60;
	v60 =	vor.u32 s24, v17;
	v32 =	vld.idx.msk [tilespmem:v57+s3+$0x0], $0xffff  }
0x106: {  	v61 =	vor.u32 s23, v17;
	v54 =	vand.u32 $0x7F, v62;
	v63 =	vor.u32 v41, v19  }
0x107: {  	v52 =	vor.u32 s22, v5;
	v56 =	vor.u32 v39, v25;
	v47 =	vand.u32 $0x4F, v60;
	[tilespmem:v35+s10+$0x0] =	vst.idx.msk $0xffff, v43  }
0x108: {  	v58 =	vor.u32 v54, v25;
	v35 =	vor.u32 v41, v20;
	[tilespmem:v30+s10+$0x0] =	vst.idx.msk $0xffff, v36;
	v41 =	vld.idx.msk [tilespmem:v51+s3+$0x0], $0xffff  }
0x109: {  	v50 =	vand.u32 $0x5F, v61;
	v61 =	vor.u32 v54, v28;
	v54 =	vand.u32 $0x4F, v55;
	[tilespmem:v37+s10+$0x0] =	vst.idx.msk $0xffff, v46;
	v31 =	vld.idx.msk [tilespmem:v31+s3+$0x0], $0xffff  }
0x10a: {  	v44 =	vand.u32 $0x7F, v52;
	v55 =	vor.u32 s24, v7;
	v57 =	vor.u32 v50, v24;
	[tilespmem:v40+s10+$0x0] =	vst.idx.msk $0xffff, v32;
	v45 =	vld.idx.msk [tilespmem:v45+s3+$0x0], $0xffff  }
0x10b: {  	v59 =	vor.u32 v47, v27;
	v60 =	vor.u32 v50, v26;
	v36 =	vld.idx.msk [tilespmem:v63+s3+$0x0], $0xffff;
	v63 =	vor.u32 s20, v16  }
0x10c: {  	v62 =	vor.u32 v54, v23;
	v32 =	vor.u32 v39, v28;
	v39 =	vand.u32 $0x6F, v63  }
0x10d: {  	v4 =	vor.u32 v44, v25;
	v50 =	vor.u32 v54, v27;
	v43 =	vor.u32 v39, v19  }
0x10e: {  	v30 =	vor.u32 v47, v23;
	v51 =	vor.u32 s23, v5;
	v47 =	vand.u32 $0x4F, v55;
	[tilespmem:v0+s10+$0x0] =	vst.idx.msk $0xffff, v41  }
0x10f: {  	v37 =	vand.u32 $0x5F, v51;
	v46 =	vor.u32 v47, v27;
	[tilespmem:v38+s10+$0x0] =	vst.idx.msk $0xffff, v31;
	v34 =	vld.idx.msk [tilespmem:v34+s3+$0x0], $0xffff  }
0x110: {  	v52 =	vor.u32 v37, v26;
	v63 =	vor.u32 v37, v24;
	[tilespmem:v48+s10+$0x0] =	vst.idx.msk $0xffff, v45;
	v38 =	vld.idx.msk [tilespmem:v49+s3+$0x0], $0xffff  }
0x111: {  	v55 =	vor.u32 s20, v5;
	v0 =	vor.u32 v39, v20;
	v39 =	vor.u32 s22, v7;
	[tilespmem:v35+s10+$0x0] =	vst.idx.msk $0xffff, v36;
	v37 =	vld.idx.msk [tilespmem:v53+s3+$0x0], $0xffff  }
0x112: {  	v31 =	vor.u32 s23, v7;
	v48 =	vor.u32 v44, v28;
	v35 =	vld.idx.msk [tilespmem:v43+s3+$0x0], $0xffff;
	v43 =	vor.u32 s20, v17  }
0x113: {  	v39 =	vand.u32 $0x7F, v39;
	v45 =	vor.u32 s23, v22;
	v36 =	vand.u32 $0x6F, v43  }
0x114: {  	v53 =	vor.u32 v47, v23;
	v31 =	vand.u32 $0x5F, v31;
	v40 =	vor.u32 v36, v19  }
0x115: {  	v54 =	vor.u32 v39, v25;
	v49 =	vor.u32 s23, v12;
	v47 =	vor.u32 v39, v28;
	[tilespmem:v3+s10+$0x0] =	vst.idx.msk $0xffff, v34  }
0x116: {  	v51 =	vor.u32 v31, v24;
	v44 =	vor.u32 v31, v26;
	[tilespmem:v18+s10+$0x0] =	vst.idx.msk $0xffff, v38;
	v38 =	vld.idx.msk [tilespmem:v42+s3+$0x0], $0xffff  }
0x117: {  	v43 =	vor.u32 s24, v12;
	v3 =	vand.u32 $0x5F, v49;
	v34 =	vor.u32 v36, v20;
	[tilespmem:v2+s10+$0x0] =	vst.idx.msk $0xffff, v37;
	v33 =	vld.idx.msk [tilespmem:v33+s3+$0x0], $0xffff  }
0x118: {  	v39 =	vand.u32 $0x5F, v45;
	v18 =	vand.u32 $0x4F, v43;
	v49 =	vor.u32 v3, v24;
	v2 =	vld.idx.msk [tilespmem:v56+s3+$0x0], $0xffff;
	[tilespmem:v0+s10+$0x0] =	vst.idx.msk $0xffff, v35  }
0x119: {  	v36 =	vor.u32 v3, v26;
	v3 =	vor.u32 s22, v22;
	v35 =	vand.u32 $0x6F, v55;
	v31 =	vld.idx.msk [tilespmem:v40+s3+$0x0], $0xffff  }
0x11a: {  	v56 =	vor.u32 s24, v22;
	v43 =	vor.u32 v18, v27;
	v41 =	vor.u32 v35, v19  }
0x11b: {  	v3 =	vand.u32 $0x7F, v3;
	v0 =	vor.u32 s22, v12;
	v55 =	vor.u32 v18, v23;
	[tilespmem:v1+s10+$0x0] =	vst.idx.msk $0xffff, v38  }
0x11c: {  	v18 =	vand.u32 $0x4F, v56;
	v37 =	vor.u32 v3, v25;
	v0 =	vand.u32 $0x7F, v0;
	[tilespmem:v29+s10+$0x0] =	vst.idx.msk $0xffff, v33;
	v57 =	vld.idx.msk [tilespmem:v57+s3+$0x0], $0xffff  }
0x11d: {  	v45 =	vor.u32 v18, v23;
	v42 =	vor.u32 v0, v25;
	[tilespmem:v32+s10+$0x0] =	vst.idx.msk $0xffff, v2;
	v30 =	vld.idx.msk [tilespmem:v30+s3+$0x0], $0xffff  }
0x11e: {  	v40 =	vor.u32 v0, v28;
	v29 =	vor.u32 s20, v7;
	v58 =	vld.idx.msk [tilespmem:v58+s3+$0x0], $0xffff;
	[tilespmem:v34+s10+$0x0] =	vst.idx.msk $0xffff, v31  }
0x11f: {  	v1 =	vor.u32 v35, v20;
	v2 =	vor.u32 s23, v21;
	v29 =	vand.u32 $0x6F, v29;
	v0 =	vld.idx.msk [tilespmem:v41+s3+$0x0], $0xffff  }
0x120: {  	s21 =	sadd.s32 $0x4, s21;
	v38 =	vor.u32 v18, v27;
	v2 =	vand.u32 $0x5F, v2;
	v34 =	vor.u32 v29, v19  }
0x121: {  	p1 =	slt.u32 s21, $0xC;
	v32 =	vor.u32 v3, v28;
	v33 =	vor.u32 v2, v24;
	[tilespmem:v60+s10+$0x0] =	vst.idx.msk $0xffff, v57  }
.Ltmp0:
0x122: {  	v31 =	vor.u32 s24, v21;
	v41 =	vor.u32 v39, v24;
	v39 =	vor.u32 v39, v26;
	[tilespmem:v59+s10+$0x0] =	vst.idx.msk $0xffff, v30;
	(pc) =	sbr.rel @p1 .LBB2_4-.Ltmp0, $4  }
0x123: {  	v56 =	vor.u32 s22, v21;
	v3 =	vand.u32 $0x4F, v31;
	v31 =	vor.u32 v2, v26;
	[tilespmem:v61+s10+$0x0] =	vst.idx.msk $0xffff, v58;
	v24 =	vld.idx.msk [tilespmem:v62+s3+$0x0], $0xffff  }
0x124: {  	v18 =	vand.u32 $0x7F, v56;
	v35 =	vor.u32 v3, v23;
	v26 =	vld.idx.msk [tilespmem:v4+s3+$0x0], $0xffff;
	[tilespmem:v1+s10+$0x0] =	vst.idx.msk $0xffff, v0;
	v0 =	vor.u32 s20, v12  }
0x125: {  	v57 =	vor.u32 v29, v20;
	v29 =	vor.u32 v18, v28;
	v56 =	vld.idx.msk [tilespmem:v34+s3+$0x0], $0xffff;
	v23 =	vand.u32 $0x6F, v0  }
0x126: {  	s22 =	sadd.s32 $0x40, s22;
	v30 =	vor.u32 v3, v27;
	v34 =	vor.u32 v18, v25;
	v25 =	vld.idx.msk [tilespmem:v63+s3+$0x0], $0xffff;
	v27 =	vor.u32 v23, v19  }
0x127: {  	_ =	sdelay $0x3  }
0x128: {  	[tilespmem:v50+s10+$0x0] =	vst.idx.msk $0xffff, v24  }
0x129: {  	v0 =	vld.idx.msk [tilespmem:v53+s3+$0x0], $0xffff;
	[tilespmem:v48+s10+$0x0] =	vst.idx.msk $0xffff, v26  }
0x12a: {  	v2 =	vld.idx.msk [tilespmem:v54+s3+$0x0], $0xffff;
	[tilespmem:v57+s10+$0x0] =	vst.idx.msk $0xffff, v56  }
0x12b: {  	[tilespmem:v52+s10+$0x0] =	vst.idx.msk $0xffff, v25;
	v4 =	vld.idx.msk [tilespmem:v27+s3+$0x0], $0xffff  }
0x12c: {  	v18 =	vor.u32 v23, v20;
	v1 =	vld.idx.msk [tilespmem:v51+s3+$0x0], $0xffff  }
0x12d: {  	v24 =	vld [tilespmem:$0x1FF30];
	_ =	sdelay $0x1  }
0x12e: {  	[tilespmem:v46+s10+$0x0] =	vst.idx.msk $0xffff, v0  }
0x12f: {  	[tilespmem:v47+s10+$0x0] =	vst.idx.msk $0xffff, v2  }
0x130: {  	[tilespmem:v18+s10+$0x0] =	vst.idx.msk $0xffff, v4  }
0x131: {  	v2 =	vld.idx.msk [tilespmem:v42+s3+$0x0], $0xffff;
	v3 =	vor.u32 s20, v24;
	[tilespmem:v44+s10+$0x0] =	vst.idx.msk $0xffff, v1  }
0x132: {  	v3 =	vand.u32 $0x6F, v3;
	v22 =	vld [tilespmem:$0x1FFD0]  }
0x133: {  	v1 =	vld.idx.msk [tilespmem:v49+s3+$0x0], $0xffff;
	v61 =	vor.u32 v3, v19  }
0x134: {  	v21 =	vld.idx.msk [tilespmem:v55+s3+$0x0], $0xffff;
	_ =	sdelay $0x1  }
0x135: {  	[tilespmem:v40+s10+$0x0] =	vst.idx.msk $0xffff, v2  }
0x136: {  	v2 =	vld.idx.msk [tilespmem:v37+s3+$0x0], $0xffff;
	v4 =	vor.u32 s20, v22  }
0x137: {  	v3 =	vor.u32 v3, v20;
	[tilespmem:v36+s10+$0x0] =	vst.idx.msk $0xffff, v1;
	v0 =	vld.idx.msk [tilespmem:v61+s3+$0x0], $0xffff;
	v4 =	vand.u32 $0x6F, v4  }
0x138: {  	[tilespmem:v43+s10+$0x0] =	vst.idx.msk $0xffff, v21;
	v1 =	vld.idx.msk [tilespmem:v41+s3+$0x0], $0xffff;
	v18 =	vor.u32 v4, v19  }
0x139: {  	v19 =	vld.idx.msk [tilespmem:v45+s3+$0x0], $0xffff;
	_ =	sdelay $0x1  }
0x13a: {  	[tilespmem:v32+s10+$0x0] =	vst.idx.msk $0xffff, v2  }
0x13b: {  	v2 =	vld.idx.msk [tilespmem:v34+s3+$0x0], $0xffff;
	[tilespmem:v3+s10+$0x0] =	vst.idx.msk $0xffff, v0  }
0x13c: {  	v62 =	vor.u32 v4, v20;
	[tilespmem:v39+s10+$0x0] =	vst.idx.msk $0xffff, v1;
	v0 =	vld.idx.msk [tilespmem:v18+s3+$0x0], $0xffff  }
0x13d: {  	[tilespmem:v38+s10+$0x0] =	vst.idx.msk $0xffff, v19;
	v4 =	vld.idx.msk [tilespmem:v33+s3+$0x0], $0xffff  }
0x13e: {  	s19 =	sadd.s32 $0x1, s19;
	v63 =	vld.idx.msk [tilespmem:v35+s3+$0x0], $0xffff  }
0x13f: {  	p1 =	sne.s32 s19, $0x8  }
.Ltmp1:
0x140: {  	[tilespmem:v29+s10+$0x0] =	vst.idx.msk $0xffff, v2;
	(pc) =	sbr.rel @p1 .LBB2_3-.Ltmp1, $4  }
0x141: {  	[tilespmem:v62+s10+$0x0] =	vst.idx.msk $0xffff, v0  }
0x142: {  	v12 =	vmov v8;
	v8 =	vmov v10;
	v10 =	vmov v11;
	[tilespmem:v31+s10+$0x0] =	vst.idx.msk $0xffff, v4  }
0x143: {  	v11 =	vmovc v15;
	v15 =	vmovc v17;
	v17 =	vmov v5;
	v56 =	vmov v13;
	v13 =	vmov v14;
	[tilespmem:v30+s10+$0x0] =	vst.idx.msk $0xffff, v63  }
0x144: {  	v47 =	vmovc v9;
	v9 =	vmovc v24;
	v41 =	vmov v6;
	v34 =	vlaneseq.u32;
	v62 =	vmov v16;
	v6 =	vld [tilespmem:$0x1FF40]  }
0x145: {  	s19 =	smul.u32 $0x60, s17;
	_ =	sdelay $0x1  }
0x146: {  	s19 =	sor.u32 s4, s19  }
0x147: {  	s19 =	sshll.u32 s19, $0xC  }
0x148: {  	s19 =	sadd.s32 s2, s19  }
0x149: {  	[hbm4b:s19+s3] =	stream.linear.scatter [tilespmem:s10], [sflag:$0x1], $0x8000, $0x38;
	[tilespmem:$0x1EB80] =	vst v63  }
0x14a: {  	s20 =	simm.s32 @!p0 $0x2;
	s19 =	sadd.s32 $0x1, s18  }
0x14b: {  	_ =	swait.ge @!p0 [sflag:s20], $0x8000;
	s21 =	sshll.u32 s19, $0x7  }
0x14c: {  	[sflag:s20] =	ssyncset.done @!p0 $0x0;
	v0 =	vor.u32 s21, v34  }
0x14d: {  	[sflag:s20] =	ssyncadd.s32 @!p0 $0xFFFF8000;
	[tilespmem:$0x1FED0] =	vst v0;
	s20 =	simm.s32 $0x0  }
.LBB2_7:
0x14e: {  	v0 =	vld [tilespmem:$0x1FED0];
	_ =	sdelay $0x3  }
0x14f: {  	s21 =	sshll.u32 s20, $0x4  }
0x150: {  	v0 =	vor.u32 s21, v0;
	_ =	sdelay $0x4  }
0x151: {  	v0 =	vld.idx.msk [tilespmem:v0+s7+$0x0], $0xffff;
	_ =	sdelay $0x1  }
0x152: {  	v1 =	vmov s21  }
0x153: {  	s22 =	simm.s32 $0x30;
	v1 =	vshll.u32 v1, $0x8;
	s21 =	simm.s32 $0x20  }
0x154: {  	v46 =	vld [tilespmem:$0x1FF10];
	v48 =	vmov s22;
	v1 =	vor.u32 v6, v1;
	v3 =	vmov s21  }
0x155: {  	s23 =	simm.s32 $0x0;
	v20 =	vor.u32 s21, v34;
	v19 =	vand.u32 $0x80, v3;
	v6 =	vshll.u32 v0, $0x8  }
0x156: {  	v4 =	vmov s23;
	v27 =	vand.u32 $0x6F, v20;
	v19 =	vor.u32 v6, v19  }
0x157: {  	v23 =	vor.u32 s23, v34;
	v29 =	vand.u32 $0x80, v48;
	v28 =	vor.u32 v27, v19  }
0x158: {  	v30 =	vand.u32 $0x4F, v23;
	v1 =	vand.u32 $0x7800, v1;
	v3 =	vshll.u32 v3, $0x3  }
0x159: {  	s24 =	simm.s32 $0x10;
	v7 =	vor.u32 v46, v1;
	v20 =	vand.u32 $0x80, v4;
	v3 =	vand.u32 $0x400, v3  }
0x15a: {  	v25 =	vor.u32 v6, v20;
	v20 =	vor.u32 s24, v34;
	v23 =	vor.u32 v6, v29  }
0x15b: {  	[tilespmem:$0x1FEB0] =	vst v6;
	v31 =	vand.u32 $0x5F, v20;
	v20 =	vor.u32 v3, v7;
	v3 =	vor.u32 s21, v41  }
0x15c: {  	v50 =	vor.u32 v30, v25;
	v29 =	vor.u32 v27, v20;
	v3 =	vand.u32 $0x6F, v3;
	v32 =	vld.idx.msk [tilespmem:v28+s3+$0x0], $0xffff  }
0x15d: {  	v49 =	vor.u32 s22, v34;
	v26 =	vmov s24;
	v33 =	vor.u32 v3, v19  }
0x15e: {  	v24 =	vand.u32 $0x80, v26;
	v1 =	vand.u32 $0x7F, v49;
	v4 =	vshll.u32 v4, $0x3  }
0x15f: {  	v4 =	vand.u32 $0x400, v4;
	v24 =	vor.u32 v6, v24;
	v36 =	vor.u32 v1, v23  }
0x160: {  	v35 =	vor.u32 v31, v24;
	v28 =	vor.u32 v4, v7;
	v4 =	vor.u32 s23, v41;
	[tilespmem:$0x1FEC0] =	vst v7  }
0x161: {  	v51 =	vor.u32 v30, v28;
	v4 =	vand.u32 $0x4F, v4;
	v52 =	vld.idx.msk [tilespmem:v50+s3+$0x0], $0xffff;
	[tilespmem:v29+s11+$0x0] =	vst.idx.msk $0xffff, v32;
	v29 =	vor.u32 s21, v47  }
0x162: {  	v3 =	vor.u32 v3, v20;
	v54 =	vor.u32 v4, v25;
	v30 =	vld.idx.msk [tilespmem:v33+s3+$0x0], $0xffff;
	v29 =	vand.u32 $0x6F, v29  }
0x163: {  	v26 =	vshll.u32 v26, $0x3;
	v53 =	vor.u32 v29, v19  }
0x164: {  	v26 =	vand.u32 $0x400, v26;
	v0 =	vshll.u32 v48, $0x3  }
0x165: {  	v37 =	vor.u32 s24, v41;
	v0 =	vand.u32 $0x400, v0;
	v27 =	vor.u32 v26, v7;
	v35 =	vld.idx.msk [tilespmem:v35+s3+$0x0], $0xffff  }
0x166: {  	v26 =	vor.u32 v0, v7;
	v31 =	vor.u32 v31, v27;
	v36 =	vld.idx.msk [tilespmem:v36+s3+$0x0], $0xffff;
	[tilespmem:v51+s11+$0x0] =	vst.idx.msk $0xffff, v52  }
0x167: {  	v2 =	vor.u32 s22, v41;
	v37 =	vand.u32 $0x5F, v37;
	v1 =	vor.u32 v1, v26;
	v34 =	vld.idx.msk [tilespmem:v54+s3+$0x0], $0xffff;
	[tilespmem:v3+s11+$0x0] =	vst.idx.msk $0xffff, v30  }
0x168: {  	v2 =	vand.u32 $0x7F, v2;
	v39 =	vor.u32 v37, v24;
	v4 =	vor.u32 v4, v28;
	v57 =	vld.idx.msk [tilespmem:v53+s3+$0x0], $0xffff  }
0x169: {  	v5 =	vmov v9;
	v40 =	vor.u32 v2, v23;
	v29 =	vor.u32 v29, v20;
	v9 =	vld [tilespmem:$0x1FF50];
	_ =	sdelay $0x1  }
0x16a: {  	[tilespmem:v31+s11+$0x0] =	vst.idx.msk $0xffff, v35  }
0x16b: {  	[tilespmem:v1+s11+$0x0] =	vst.idx.msk $0xffff, v36  }
0x16c: {  	v3 =	vor.u32 v37, v27;
	[tilespmem:v4+s11+$0x0] =	vst.idx.msk $0xffff, v34;
	v39 =	vld.idx.msk [tilespmem:v39+s3+$0x0], $0xffff  }
0x16d: {  	v2 =	vor.u32 v2, v26;
	v40 =	vld.idx.msk [tilespmem:v40+s3+$0x0], $0xffff;
	v58 =	vor.u32 s21, v9;
	[tilespmem:v29+s11+$0x0] =	vst.idx.msk $0xffff, v57  }
0x16e: {  	v38 =	vor.u32 s23, v47;
	v42 =	vor.u32 s22, v47;
	v31 =	vand.u32 $0x6F, v58;
	v10 =	vld [tilespmem:$0x1FF60]  }
0x16f: {  	v38 =	vand.u32 $0x4F, v38;
	v59 =	vand.u32 $0x7F, v42;
	v62 =	vor.u32 v31, v19  }
0x170: {  	v55 =	vor.u32 s24, v47;
	v61 =	vor.u32 v38, v25;
	v48 =	vor.u32 v59, v23  }
0x171: {  	v38 =	vor.u32 v38, v28;
	v33 =	vor.u32 v59, v26;
	v30 =	vand.u32 $0x5F, v55;
	[tilespmem:v3+s11+$0x0] =	vst.idx.msk $0xffff, v39  }
0x172: {  	v63 =	vor.u32 v30, v24;
	v30 =	vor.u32 v30, v27;
	v60 =	vor.u32 s23, v9;
	[tilespmem:v2+s11+$0x0] =	vst.idx.msk $0xffff, v40  }
0x173: {  	v47 =	vor.u32 s24, v9;
	v49 =	vor.u32 s22, v9;
	v11 =	vld [tilespmem:$0x1FF70];
	v29 =	vor.u32 s21, v10  }
0x174: {  	v37 =	vand.u32 $0x4F, v60;
	v31 =	vor.u32 v31, v20;
	v51 =	vld.idx.msk [tilespmem:v62+s3+$0x0], $0xffff;
	v29 =	vand.u32 $0x6F, v29  }
0x175: {  	v36 =	vand.u32 $0x5F, v47;
	v50 =	vand.u32 $0x7F, v49;
	v52 =	vor.u32 v29, v19  }
0x176: {  	v32 =	vld.idx.msk [tilespmem:v61+s3+$0x0], $0xffff;
	v43 =	vor.u32 v37, v25;
	v44 =	vor.u32 v36, v24;
	v35 =	vor.u32 v50, v23  }
0x177: {  	v1 =	vld.idx.msk [tilespmem:v63+s3+$0x0], $0xffff;
	v37 =	vor.u32 v37, v28;
	v36 =	vor.u32 v36, v27;
	v0 =	vor.u32 v50, v26  }
0x178: {  	v40 =	vld.idx.msk [tilespmem:v48+s3+$0x0], $0xffff;
	v48 =	vor.u32 s22, v12;
	v50 =	vor.u32 s22, v56;
	v4 =	vor.u32 s23, v10  }
0x179: {  	v3 =	vor.u32 s24, v10;
	v53 =	vor.u32 s22, v10;
	v59 =	vor.u32 s21, v11;
	[tilespmem:v31+s11+$0x0] =	vst.idx.msk $0xffff, v51  }
0x17a: {  	v4 =	vand.u32 $0x4F, v4;
	v29 =	vor.u32 v29, v20;
	v34 =	vand.u32 $0x6F, v59;
	v58 =	vld.idx.msk [tilespmem:v52+s3+$0x0], $0xffff  }
0x17b: {  	[tilespmem:v38+s11+$0x0] =	vst.idx.msk $0xffff, v32;
	v3 =	vand.u32 $0x5F, v3;
	v54 =	vand.u32 $0x7F, v53;
	v63 =	vor.u32 v34, v19  }
0x17c: {  	v7 =	vmovc v41;
	v55 =	vor.u32 s23, v11;
	v57 =	vor.u32 s24, v11;
	v61 =	vld.idx.msk [tilespmem:v43+s3+$0x0], $0xffff;
	[tilespmem:v30+s11+$0x0] =	vst.idx.msk $0xffff, v1;
	v53 =	vor.u32 s24, v12  }
0x17d: {  	v2 =	vor.u32 v4, v25;
	v45 =	vor.u32 v3, v24;
	v46 =	vor.u32 v54, v23;
	v44 =	vld.idx.msk [tilespmem:v44+s3+$0x0], $0xffff  }
0x17e: {  	[tilespmem:v33+s11+$0x0] =	vst.idx.msk $0xffff, v40;
	v4 =	vor.u32 v4, v28;
	v60 =	vand.u32 $0x4F, v55;
	v3 =	vor.u32 v3, v27  }
0x17f: {  	v62 =	vand.u32 $0x5F, v57;
	v41 =	vor.u32 v54, v26;
	v55 =	vand.u32 $0x5F, v53;
	[tilespmem:v29+s11+$0x0] =	vst.idx.msk $0xffff, v58;
	v29 =	vld.idx.msk [tilespmem:v35+s3+$0x0], $0xffff  }
0x180: {  	v59 =	vand.u32 $0x7F, v48;
	v34 =	vor.u32 v34, v20;
	v58 =	vor.u32 s21, v12;
	v57 =	vld.idx.msk [tilespmem:v63+s3+$0x0], $0xffff  }
0x181: {  	v1 =	vor.u32 v60, v25;
	v30 =	vor.u32 v62, v24;
	[tilespmem:v37+s11+$0x0] =	vst.idx.msk $0xffff, v61;
	v39 =	vand.u32 $0x6F, v58  }
0x182: {  	v38 =	vor.u32 v60, v28;
	v2 =	vld.idx.msk [tilespmem:v2+s3+$0x0], $0xffff;
	[tilespmem:v36+s11+$0x0] =	vst.idx.msk $0xffff, v44;
	v61 =	vor.u32 v39, v19  }
0x183: {  	v42 =	vor.u32 v62, v27;
	v60 =	vor.u32 s23, v56;
	v62 =	vor.u32 s24, v56;
	v45 =	vld.idx.msk [tilespmem:v45+s3+$0x0], $0xffff  }
0x184: {  	v49 =	vor.u32 v59, v23;
	v31 =	vor.u32 s22, v11;
	v52 =	vor.u32 s23, v12;
	[tilespmem:v0+s11+$0x0] =	vst.idx.msk $0xffff, v29  }
0x185: {  	v53 =	vand.u32 $0x5F, v62;
	v31 =	vand.u32 $0x7F, v31;
	v54 =	vand.u32 $0x4F, v52;
	v52 =	vld.idx.msk [tilespmem:v46+s3+$0x0], $0xffff;
	[tilespmem:v34+s11+$0x0] =	vst.idx.msk $0xffff, v57  }
0x186: {  	v13 =	vmovc v56;
	v14 =	vmovc v12;
	v56 =	vor.u32 s21, v56;
	v43 =	vor.u32 v53, v27;
	v47 =	vor.u32 v31, v23;
	v12 =	vld [tilespmem:$0x1FF80]  }
0x187: {  	v37 =	vor.u32 v53, v24;
	v39 =	vor.u32 v39, v20;
	[tilespmem:v4+s11+$0x0] =	vst.idx.msk $0xffff, v2;
	v4 =	vld.idx.msk [tilespmem:v61+s3+$0x0], $0xffff  }
0x188: {  	v36 =	vor.u32 v55, v24;
	v2 =	vand.u32 $0x6F, v56;
	[tilespmem:v3+s11+$0x0] =	vst.idx.msk $0xffff, v45;
	v1 =	vld.idx.msk [tilespmem:v1+s3+$0x0], $0xffff  }
0x189: {  	v31 =	vor.u32 v31, v26;
	v32 =	vor.u32 v54, v28;
	v58 =	vor.u32 v2, v19;
	v30 =	vld.idx.msk [tilespmem:v30+s3+$0x0], $0xffff  }
0x18a: {  	v35 =	vor.u32 v54, v25;
	v54 =	vand.u32 $0x7F, v50;
	v63 =	vand.u32 $0x4F, v60;
	[tilespmem:v41+s11+$0x0] =	vst.idx.msk $0xffff, v52  }
0x18b: {  	v44 =	vor.u32 v54, v23;
	v40 =	vor.u32 v54, v26;
	v48 =	vor.u32 v63, v25;
	v47 =	vld.idx.msk [tilespmem:v47+s3+$0x0], $0xffff  }
0x18c: {  	v0 =	vor.u32 v55, v27;
	v29 =	vor.u32 v59, v26;
	v15 =	vld [tilespmem:$0x1FF90];
	[tilespmem:v39+s11+$0x0] =	vst.idx.msk $0xffff, v4  }
0x18d: {  	v2 =	vor.u32 v2, v20;
	v55 =	vor.u32 s23, v12;
	v61 =	vor.u32 s21, v12;
	[tilespmem:v38+s11+$0x0] =	vst.idx.msk $0xffff, v1  }
0x18e: {  	v57 =	vor.u32 s24, v12;
	v3 =	vor.u32 s22, v12;
	v1 =	vld.idx.msk [tilespmem:v58+s3+$0x0], $0xffff;
	[tilespmem:v42+s11+$0x0] =	vst.idx.msk $0xffff, v30;
	v30 =	vand.u32 $0x6F, v61  }
0x18f: {  	v34 =	vand.u32 $0x4F, v55;
	v59 =	vand.u32 $0x5F, v57;
	v35 =	vld.idx.msk [tilespmem:v35+s3+$0x0], $0xffff;
	v57 =	vor.u32 v30, v19  }
0x190: {  	v33 =	vor.u32 v63, v28;
	v3 =	vand.u32 $0x7F, v3;
	v41 =	vor.u32 v34, v25;
	v36 =	vld.idx.msk [tilespmem:v36+s3+$0x0], $0xffff  }
0x191: {  	v51 =	vor.u32 v59, v24;
	v52 =	vor.u32 v3, v23;
	v4 =	vor.u32 s22, v15;
	[tilespmem:v31+s11+$0x0] =	vst.idx.msk $0xffff, v47  }
0x192: {  	v34 =	vor.u32 v34, v28;
	v45 =	vor.u32 v59, v27;
	v4 =	vand.u32 $0x7F, v4;
	v46 =	vld.idx.msk [tilespmem:v49+s3+$0x0], $0xffff  }
0x193: {  	v30 =	vor.u32 v30, v20;
	v16 =	vld [tilespmem:$0x1FFA0];
	[tilespmem:v2+s11+$0x0] =	vst.idx.msk $0xffff, v1;
	v55 =	vor.u32 v4, v23  }
0x194: {  	v2 =	vor.u32 v4, v26;
	[tilespmem:v32+s11+$0x0] =	vst.idx.msk $0xffff, v35;
	v4 =	vor.u32 s21, v15;
	v35 =	vld.idx.msk [tilespmem:v57+s3+$0x0], $0xffff  }
0x195: {  	v60 =	vor.u32 s23, v15;
	v53 =	vor.u32 s24, v15;
	[tilespmem:v0+s11+$0x0] =	vst.idx.msk $0xffff, v36;
	v4 =	vand.u32 $0x6F, v4;
	v48 =	vld.idx.msk [tilespmem:v48+s3+$0x0], $0xffff  }
0x196: {  	v62 =	vand.u32 $0x4F, v60;
	v63 =	vand.u32 $0x5F, v53;
	v17 =	vld [tilespmem:$0x1FFB0];
	v0 =	vor.u32 v4, v19  }
0x197: {  	v3 =	vor.u32 v3, v26;
	v31 =	vor.u32 v62, v25;
	v47 =	vor.u32 v63, v24;
	v37 =	vld.idx.msk [tilespmem:v37+s3+$0x0], $0xffff  }
0x198: {  	v39 =	vor.u32 v62, v28;
	v38 =	vor.u32 v63, v27;
	v4 =	vor.u32 v4, v20  }
0x199: {  	v58 =	vor.u32 s23, v16;
	v59 =	vor.u32 s24, v16;
	v60 =	vor.u32 s22, v16;
	[tilespmem:v29+s11+$0x0] =	vst.idx.msk $0xffff, v46  }
0x19a: {  	v61 =	vand.u32 $0x4F, v58;
	v62 =	vand.u32 $0x5F, v59;
	v63 =	vand.u32 $0x7F, v60;
	v44 =	vld.idx.msk [tilespmem:v44+s3+$0x0], $0xffff;
	[tilespmem:v30+s11+$0x0] =	vst.idx.msk $0xffff, v35  }
0x19b: {  	v30 =	vor.u32 s21, v16;
	v32 =	vor.u32 v61, v25;
	v50 =	vor.u32 s23, v17;
	[tilespmem:v33+s11+$0x0] =	vst.idx.msk $0xffff, v48;
	v0 =	vld.idx.msk [tilespmem:v0+s3+$0x0], $0xffff  }
0x19c: {  	v56 =	vor.u32 v62, v24;
	v29 =	vor.u32 s24, v17;
	v30 =	vand.u32 $0x6F, v30;
	[tilespmem:v43+s11+$0x0] =	vst.idx.msk $0xffff, v37;
	v33 =	vld.idx.msk [tilespmem:v41+s3+$0x0], $0xffff  }
0x19d: {  	v57 =	vor.u32 v63, v23;
	v53 =	vor.u32 s22, v17;
	v37 =	vor.u32 v30, v19;
	v6 =	vld [tilespmem:$0x1FF20]  }
0x19e: {  	v1 =	vor.u32 v61, v28;
	v58 =	vor.u32 v62, v27;
	v59 =	vor.u32 v63, v26;
	v43 =	vld.idx.msk [tilespmem:v51+s3+$0x0], $0xffff  }
0x19f: {  	v36 =	vand.u32 $0x4F, v50;
	v29 =	vand.u32 $0x5F, v29;
	v30 =	vor.u32 v30, v20  }
0x1a0: {  	v35 =	vand.u32 $0x7F, v53;
	v60 =	vor.u32 v36, v25;
	v61 =	vor.u32 v29, v24;
	[tilespmem:v40+s11+$0x0] =	vst.idx.msk $0xffff, v44  }
0x1a1: {  	v62 =	vor.u32 v35, v23;
	v50 =	vor.u32 v36, v28;
	v41 =	vld.idx.msk [tilespmem:v52+s3+$0x0], $0xffff;
	[tilespmem:v4+s11+$0x0] =	vst.idx.msk $0xffff, v0  }
0x1a2: {  	v63 =	vor.u32 s21, v17;
	v48 =	vor.u32 v35, v26;
	v54 =	vor.u32 s23, v6;
	[tilespmem:v34+s11+$0x0] =	vst.idx.msk $0xffff, v33;
	v40 =	vld.idx.msk [tilespmem:v37+s3+$0x0], $0xffff  }
0x1a3: {  	v52 =	vor.u32 v29, v27;
	v42 =	vor.u32 s24, v6;
	v44 =	vor.u32 s22, v6;
	[tilespmem:v45+s11+$0x0] =	vst.idx.msk $0xffff, v43;
	v31 =	vld.idx.msk [tilespmem:v31+s3+$0x0], $0xffff  }
0x1a4: {  	v0 =	vand.u32 $0x6F, v63;
	v46 =	vand.u32 $0x4F, v54;
	v29 =	vand.u32 $0x5F, v42;
	v21 =	vld [tilespmem:$0x1FFC0]  }
0x1a5: {  	v4 =	vand.u32 $0x7F, v44;
	v63 =	vor.u32 v0, v19;
	v37 =	vld.idx.msk [tilespmem:v47+s3+$0x0], $0xffff;
	v0 =	vor.u32 v0, v20  }
0x1a6: {  	v53 =	vor.u32 v46, v25;
	v51 =	vor.u32 v29, v24;
	v54 =	vor.u32 v4, v23  }
0x1a7: {  	v46 =	vor.u32 v46, v28;
	v44 =	vor.u32 v29, v27;
	[tilespmem:v3+s11+$0x0] =	vst.idx.msk $0xffff, v41  }
0x1a8: {  	v47 =	vor.u32 v4, v26;
	v4 =	vor.u32 s23, v5;
	v29 =	vld.idx.msk [tilespmem:v55+s3+$0x0], $0xffff;
	[tilespmem:v30+s11+$0x0] =	vst.idx.msk $0xffff, v40  }
0x1a9: {  	v43 =	vor.u32 s23, v21;
	v49 =	vor.u32 s24, v21;
	v3 =	vor.u32 s22, v21;
	[tilespmem:v39+s11+$0x0] =	vst.idx.msk $0xffff, v31  }
0x1aa: {  	v31 =	vor.u32 s24, v5;
	[tilespmem:v38+s11+$0x0] =	vst.idx.msk $0xffff, v37;
	v38 =	vor.u32 s22, v5;
	v35 =	vand.u32 $0x4F, v43  }
0x1ab: {  	v36 =	vand.u32 $0x5F, v49;
	v3 =	vand.u32 $0x7F, v3;
	v30 =	vld.idx.msk [tilespmem:v63+s3+$0x0], $0xffff;
	v63 =	vor.u32 s21, v6  }
0x1ac: {  	v32 =	vld.idx.msk [tilespmem:v32+s3+$0x0], $0xffff;
	v55 =	vor.u32 v35, v25;
	v49 =	vor.u32 v36, v24;
	v42 =	vor.u32 v3, v23  }
0x1ad: {  	v33 =	vld.idx.msk [tilespmem:v56+s3+$0x0], $0xffff;
	v43 =	vor.u32 v35, v28;
	v40 =	vor.u32 v3, v26;
	v3 =	vand.u32 $0x7F, v38  }
0x1ae: {  	v36 =	vor.u32 v36, v27;
	v63 =	vand.u32 $0x6F, v63;
	v37 =	vor.u32 v3, v23;
	[tilespmem:v2+s11+$0x0] =	vst.idx.msk $0xffff, v29  }
0x1af: {  	v2 =	vand.u32 $0x4F, v4;
	v4 =	vand.u32 $0x5F, v31;
	v29 =	vor.u32 v63, v19;
	v31 =	vld.idx.msk [tilespmem:v57+s3+$0x0], $0xffff  }
0x1b0: {  	v56 =	vor.u32 s24, v22;
	v45 =	vor.u32 v2, v25;
	v41 =	vor.u32 v4, v24;
	[tilespmem:v0+s11+$0x0] =	vst.idx.msk $0xffff, v30  }
0x1b1: {  	v57 =	vor.u32 s23, v22;
	v38 =	vor.u32 v2, v28;
	v39 =	vor.u32 v4, v27;
	[tilespmem:v1+s11+$0x0] =	vst.idx.msk $0xffff, v32  }
0x1b2: {  	v57 =	vand.u32 $0x4F, v57;
	[tilespmem:v58+s11+$0x0] =	vst.idx.msk $0xffff, v33;
	v58 =	vor.u32 s22, v22;
	v0 =	vand.u32 $0x5F, v56  }
0x1b3: {  	v32 =	vor.u32 v3, v26;
	v35 =	vor.u32 v57, v25;
	v33 =	vor.u32 v0, v24;
	v24 =	vld.idx.msk [tilespmem:v60+s3+$0x0], $0xffff  }
0x1b4: {  	v30 =	vor.u32 v57, v28;
	v1 =	vand.u32 $0x7F, v58;
	v25 =	vld.idx.msk [tilespmem:v61+s3+$0x0], $0xffff;
	[tilespmem:v59+s11+$0x0] =	vst.idx.msk $0xffff, v31;
	v59 =	vor.u32 s21, v21  }
0x1b5: {  	v57 =	vor.u32 v63, v20;
	v34 =	vor.u32 v1, v23;
	v56 =	vld.idx.msk [tilespmem:v29+s3+$0x0], $0xffff;
	v23 =	vand.u32 $0x6F, v59  }
0x1b6: {  	s23 =	simm.s32 $0x70;
	s22 =	simm.s32 $0x0;
	v29 =	vor.u32 v1, v26;
	v31 =	vor.u32 v0, v27;
	v26 =	vld.idx.msk [tilespmem:v62+s3+$0x0], $0xffff;
	v27 =	vor.u32 v23, v19  }
.LBB2_8:
0x1b7: {  	s25 =	sadd.s32 $0xFFFFFFD0, s23;
	s24 =	sadd.s32 $0xFFFFFFE0, s23;
	v0 =	vmov s23;
	v8 =	vlaneseq.u32;
	v2 =	vor.u32 s23, v7  }
0x1b8: {  	s26 =	sadd.s32 $0xFFFFFFF0, s23;
	v18 =	vld [tilespmem:$0x1FEB0];
	v1 =	vor.u32 s23, v8;
	v3 =	vmov s25;
	v4 =	vmov s24  }
0x1b9: {  	v28 =	vmov s26;
	v59 =	vor.u32 s26, v8;
	v63 =	vand.u32 $0x80, v0  }
0x1ba: {  	v0 =	vshll.u32 v0, $0x3;
	v2 =	vand.u32 $0x7F, v2;
	v58 =	vand.u32 $0x80, v3;
	[tilespmem:v57+s11+$0x0] =	vst.idx.msk $0xffff, v56  }
0x1bb: {  	v60 =	vand.u32 $0x80, v28;
	v1 =	vand.u32 $0x7F, v1;
	v3 =	vshll.u32 v3, $0x3;
	[tilespmem:v50+s11+$0x0] =	vst.idx.msk $0xffff, v24  }
0x1bc: {  	v22 =	vld [tilespmem:$0x1FFD0];
	v0 =	vand.u32 $0x400, v0;
	v57 =	vand.u32 $0x6F, v59;
	[tilespmem:v52+s11+$0x0] =	vst.idx.msk $0xffff, v25;
	v52 =	vor.u32 v23, v20  }
0x1bd: {  	v24 =	vor.u32 s21, v5;
	[tilespmem:v48+s11+$0x0] =	vst.idx.msk $0xffff, v26;
	v26 =	vor.u32 s24, v8;
	v56 =	vor.u32 v18, v60;
	v53 =	vld.idx.msk [tilespmem:v53+s3+$0x0], $0xffff  }
0x1be: {  	v59 =	vand.u32 $0x6F, v24;
	v24 =	vor.u32 s25, v8;
	v8 =	vld [tilespmem:$0x1FEC0];
	v50 =	vor.u32 v57, v56  }
0x1bf: {  	v25 =	vand.u32 $0x80, v4;
	v27 =	vld.idx.msk [tilespmem:v27+s3+$0x0], $0xffff;
	v23 =	vor.u32 v18, v58;
	v60 =	vor.u32 v59, v19  }
0x1c0: {  	v51 =	vld.idx.msk [tilespmem:v51+s3+$0x0], $0xffff;
	v58 =	vand.u32 $0x4F, v24;
	v24 =	vor.u32 v18, v25;
	v25 =	vshll.u32 v28, $0x3  }
0x1c1: {  	v28 =	vld.idx.msk [tilespmem:v54+s3+$0x0], $0xffff;
	v54 =	vand.u32 $0x5F, v26;
	v26 =	vand.u32 $0x400, v25;
	v25 =	vor.u32 v18, v63  }
0x1c2: {  	v3 =	vand.u32 $0x400, v3;
	v62 =	vor.u32 v54, v24;
	v18 =	vor.u32 v1, v25;
	[tilespmem:v46+s11+$0x0] =	vst.idx.msk $0xffff, v53  }
0x1c3: {  	v46 =	vor.u32 v59, v20;
	v48 =	vld.idx.msk [tilespmem:v50+s3+$0x0], $0xffff;
	v50 =	vor.u32 v26, v8;
	v26 =	vor.u32 s26, v7  }
0x1c4: {  	v59 =	vor.u32 v58, v23;
	[tilespmem:v52+s11+$0x0] =	vst.idx.msk $0xffff, v27;
	v52 =	vor.u32 v57, v50;
	v57 =	vand.u32 $0x6F, v26  }
0x1c5: {  	v4 =	vshll.u32 v4, $0x3;
	[tilespmem:v44+s11+$0x0] =	vst.idx.msk $0xffff, v51;
	v60 =	vld.idx.msk [tilespmem:v60+s3+$0x0], $0xffff;
	v26 =	vor.u32 s21, v22;
	v61 =	vor.u32 v57, v56  }
0x1c6: {  	v4 =	vand.u32 $0x400, v4;
	v55 =	vld.idx.msk [tilespmem:v55+s3+$0x0], $0xffff;
	[tilespmem:v47+s11+$0x0] =	vst.idx.msk $0xffff, v28;
	v27 =	vor.u32 v3, v8;
	v53 =	vand.u32 $0x6F, v26  }
0x1c7: {  	v28 =	vor.u32 v0, v8;
	v26 =	vor.u32 v4, v8;
	v8 =	vld [tilespmem:$0x1FFE0];
	v63 =	vor.u32 v53, v19  }
0x1c8: {  	v44 =	vld.idx.msk [tilespmem:v49+s3+$0x0], $0xffff;
	v3 =	vor.u32 s25, v7;
	v0 =	vor.u32 v58, v27;
	v1 =	vor.u32 v1, v28  }
0x1c9: {  	v3 =	vand.u32 $0x4F, v3;
	v58 =	vor.u32 s24, v11;
	v4 =	vor.u32 s24, v7;
	v18 =	vld.idx.msk [tilespmem:v18+s3+$0x0], $0xffff;
	v19 =	vmovc v56;
	[tilespmem:v52+s11+$0x0] =	vst.idx.msk $0xffff, v48  }
0x1ca: {  	v53 =	vor.u32 v53, v20;
	v47 =	vld.idx.msk [tilespmem:v61+s3+$0x0], $0xffff;
	[tilespmem:v46+s11+$0x0] =	vst.idx.msk $0xffff, v60;
	v46 =	vor.u32 v57, v50  }
0x1cb: {  	s21 =	smov.u32 s26;
	v20 =	vmovc v50;
	v56 =	vor.u32 v3, v23;
	v4 =	vand.u32 $0x5F, v4;
	v52 =	vor.u32 v54, v26;
	v50 =	vld.idx.msk [tilespmem:v62+s3+$0x0], $0xffff  }
0x1cc: {  	v3 =	vor.u32 v3, v27;
	v61 =	vor.u32 s21, v8;
	v60 =	vor.u32 s25, v8;
	v49 =	vld.idx.msk [tilespmem:v63+s3+$0x0], $0xffff  }
0x1cd: {  	v57 =	vor.u32 v2, v25;
	v63 =	vld.idx.msk [tilespmem:v59+s3+$0x0], $0xffff;
	[tilespmem:v43+s11+$0x0] =	vst.idx.msk $0xffff, v55;
	v55 =	vor.u32 v4, v24  }
0x1ce: {  	v42 =	vld.idx.msk [tilespmem:v42+s3+$0x0], $0xffff;
	v62 =	vor.u32 s23, v8;
	v2 =	vor.u32 v2, v28;
	[tilespmem:v1+s11+$0x0] =	vst.idx.msk $0xffff, v18;
	v18 =	vor.u32 s24, v9  }
0x1cf: {  	v48 =	vand.u32 $0x6F, v61;
	v61 =	vor.u32 s24, v8;
	v43 =	vand.u32 $0x4F, v60;
	[tilespmem:v46+s11+$0x0] =	vst.idx.msk $0xffff, v47  }
0x1d0: {  	v4 =	vor.u32 v4, v26;
	v59 =	vor.u32 s21, v9;
	v60 =	vor.u32 s25, v9;
	[tilespmem:v52+s11+$0x0] =	vst.idx.msk $0xffff, v50  }
0x1d1: {  	v54 =	vor.u32 v48, v19;
	v45 =	vld.idx.msk [tilespmem:v45+s3+$0x0], $0xffff;
	v48 =	vor.u32 v48, v20;
	[tilespmem:v53+s11+$0x0] =	vst.idx.msk $0xffff, v49  }
0x1d2: {  	v18 =	vand.u32 $0x5F, v18;
	v46 =	vand.u32 $0x7F, v62;
	v50 =	vor.u32 v43, v23;
	[tilespmem:v0+s11+$0x0] =	vst.idx.msk $0xffff, v63;
	v52 =	vld.idx.msk [tilespmem:v55+s3+$0x0], $0xffff  }
0x1d3: {  	v43 =	vor.u32 v43, v27;
	v63 =	vand.u32 $0x5F, v61;
	v49 =	vand.u32 $0x6F, v59;
	v55 =	vld.idx.msk [tilespmem:v57+s3+$0x0], $0xffff;
	[tilespmem:v36+s11+$0x0] =	vst.idx.msk $0xffff, v44  }
0x1d4: {  	v59 =	vand.u32 $0x4F, v60;
	v44 =	vor.u32 v46, v28;
	[tilespmem:v40+s11+$0x0] =	vst.idx.msk $0xffff, v42;
	v42 =	vor.u32 v18, v24  }
0x1d5: {  	v18 =	vor.u32 v18, v26;
	v57 =	vor.u32 s25, v11;
	v51 =	vld.idx.msk [tilespmem:v56+s3+$0x0], $0xffff;
	v62 =	vor.u32 v63, v24  }
0x1d6: {  	v47 =	vld.idx.msk [tilespmem:v54+s3+$0x0], $0xffff;
	v61 =	vor.u32 v49, v19;
	v56 =	vor.u32 v46, v25;
	v0 =	vor.u32 v63, v26  }
0x1d7: {  	v63 =	vor.u32 s23, v9;
	v41 =	vld.idx.msk [tilespmem:v41+s3+$0x0], $0xffff;
	v40 =	vor.u32 v59, v23;
	v49 =	vor.u32 v49, v20  }
0x1d8: {  	v36 =	vor.u32 v59, v27;
	v59 =	vor.u32 s23, v11;
	v60 =	vand.u32 $0x7F, v63;
	[tilespmem:v4+s11+$0x0] =	vst.idx.msk $0xffff, v52  }
0x1d9: {  	v63 =	vor.u32 s23, v10;
	v46 =	vor.u32 v60, v28;
	v4 =	vor.u32 s24, v10;
	[tilespmem:v2+s11+$0x0] =	vst.idx.msk $0xffff, v55  }
0x1da: {  	v2 =	vand.u32 $0x7F, v63;
	[tilespmem:v3+s11+$0x0] =	vst.idx.msk $0xffff, v51;
	v3 =	vor.u32 s25, v10;
	v51 =	vor.u32 v60, v25;
	v1 =	vld.idx.msk [tilespmem:v62+s3+$0x0], $0xffff  }
0x1db: {  	[tilespmem:v48+s11+$0x0] =	vst.idx.msk $0xffff, v47;
	v53 =	vld.idx.msk [tilespmem:v56+s3+$0x0], $0xffff;
	v4 =	vand.u32 $0x5F, v4;
	v55 =	vor.u32 v2, v25;
	v60 =	vor.u32 s21, v11  }
0x1dc: {  	[tilespmem:v39+s11+$0x0] =	vst.idx.msk $0xffff, v41;
	v2 =	vor.u32 v2, v28;
	v41 =	vand.u32 $0x7F, v59;
	v56 =	vor.u32 s25, v14;
	v47 =	vld.idx.msk [tilespmem:v61+s3+$0x0], $0xffff  }
0x1dd: {  	v61 =	vor.u32 s21, v10;
	v50 =	vld.idx.msk [tilespmem:v50+s3+$0x0], $0xffff;
	v3 =	vand.u32 $0x4F, v3;
	[tilespmem:v38+s11+$0x0] =	vst.idx.msk $0xffff, v45;
	v45 =	vor.u32 v4, v24  }
0x1de: {  	v38 =	vand.u32 $0x4F, v57;
	v4 =	vor.u32 v4, v26;
	v63 =	vand.u32 $0x6F, v60  }
0x1df: {  	v37 =	vld.idx.msk [tilespmem:v37+s3+$0x0], $0xffff;
	v57 =	vor.u32 s24, v14;
	v52 =	vor.u32 v41, v25;
	v48 =	vand.u32 $0x6F, v61;
	[tilespmem:v0+s11+$0x0] =	vst.idx.msk $0xffff, v1  }
0x1e0: {  	v54 =	vor.u32 v3, v23;
	v35 =	vld.idx.msk [tilespmem:v35+s3+$0x0], $0xffff;
	v62 =	vor.u32 v48, v19;
	[tilespmem:v44+s11+$0x0] =	vst.idx.msk $0xffff, v53  }
0x1e1: {  	v59 =	vand.u32 $0x4F, v56;
	v3 =	vor.u32 v3, v27;
	v61 =	vand.u32 $0x5F, v58;
	[tilespmem:v49+s11+$0x0] =	vst.idx.msk $0xffff, v47;
	v42 =	vld.idx.msk [tilespmem:v42+s3+$0x0], $0xffff  }
0x1e2: {  	v58 =	vor.u32 s23, v14;
	v60 =	vand.u32 $0x5F, v57;
	v44 =	vor.u32 v38, v23;
	[tilespmem:v43+s11+$0x0] =	vst.idx.msk $0xffff, v50;
	v49 =	vld.idx.msk [tilespmem:v51+s3+$0x0], $0xffff  }
0x1e3: {  	v0 =	vor.u32 v61, v26;
	v1 =	vor.u32 v41, v28;
	v47 =	vor.u32 v63, v19;
	v40 =	vld.idx.msk [tilespmem:v40+s3+$0x0], $0xffff  }
0x1e4: {  	v57 =	vor.u32 s24, v13;
	v33 =	vld.idx.msk [tilespmem:v33+s3+$0x0], $0xffff;
	[tilespmem:v32+s11+$0x0] =	vst.idx.msk $0xffff, v37;
	v32 =	vor.u32 v38, v27;
	v37 =	vand.u32 $0x7F, v58  }
0x1e5: {  	v43 =	vld.idx.msk [tilespmem:v62+s3+$0x0], $0xffff;
	v62 =	vor.u32 v48, v20;
	v48 =	vor.u32 v61, v24;
	v61 =	vor.u32 s21, v14  }
0x1e6: {  	v51 =	vor.u32 v37, v25;
	v37 =	vor.u32 v37, v28;
	v39 =	vand.u32 $0x6F, v61;
	[tilespmem:v18+s11+$0x0] =	vst.idx.msk $0xffff, v42  }
0x1e7: {  	v34 =	vld.idx.msk [tilespmem:v34+s3+$0x0], $0xffff;
	v56 =	vor.u32 v39, v19;
	v18 =	vor.u32 v63, v20;
	[tilespmem:v46+s11+$0x0] =	vst.idx.msk $0xffff, v49  }
0x1e8: {  	v58 =	vor.u32 s23, v13;
	v42 =	vor.u32 v60, v24;
	v46 =	vand.u32 $0x5F, v57;
	[tilespmem:v36+s11+$0x0] =	vst.idx.msk $0xffff, v40;
	v63 =	vld.idx.msk [tilespmem:v45+s3+$0x0], $0xffff  }
0x1e9: {  	v36 =	vor.u32 v59, v23;
	v49 =	vld.idx.msk [tilespmem:v55+s3+$0x0], $0xffff;
	[tilespmem:v31+s11+$0x0] =	vst.idx.msk $0xffff, v33;
	v50 =	vor.u32 v46, v24  }
0x1ea: {  	v61 =	vor.u32 s25, v12;
	v33 =	vor.u32 v46, v26;
	v55 =	vor.u32 s24, v17;
	[tilespmem:v62+s11+$0x0] =	vst.idx.msk $0xffff, v43;
	v43 =	vld.idx.msk [tilespmem:v54+s3+$0x0], $0xffff  }
0x1eb: {  	v62 =	vor.u32 s25, v13;
	[tilespmem:v30+s11+$0x0] =	vst.idx.msk $0xffff, v35;
	v30 =	vor.u32 v59, v27;
	v35 =	vor.u32 v60, v26  }
0x1ec: {  	v60 =	vand.u32 $0x7F, v58;
	v58 =	vand.u32 $0x4F, v61;
	v61 =	vor.u32 s21, v12;
	v40 =	vld.idx.msk [tilespmem:v47+s3+$0x0], $0xffff  }
0x1ed: {  	v54 =	vor.u32 s25, v17;
	v59 =	vand.u32 $0x4F, v62;
	v62 =	vor.u32 s21, v13;
	[tilespmem:v4+s11+$0x0] =	vst.idx.msk $0xffff, v63  }
0x1ee: {  	v47 =	vor.u32 v60, v28;
	v31 =	vor.u32 v59, v23;
	[tilespmem:v2+s11+$0x0] =	vst.idx.msk $0xffff, v49;
	v41 =	vld.idx.msk [tilespmem:v48+s3+$0x0], $0xffff  }
0x1ef: {  	v38 =	vor.u32 v59, v27;
	v4 =	vor.u32 v39, v20;
	[tilespmem:v3+s11+$0x0] =	vst.idx.msk $0xffff, v43;
	v59 =	vld.idx.msk [tilespmem:v52+s3+$0x0], $0xffff  }
0x1f0: {  	v63 =	vand.u32 $0x6F, v62;
	v2 =	vor.u32 v58, v27;
	v43 =	vor.u32 v60, v25;
	v44 =	vld.idx.msk [tilespmem:v44+s3+$0x0], $0xffff  }
0x1f1: {  	v3 =	vor.u32 s24, v12;
	v57 =	vor.u32 v63, v19;
	v48 =	vor.u32 v58, v23;
	[tilespmem:v18+s11+$0x0] =	vst.idx.msk $0xffff, v40  }
0x1f2: {  	[tilespmem:v29+s11+$0x0] =	vst.idx.msk $0xffff, v34;
	v29 =	vor.u32 s25, v15;
	v60 =	vor.u32 s24, v15;
	v39 =	vor.u32 v63, v20;
	v18 =	vld.idx.msk [tilespmem:v56+s3+$0x0], $0xffff  }
0x1f3: {  	v52 =	vor.u32 s23, v17;
	v3 =	vand.u32 $0x5F, v3;
	v62 =	vand.u32 $0x5F, v60;
	[tilespmem:v0+s11+$0x0] =	vst.idx.msk $0xffff, v41  }
0x1f4: {  	v60 =	vor.u32 s25, v16;
	v56 =	vor.u32 s23, v12;
	v34 =	vor.u32 v3, v24;
	[tilespmem:v1+s11+$0x0] =	vst.idx.msk $0xffff, v59;
	v41 =	vld.idx.msk [tilespmem:v42+s3+$0x0], $0xffff  }
0x1f5: {  	v3 =	vor.u32 v3, v26;
	v46 =	vand.u32 $0x4F, v60;
	v40 =	vand.u32 $0x7F, v56;
	[tilespmem:v32+s11+$0x0] =	vst.idx.msk $0xffff, v44;
	v44 =	vld.idx.msk [tilespmem:v51+s3+$0x0], $0xffff  }
0x1f6: {  	v45 =	vor.u32 v62, v24;
	v58 =	vor.u32 v46, v27;
	v49 =	vor.u32 v40, v25;
	v36 =	vld.idx.msk [tilespmem:v36+s3+$0x0], $0xffff  }
0x1f7: {  	v1 =	vor.u32 v40, v28;
	v0 =	vor.u32 v62, v26;
	v62 =	vor.u32 s23, v16;
	[tilespmem:v4+s11+$0x0] =	vst.idx.msk $0xffff, v18  }
0x1f8: {  	v32 =	vand.u32 $0x6F, v61;
	v61 =	vor.u32 s24, v16;
	v18 =	vand.u32 $0x4F, v29;
	v29 =	vld.idx.msk [tilespmem:v57+s3+$0x0], $0xffff  }
0x1f9: {  	v53 =	vand.u32 $0x7F, v62;
	v42 =	vand.u32 $0x7F, v52;
	v63 =	vor.u32 v32, v19;
	[tilespmem:v35+s11+$0x0] =	vst.idx.msk $0xffff, v41  }
0x1fa: {  	v4 =	vor.u32 s23, v15;
	v32 =	vor.u32 v32, v20;
	v60 =	vor.u32 v53, v28;
	[tilespmem:v37+s11+$0x0] =	vst.idx.msk $0xffff, v44  }
0x1fb: {  	v51 =	vand.u32 $0x5F, v61;
	v40 =	vor.u32 v18, v23;
	v4 =	vand.u32 $0x7F, v4;
	[tilespmem:v30+s11+$0x0] =	vst.idx.msk $0xffff, v36;
	v36 =	vld.idx.msk [tilespmem:v50+s3+$0x0], $0xffff  }
0x1fc: {  	v18 =	vor.u32 v18, v27;
	v57 =	vor.u32 v53, v25;
	v59 =	vor.u32 v51, v26;
	v43 =	vld.idx.msk [tilespmem:v43+s3+$0x0], $0xffff  }
0x1fd: {  	v53 =	vand.u32 $0x4F, v54;
	v54 =	vor.u32 s25, v6;
	v56 =	vor.u32 v4, v25;
	[tilespmem:v39+s11+$0x0] =	vst.idx.msk $0xffff, v29;
	v31 =	vld.idx.msk [tilespmem:v31+s3+$0x0], $0xffff  }
0x1fe: {  	v4 =	vor.u32 v4, v28;
	v61 =	vor.u32 v53, v23;
	v30 =	vld.idx.msk [tilespmem:v63+s3+$0x0], $0xffff;
	v63 =	vor.u32 s21, v15  }
0x1ff: {  	v41 =	vor.u32 v51, v24;
	v37 =	vand.u32 $0x5F, v55;
	v35 =	vand.u32 $0x6F, v63  }
0x200: {  	v55 =	vor.u32 s21, v16;
	v62 =	vor.u32 v37, v24;
	v50 =	vor.u32 v35, v19  }
0x201: {  	v52 =	vor.u32 v37, v26;
	v29 =	vor.u32 v46, v23;
	v46 =	vor.u32 s23, v6;
	[tilespmem:v33+s11+$0x0] =	vst.idx.msk $0xffff, v36  }
0x202: {  	v63 =	vor.u32 v42, v25;
	v33 =	vor.u32 v35, v20;
	[tilespmem:v47+s11+$0x0] =	vst.idx.msk $0xffff, v43;
	v34 =	vld.idx.msk [tilespmem:v34+s3+$0x0], $0xffff  }
0x203: {  	v47 =	vand.u32 $0x4F, v54;
	v35 =	vand.u32 $0x7F, v46;
	v43 =	vor.u32 s21, v17;
	[tilespmem:v38+s11+$0x0] =	vst.idx.msk $0xffff, v31;
	v37 =	vld.idx.msk [tilespmem:v49+s3+$0x0], $0xffff  }
0x204: {  	v54 =	vor.u32 v35, v25;
	v46 =	vor.u32 v47, v27;
	[tilespmem:v32+s11+$0x0] =	vst.idx.msk $0xffff, v30;
	v38 =	vld.idx.msk [tilespmem:v48+s3+$0x0], $0xffff  }
0x205: {  	v30 =	vor.u32 s24, v6;
	v32 =	vand.u32 $0x6F, v55;
	v48 =	vor.u32 v42, v28;
	v31 =	vld.idx.msk [tilespmem:v50+s3+$0x0], $0xffff  }
0x206: {  	v55 =	vor.u32 s24, v21;
	v36 =	vor.u32 v32, v19;
	v32 =	vor.u32 v32, v20  }
0x207: {  	v30 =	vand.u32 $0x5F, v30;
	v50 =	vor.u32 v53, v27;
	v53 =	vor.u32 v47, v23;
	[tilespmem:v3+s11+$0x0] =	vst.idx.msk $0xffff, v34  }
0x208: {  	v51 =	vor.u32 v30, v24;
	v44 =	vor.u32 v30, v26;
	[tilespmem:v1+s11+$0x0] =	vst.idx.msk $0xffff, v37;
	v34 =	vld.idx.msk [tilespmem:v45+s3+$0x0], $0xffff  }
0x209: {  	v42 =	vor.u32 s25, v21;
	v47 =	vor.u32 v35, v28;
	v3 =	vand.u32 $0x5F, v55;
	[tilespmem:v2+s11+$0x0] =	vst.idx.msk $0xffff, v38;
	v1 =	vld.idx.msk [tilespmem:v56+s3+$0x0], $0xffff  }
0x20a: {  	v35 =	vor.u32 s25, v5;
	v2 =	vand.u32 $0x4F, v42;
	v49 =	vor.u32 v3, v24;
	v38 =	vld.idx.msk [tilespmem:v40+s3+$0x0], $0xffff;
	[tilespmem:v33+s11+$0x0] =	vst.idx.msk $0xffff, v31  }
0x20b: {  	v45 =	vor.u32 s24, v5;
	v56 =	vor.u32 s23, v5;
	v33 =	vand.u32 $0x6F, v43;
	v30 =	vld.idx.msk [tilespmem:v36+s3+$0x0], $0xffff  }
0x20c: {  	v55 =	vor.u32 v2, v23;
	v31 =	vor.u32 s23, v21;
	v39 =	vor.u32 v33, v19  }
0x20d: {  	v43 =	vor.u32 v2, v27;
	v2 =	vand.u32 $0x7F, v56;
	v56 =	vor.u32 s24, v22;
	[tilespmem:v0+s11+$0x0] =	vst.idx.msk $0xffff, v34  }
0x20e: {  	v31 =	vand.u32 $0x7F, v31;
	v36 =	vor.u32 v3, v26;
	v3 =	vand.u32 $0x4F, v35;
	[tilespmem:v4+s11+$0x0] =	vst.idx.msk $0xffff, v1;
	v5 =	vld.idx.msk [tilespmem:v41+s3+$0x0], $0xffff  }
0x20f: {  	v37 =	vor.u32 v2, v25;
	v42 =	vor.u32 v31, v25;
	[tilespmem:v18+s11+$0x0] =	vst.idx.msk $0xffff, v38;
	v4 =	vld.idx.msk [tilespmem:v57+s3+$0x0], $0xffff  }
0x210: {  	v35 =	vand.u32 $0x5F, v45;
	v40 =	vor.u32 v31, v28;
	v29 =	vld.idx.msk [tilespmem:v29+s3+$0x0], $0xffff;
	[tilespmem:v32+s11+$0x0] =	vst.idx.msk $0xffff, v30;
	v30 =	vor.u32 s21, v6  }
0x211: {  	v45 =	vor.u32 v3, v23;
	v0 =	vor.u32 v33, v20;
	v18 =	vld.idx.msk [tilespmem:v39+s3+$0x0], $0xffff;
	v30 =	vand.u32 $0x6F, v30  }
0x212: {  	s22 =	sadd.s32 $0x4, s22;
	v31 =	vor.u32 s25, v22;
	v1 =	vand.u32 $0x5F, v56;
	v34 =	vor.u32 v30, v19  }
0x213: {  	p1 =	slt.u32 s22, $0xC;
	v41 =	vor.u32 v35, v24;
	v57 =	vor.u32 s23, v22;
	v38 =	vor.u32 v3, v27;
	[tilespmem:v59+s11+$0x0] =	vst.idx.msk $0xffff, v5  }
.Ltmp2:
0x214: {  	v33 =	vor.u32 v1, v24;
	v32 =	vor.u32 v2, v28;
	v2 =	vand.u32 $0x4F, v31;
	v5 =	vld [tilespmem:$0x1FF30];
	[tilespmem:v60+s11+$0x0] =	vst.idx.msk $0xffff, v4;
	(pc) =	sbr.rel @p1 .LBB2_8-.Ltmp2, $4  }
0x215: {  	v31 =	vor.u32 v1, v26;
	v39 =	vor.u32 v35, v26;
	[tilespmem:v58+s11+$0x0] =	vst.idx.msk $0xffff, v29;
	v26 =	vld.idx.msk [tilespmem:v63+s3+$0x0], $0xffff  }
0x216: {  	v3 =	vand.u32 $0x7F, v57;
	v35 =	vor.u32 v2, v23;
	v24 =	vld.idx.msk [tilespmem:v61+s3+$0x0], $0xffff;
	[tilespmem:v0+s11+$0x0] =	vst.idx.msk $0xffff, v18;
	v0 =	vor.u32 s21, v21  }
0x217: {  	v57 =	vor.u32 v30, v20;
	v30 =	vor.u32 v2, v27;
	v56 =	vld.idx.msk [tilespmem:v34+s3+$0x0], $0xffff;
	v23 =	vand.u32 $0x6F, v0  }
0x218: {  	s23 =	sadd.s32 $0x40, s23;
	v29 =	vor.u32 v3, v28;
	v34 =	vor.u32 v3, v25;
	v25 =	vld.idx.msk [tilespmem:v62+s3+$0x0], $0xffff;
	v27 =	vor.u32 v23, v19  }
0x219: {  	_ =	sdelay $0x3  }
0x21a: {  	[tilespmem:v48+s11+$0x0] =	vst.idx.msk $0xffff, v26  }
0x21b: {  	[tilespmem:v50+s11+$0x0] =	vst.idx.msk $0xffff, v24;
	v2 =	vld.idx.msk [tilespmem:v54+s3+$0x0], $0xffff  }
0x21c: {  	v0 =	vld.idx.msk [tilespmem:v53+s3+$0x0], $0xffff;
	[tilespmem:v57+s11+$0x0] =	vst.idx.msk $0xffff, v56  }
0x21d: {  	v3 =	vor.u32 s21, v5;
	v9 =	vmov v5;
	v5 =	vor.u32 v23, v20;
	[tilespmem:v52+s11+$0x0] =	vst.idx.msk $0xffff, v25;
	v4 =	vld.idx.msk [tilespmem:v27+s3+$0x0], $0xffff  }
0x21e: {  	v1 =	vld.idx.msk [tilespmem:v51+s3+$0x0], $0xffff;
	_ =	sdelay $0x1  }
0x21f: {  	[tilespmem:v47+s11+$0x0] =	vst.idx.msk $0xffff, v2  }
0x220: {  	[tilespmem:v46+s11+$0x0] =	vst.idx.msk $0xffff, v0  }
0x221: {  	v2 =	vld.idx.msk [tilespmem:v42+s3+$0x0], $0xffff;
	[tilespmem:v5+s11+$0x0] =	vst.idx.msk $0xffff, v4  }
0x222: {  	v18 =	vld.idx.msk [tilespmem:v55+s3+$0x0], $0xffff;
	[tilespmem:v44+s11+$0x0] =	vst.idx.msk $0xffff, v1  }
0x223: {  	v3 =	vand.u32 $0x6F, v3;
	v22 =	vld [tilespmem:$0x1FFD0]  }
0x224: {  	v61 =	vor.u32 v3, v19;
	v1 =	vld.idx.msk [tilespmem:v49+s3+$0x0], $0xffff;
	_ =	sdelay $0x1  }
0x225: {  	[tilespmem:v40+s11+$0x0] =	vst.idx.msk $0xffff, v2  }
0x226: {  	[tilespmem:v43+s11+$0x0] =	vst.idx.msk $0xffff, v18;
	v2 =	vld.idx.msk [tilespmem:v37+s3+$0x0], $0xffff  }
0x227: {  	v18 =	vld.idx.msk [tilespmem:v45+s3+$0x0], $0xffff;
	v4 =	vor.u32 s21, v22  }
0x228: {  	v3 =	vor.u32 v3, v20;
	v0 =	vld.idx.msk [tilespmem:v61+s3+$0x0], $0xffff;
	[tilespmem:v36+s11+$0x0] =	vst.idx.msk $0xffff, v1;
	v4 =	vand.u32 $0x6F, v4  }
0x229: {  	v1 =	vld.idx.msk [tilespmem:v41+s3+$0x0], $0xffff;
	v5 =	vor.u32 v4, v19;
	_ =	sdelay $0x1  }
0x22a: {  	[tilespmem:v32+s11+$0x0] =	vst.idx.msk $0xffff, v2  }
0x22b: {  	[tilespmem:v38+s11+$0x0] =	vst.idx.msk $0xffff, v18;
	v2 =	vld.idx.msk [tilespmem:v34+s3+$0x0], $0xffff  }
0x22c: {  	[tilespmem:v3+s11+$0x0] =	vst.idx.msk $0xffff, v0;
	v63 =	vld.idx.msk [tilespmem:v35+s3+$0x0], $0xffff  }
0x22d: {  	v62 =	vor.u32 v4, v20;
	[tilespmem:v39+s11+$0x0] =	vst.idx.msk $0xffff, v1;
	v0 =	vld.idx.msk [tilespmem:v5+s3+$0x0], $0xffff  }
0x22e: {  	v4 =	vld.idx.msk [tilespmem:v33+s3+$0x0], $0xffff  }
0x22f: {  	s20 =	sadd.s32 $0x1, s20  }
0x230: {  	p1 =	sne.s32 s20, $0x8;
	[tilespmem:v29+s11+$0x0] =	vst.idx.msk $0xffff, v2  }
.Ltmp3:
0x231: {  	[tilespmem:v30+s11+$0x0] =	vst.idx.msk $0xffff, v63;
	(pc) =	sbr.rel @p1 .LBB2_7-.Ltmp3, $4  }
0x232: {  	[tilespmem:v62+s11+$0x0] =	vst.idx.msk $0xffff, v0  }
0x233: {  	[tilespmem:v31+s11+$0x0] =	vst.idx.msk $0xffff, v4  }
0x234: {  	v6 =	vld [tilespmem:$0x1FF40]  }
0x235: {  	v12 =	vmovc v14;
	v56 =	vmov v13;
	v41 =	vmov v7;
	v34 =	vlaneseq.u32;
	v47 =	vld [tilespmem:$0x1FFE0]  }
0x236: {  	s19 =	sshll.u32 s19, $0x11  }
0x237: {  	s19 =	sor.u32 s5, s19  }
0x238: {  	s19 =	sadd.s32 s2, s19  }
0x239: {  	[hbm4b:s19+s3] =	stream.linear.scatter [tilespmem:s11], [sflag:$0x2], $0x8000, $0x38;
	[tilespmem:$0x1EB80] =	vst v63  }
0x23a: {  	s19 =	simm.s32 @!p0 $0x3  }
0x23b: {  	_ =	swait.ge @!p0 [sflag:s19], $0x8000  }
0x23c: {  	v8 =	vld [tilespmem:$0x1FF50]  }
0x23d: {  	v10 =	vld [tilespmem:$0x1FF60]  }
0x23e: {  	v13 =	vld [tilespmem:$0x1FF70]  }
0x23f: {  	v11 =	vld [tilespmem:$0x1FF80]  }
0x240: {  	s18 =	sadd.s32 $0x2, s18;
	v62 =	vld [tilespmem:$0x1FF90]  }
0x241: {  	s20 =	sshll.u32 s18, $0x7;
	v15 =	vld [tilespmem:$0x1FFA0]  }
0x242: {  	v0 =	vor.u32 s20, v34;
	[sflag:s19] =	ssyncset.done @!p0 $0x0;
	v17 =	vld [tilespmem:$0x1FFB0]  }
0x243: {  	[tilespmem:$0x1FEA0] =	vst v0;
	v63 =	vld [tilespmem:$0x1FFC0];
	[sflag:s19] =	ssyncadd.s32 @!p0 $0xFFFF8000;
	s19 =	simm.s32 $0x0  }
.LBB2_11:
0x244: {  	v0 =	vld [tilespmem:$0x1FEA0];
	_ =	sdelay $0x3  }
0x245: {  	s20 =	sshll.u32 s19, $0x4  }
0x246: {  	v0 =	vor.u32 s20, v0  }
0x247: {  	s21 =	simm.s32 $0x30  }
0x248: {  	s22 =	simm.s32 $0x0;
	v14 =	vlaneseq.u32;
	v1 =	vmov s20;
	v51 =	vmov s21  }
0x249: {  	s23 =	simm.s32 $0x10;
	v52 =	vor.u32 s21, v34;
	v2 =	vor.u32 s21, v41;
	v4 =	vmov s22  }
0x24a: {  	v26 =	vmov s23;
	v23 =	vor.u32 s22, v14;
	v36 =	vor.u32 s23, v41  }
0x24b: {  	v37 =	vor.u32 s22, v47;
	v40 =	vor.u32 s23, v47;
	v59 =	vor.u32 s21, v47;
	v0 =	vld.idx.msk [tilespmem:v0+s7+$0x0], $0xffff  }
0x24c: {  	v46 =	vor.u32 s22, v8;
	v49 =	vor.u32 s23, v8;
	v1 =	vshll.u32 v1, $0x8  }
0x24d: {  	v20 =	vand.u32 $0x80, v4;
	v24 =	vand.u32 $0x80, v26;
	v28 =	vand.u32 $0x80, v51  }
0x24e: {  	v50 =	vld [tilespmem:$0x1FF10];
	v29 =	vand.u32 $0x4F, v23;
	v4 =	vshll.u32 v4, $0x3;
	v26 =	vshll.u32 v26, $0x3;
	s20 =	simm.s32 $0x20  }
0x24f: {  	v36 =	vand.u32 $0x5F, v36;
	v1 =	vor.u32 v6, v1;
	v3 =	vmov s20  }
0x250: {  	v5 =	vor.u32 s20, v14;
	v19 =	vand.u32 $0x80, v3;
	v6 =	vshll.u32 v0, $0x8  }
0x251: {  	v2 =	vand.u32 $0x7F, v2;
	v5 =	vand.u32 $0x6F, v5;
	v19 =	vor.u32 v6, v19  }
0x252: {  	v37 =	vand.u32 $0x4F, v37;
	v1 =	vand.u32 $0x7800, v1;
	v27 =	vor.u32 v5, v19  }
0x253: {  	v45 =	vand.u32 $0x7F, v59;
	v59 =	vor.u32 s22, v13;
	v7 =	vor.u32 v50, v1  }
0x254: {  	v3 =	vshll.u32 v3, $0x3;
	v25 =	vor.u32 v6, v20;
	v20 =	vor.u32 s23, v14  }
0x255: {  	v3 =	vand.u32 $0x400, v3;
	v24 =	vor.u32 v6, v24;
	v30 =	vand.u32 $0x5F, v20  }
0x256: {  	v53 =	vor.u32 s20, v41;
	[tilespmem:$0x1FE80] =	vst v6;
	v20 =	vor.u32 v3, v7;
	v54 =	vor.u32 v30, v24  }
0x257: {  	v3 =	vand.u32 $0x6F, v53;
	v33 =	vor.u32 v29, v25;
	v5 =	vor.u32 v5, v20;
	v31 =	vld.idx.msk [tilespmem:v27+s3+$0x0], $0xffff  }
0x258: {  	v4 =	vand.u32 $0x400, v4;
	v26 =	vand.u32 $0x400, v26;
	v32 =	vor.u32 v3, v19  }
0x259: {  	v1 =	vand.u32 $0x7F, v52;
	v0 =	vshll.u32 v51, $0x3;
	v51 =	vor.u32 s21, v8  }
0x25a: {  	v23 =	vor.u32 v6, v28;
	v28 =	vor.u32 v4, v7;
	v27 =	vor.u32 v26, v7;
	[tilespmem:$0x1FE90] =	vst v7  }
0x25b: {  	v4 =	vor.u32 s22, v41;
	v35 =	vor.u32 v1, v23;
	v30 =	vor.u32 v30, v27;
	v34 =	vld.idx.msk [tilespmem:v54+s3+$0x0], $0xffff  }
0x25c: {  	v55 =	vor.u32 v29, v28;
	v4 =	vand.u32 $0x4F, v4;
	[tilespmem:v5+s12+$0x0] =	vst.idx.msk $0xffff, v31;
	v5 =	vor.u32 s20, v47;
	v31 =	vld.idx.msk [tilespmem:v33+s3+$0x0], $0xffff  }
0x25d: {  	v3 =	vor.u32 v3, v20;
	v58 =	vor.u32 v4, v25;
	v29 =	vld.idx.msk [tilespmem:v32+s3+$0x0], $0xffff;
	v5 =	vand.u32 $0x6F, v5  }
0x25e: {  	v0 =	vand.u32 $0x400, v0;
	v52 =	vand.u32 $0x7F, v51;
	v57 =	vor.u32 v5, v19  }
0x25f: {  	v38 =	vor.u32 v36, v24;
	v39 =	vor.u32 v2, v23;
	v50 =	vor.u32 v45, v23  }
0x260: {  	v51 =	vor.u32 s22, v12;
	v4 =	vor.u32 v4, v28;
	v26 =	vor.u32 v0, v7;
	[tilespmem:v30+s12+$0x0] =	vst.idx.msk $0xffff, v34  }
0x261: {  	v1 =	vor.u32 v1, v26;
	v35 =	vld.idx.msk [tilespmem:v35+s3+$0x0], $0xffff;
	v60 =	vor.u32 v36, v27;
	[tilespmem:v55+s12+$0x0] =	vst.idx.msk $0xffff, v31  }
0x262: {  	v2 =	vor.u32 v2, v26;
	v36 =	vand.u32 $0x4F, v46;
	v31 =	vor.u32 s20, v8;
	[tilespmem:v3+s12+$0x0] =	vst.idx.msk $0xffff, v29;
	v33 =	vld.idx.msk [tilespmem:v58+s3+$0x0], $0xffff  }
0x263: {  	v5 =	vor.u32 v5, v20;
	v30 =	vand.u32 $0x6F, v31;
	v31 =	vor.u32 v37, v25;
	v61 =	vld.idx.msk [tilespmem:v57+s3+$0x0], $0xffff  }
0x264: {  	v54 =	vor.u32 s23, v10;
	v38 =	vld.idx.msk [tilespmem:v38+s3+$0x0], $0xffff;
	v29 =	vand.u32 $0x5F, v40;
	v47 =	vor.u32 v30, v19  }
0x265: {  	v0 =	vor.u32 v52, v26;
	v46 =	vor.u32 s23, v13;
	v48 =	vor.u32 v29, v24  }
0x266: {  	v42 =	vor.u32 v36, v25;
	v36 =	vor.u32 v36, v28;
	[tilespmem:v1+s12+$0x0] =	vst.idx.msk $0xffff, v35;
	v35 =	vand.u32 $0x5F, v49  }
0x267: {  	v32 =	vor.u32 v45, v26;
	v34 =	vor.u32 v52, v23;
	v39 =	vld.idx.msk [tilespmem:v39+s3+$0x0], $0xffff;
	[tilespmem:v4+s12+$0x0] =	vst.idx.msk $0xffff, v33  }
0x268: {  	v49 =	vand.u32 $0x5F, v46;
	v37 =	vor.u32 v37, v28;
	[tilespmem:v5+s12+$0x0] =	vst.idx.msk $0xffff, v61;
	v5 =	vor.u32 s20, v10;
	v31 =	vld.idx.msk [tilespmem:v31+s3+$0x0], $0xffff  }
0x269: {  	v52 =	vor.u32 s23, v12;
	v30 =	vor.u32 v30, v20;
	[tilespmem:v60+s12+$0x0] =	vst.idx.msk $0xffff, v38;
	v53 =	vld.idx.msk [tilespmem:v47+s3+$0x0], $0xffff;
	v5 =	vand.u32 $0x6F, v5  }
0x26a: {  	v43 =	vor.u32 v35, v24;
	v29 =	vor.u32 v29, v27;
	v1 =	vld.idx.msk [tilespmem:v48+s3+$0x0], $0xffff;
	v55 =	vor.u32 v5, v19  }
0x26b: {  	v35 =	vor.u32 v35, v27;
	v3 =	vand.u32 $0x5F, v54;
	v57 =	vor.u32 s21, v10  }
0x26c: {  	v41 =	vor.u32 v49, v27;
	[tilespmem:v2+s12+$0x0] =	vst.idx.msk $0xffff, v39;
	v44 =	vor.u32 v3, v24;
	v58 =	vand.u32 $0x7F, v57  }
0x26d: {  	v3 =	vor.u32 v3, v27;
	v39 =	vld.idx.msk [tilespmem:v50+s3+$0x0], $0xffff;
	v45 =	vor.u32 v58, v23;
	[tilespmem:v37+s12+$0x0] =	vst.idx.msk $0xffff, v31  }
0x26e: {  	v54 =	vand.u32 $0x5F, v52;
	v40 =	vor.u32 v58, v26;
	v4 =	vor.u32 s22, v10;
	[tilespmem:v30+s12+$0x0] =	vst.idx.msk $0xffff, v53;
	v48 =	vld.idx.msk [tilespmem:v42+s3+$0x0], $0xffff  }
0x26f: {  	v60 =	vor.u32 s20, v13;
	v4 =	vand.u32 $0x4F, v4;
	v5 =	vor.u32 v5, v20;
	[tilespmem:v29+s12+$0x0] =	vst.idx.msk $0xffff, v1;
	v31 =	vld.idx.msk [tilespmem:v55+s3+$0x0], $0xffff  }
0x270: {  	v58 =	vor.u32 s22, v56;
	v33 =	vand.u32 $0x6F, v60;
	v2 =	vor.u32 v4, v25;
	v43 =	vld.idx.msk [tilespmem:v43+s3+$0x0], $0xffff  }
0x271: {  	v61 =	vand.u32 $0x4F, v59;
	v50 =	vor.u32 v33, v19;
	v33 =	vor.u32 v33, v20  }
0x272: {  	v60 =	vor.u32 s23, v56;
	v4 =	vor.u32 v4, v28;
	[tilespmem:v32+s12+$0x0] =	vst.idx.msk $0xffff, v39;
	v1 =	vor.u32 v61, v25  }
0x273: {  	v29 =	vor.u32 v49, v24;
	v37 =	vor.u32 v61, v28;
	v49 =	vor.u32 s21, v56;
	[tilespmem:v36+s12+$0x0] =	vst.idx.msk $0xffff, v48  }
0x274: {  	v61 =	vand.u32 $0x4F, v58;
	v30 =	vor.u32 s21, v13;
	v53 =	vor.u32 s21, v12;
	[tilespmem:v5+s12+$0x0] =	vst.idx.msk $0xffff, v31;
	v5 =	vld.idx.msk [tilespmem:v34+s3+$0x0], $0xffff  }
0x275: {  	v47 =	vor.u32 v61, v25;
	v32 =	vor.u32 v61, v28;
	[tilespmem:v35+s12+$0x0] =	vst.idx.msk $0xffff, v43;
	v2 =	vld.idx.msk [tilespmem:v2+s3+$0x0], $0xffff  }
0x276: {  	v30 =	vand.u32 $0x7F, v30;
	v55 =	vor.u32 s20, v12;
	v57 =	vand.u32 $0x7F, v53;
	v44 =	vld.idx.msk [tilespmem:v44+s3+$0x0], $0xffff  }
0x277: {  	v53 =	vand.u32 $0x5F, v60;
	v46 =	vor.u32 v30, v23;
	v38 =	vand.u32 $0x6F, v55;
	v36 =	vld.idx.msk [tilespmem:v50+s3+$0x0], $0xffff  }
0x278: {  	v30 =	vor.u32 v30, v26;
	v42 =	vor.u32 v53, v27;
	v59 =	vor.u32 v38, v19  }
0x279: {  	v58 =	vor.u32 s23, v11;
	v38 =	vor.u32 v38, v20;
	v35 =	vor.u32 v54, v24;
	[tilespmem:v0+s12+$0x0] =	vst.idx.msk $0xffff, v5  }
0x27a: {  	v61 =	vand.u32 $0x5F, v58;
	v48 =	vor.u32 v57, v23;
	v31 =	vand.u32 $0x4F, v51;
	[tilespmem:v4+s12+$0x0] =	vst.idx.msk $0xffff, v2;
	v52 =	vld.idx.msk [tilespmem:v45+s3+$0x0], $0xffff  }
0x27b: {  	v34 =	vor.u32 v31, v25;
	v31 =	vor.u32 v31, v28;
	[tilespmem:v3+s12+$0x0] =	vst.idx.msk $0xffff, v44;
	v1 =	vld.idx.msk [tilespmem:v1+s3+$0x0], $0xffff  }
0x27c: {  	v58 =	vor.u32 s20, v11;
	v5 =	vor.u32 v57, v26;
	v57 =	vor.u32 s20, v56;
	[tilespmem:v33+s12+$0x0] =	vst.idx.msk $0xffff, v36;
	v29 =	vld.idx.msk [tilespmem:v29+s3+$0x0], $0xffff  }
0x27d: {  	v50 =	vor.u32 v61, v24;
	v0 =	vor.u32 v54, v27;
	v2 =	vand.u32 $0x6F, v57;
	v4 =	vld.idx.msk [tilespmem:v59+s3+$0x0], $0xffff  }
0x27e: {  	v54 =	vand.u32 $0x7F, v49;
	v44 =	vor.u32 v61, v27;
	v60 =	vor.u32 v2, v19  }
0x27f: {  	v55 =	vor.u32 s22, v11;
	v36 =	vor.u32 v53, v24;
	v43 =	vor.u32 v54, v23;
	[tilespmem:v40+s12+$0x0] =	vst.idx.msk $0xffff, v52  }
0x280: {  	v33 =	vand.u32 $0x4F, v55;
	v39 =	vor.u32 v54, v26;
	v59 =	vor.u32 s21, v11;
	[tilespmem:v37+s12+$0x0] =	vst.idx.msk $0xffff, v1;
	v46 =	vld.idx.msk [tilespmem:v46+s3+$0x0], $0xffff  }
0x281: {  	v57 =	vor.u32 s22, v62;
	v2 =	vor.u32 v2, v20;
	v3 =	vand.u32 $0x7F, v59;
	[tilespmem:v41+s12+$0x0] =	vst.idx.msk $0xffff, v29;
	v34 =	vld.idx.msk [tilespmem:v34+s3+$0x0], $0xffff  }
0x282: {  	v59 =	vand.u32 $0x4F, v57;
	v57 =	vor.u32 s22, v15;
	v51 =	vor.u32 v3, v23;
	[tilespmem:v38+s12+$0x0] =	vst.idx.msk $0xffff, v4;
	v35 =	vld.idx.msk [tilespmem:v35+s3+$0x0], $0xffff  }
0x283: {  	v3 =	vor.u32 v3, v26;
	v40 =	vor.u32 v33, v25;
	v29 =	vand.u32 $0x6F, v58;
	v1 =	vld.idx.msk [tilespmem:v60+s3+$0x0], $0xffff  }
0x284: {  	v33 =	vor.u32 v33, v28;
	v52 =	vor.u32 s23, v62;
	v61 =	vor.u32 v29, v19  }
0x285: {  	v14 =	vmovc v13;
	v58 =	vor.u32 s23, v15;
	v4 =	vor.u32 s21, v62;
	v38 =	vor.u32 v59, v28;
	[tilespmem:v30+s12+$0x0] =	vst.idx.msk $0xffff, v46  }
0x286: {  	v29 =	vor.u32 v29, v20;
	v60 =	vand.u32 $0x5F, v52;
	v4 =	vand.u32 $0x7F, v4;
	[tilespmem:v31+s12+$0x0] =	vst.idx.msk $0xffff, v34;
	v46 =	vld.idx.msk [tilespmem:v48+s3+$0x0], $0xffff  }
0x287: {  	v45 =	vor.u32 v60, v24;
	v55 =	vor.u32 v4, v23;
	[tilespmem:v0+s12+$0x0] =	vst.idx.msk $0xffff, v35;
	v47 =	vld.idx.msk [tilespmem:v47+s3+$0x0], $0xffff  }
0x288: {  	v52 =	vor.u32 s22, v17;
	v37 =	vor.u32 v60, v27;
	v60 =	vand.u32 $0x5F, v58;
	[tilespmem:v2+s12+$0x0] =	vst.idx.msk $0xffff, v1;
	v36 =	vld.idx.msk [tilespmem:v36+s3+$0x0], $0xffff  }
0x289: {  	v13 =	vmovc v56;
	v56 =	vor.u32 v60, v24;
	v2 =	vor.u32 v4, v26;
	v4 =	vor.u32 s20, v62;
	v34 =	vld.idx.msk [tilespmem:v61+s3+$0x0], $0xffff  }
0x28a: {  	v58 =	vor.u32 v60, v27;
	v30 =	vor.u32 v59, v25;
	v4 =	vand.u32 $0x6F, v4  }
0x28b: {  	v35 =	vand.u32 $0x4F, v52;
	v1 =	vand.u32 $0x4F, v57;
	v49 =	vor.u32 v4, v19;
	[tilespmem:v5+s12+$0x0] =	vst.idx.msk $0xffff, v46  }
0x28c: {  	v59 =	vor.u32 s21, v15;
	v60 =	vor.u32 v35, v25;
	v31 =	vor.u32 v1, v25;
	[tilespmem:v32+s12+$0x0] =	vst.idx.msk $0xffff, v47  }
0x28d: {  	v53 =	vor.u32 s21, v17;
	v61 =	vand.u32 $0x7F, v59;
	v1 =	vor.u32 v1, v28;
	[tilespmem:v42+s12+$0x0] =	vst.idx.msk $0xffff, v36;
	v43 =	vld.idx.msk [tilespmem:v43+s3+$0x0], $0xffff  }
0x28e: {  	v57 =	vor.u32 v61, v23;
	v59 =	vor.u32 v61, v26;
	[tilespmem:v29+s12+$0x0] =	vst.idx.msk $0xffff, v34;
	v32 =	vld.idx.msk [tilespmem:v40+s3+$0x0], $0xffff  }
0x28f: {  	v4 =	vor.u32 v4, v20;
	v5 =	vor.u32 s23, v17;
	v29 =	vor.u32 s20, v15;
	v7 =	vld [tilespmem:$0x1FF20]  }
0x290: {  	v5 =	vand.u32 $0x5F, v5;
	v34 =	vand.u32 $0x7F, v53;
	v0 =	vld.idx.msk [tilespmem:v49+s3+$0x0], $0xffff;
	v29 =	vand.u32 $0x6F, v29  }
0x291: {  	v42 =	vld.idx.msk [tilespmem:v50+s3+$0x0], $0xffff;
	v50 =	vor.u32 v35, v28;
	v61 =	vor.u32 v5, v24;
	v36 =	vor.u32 v29, v19  }
0x292: {  	v16 =	vmovc v62;
	v62 =	vor.u32 v34, v23;
	v52 =	vor.u32 v5, v27;
	v49 =	vor.u32 s23, v63  }
0x293: {  	v48 =	vor.u32 v34, v26;
	v29 =	vor.u32 v29, v20;
	v35 =	vand.u32 $0x5F, v49;
	[tilespmem:v39+s12+$0x0] =	vst.idx.msk $0xffff, v43  }
0x294: {  	v49 =	vor.u32 v35, v24;
	[tilespmem:v33+s12+$0x0] =	vst.idx.msk $0xffff, v32;
	v43 =	vor.u32 s22, v63;
	v54 =	vor.u32 s22, v7;
	v40 =	vld.idx.msk [tilespmem:v51+s3+$0x0], $0xffff  }
0x295: {  	v41 =	vor.u32 s23, v7;
	v46 =	vor.u32 s21, v7;
	[tilespmem:v4+s12+$0x0] =	vst.idx.msk $0xffff, v0;
	v30 =	vld.idx.msk [tilespmem:v30+s3+$0x0], $0xffff;
	v34 =	vand.u32 $0x4F, v43  }
0x296: {  	[tilespmem:v44+s12+$0x0] =	vst.idx.msk $0xffff, v42;
	v47 =	vand.u32 $0x4F, v54;
	v5 =	vand.u32 $0x5F, v41;
	v41 =	vor.u32 s20, v17;
	v32 =	vld.idx.msk [tilespmem:v36+s3+$0x0], $0xffff  }
0x297: {  	v21 =	vmovc v17;
	v4 =	vand.u32 $0x7F, v46;
	v36 =	vld.idx.msk [tilespmem:v45+s3+$0x0], $0xffff;
	v43 =	vor.u32 v34, v28;
	v45 =	vor.u32 s20, v7;
	v17 =	vmovc v15  }
0x298: {  	v15 =	vmovc v11;
	v11 =	vmovc v10;
	v10 =	vmov v8;
	v8 =	vmov v12;
	v0 =	vand.u32 $0x6F, v41  }
0x299: {  	v12 =	vmov v63;
	v53 =	vor.u32 v47, v25;
	v33 =	vor.u32 v0, v19;
	[tilespmem:v3+s12+$0x0] =	vst.idx.msk $0xffff, v40  }
0x29a: {  	v51 =	vor.u32 v5, v24;
	v54 =	vor.u32 v4, v23;
	v44 =	vor.u32 v5, v27;
	v5 =	vld.idx.msk [tilespmem:v55+s3+$0x0], $0xffff  }
0x29b: {  	v46 =	vor.u32 v47, v28;
	v41 =	vor.u32 s21, v63;
	v47 =	vor.u32 v4, v26;
	[tilespmem:v38+s12+$0x0] =	vst.idx.msk $0xffff, v30  }
0x29c: {  	v4 =	vor.u32 s22, v9;
	v63 =	vand.u32 $0x6F, v45;
	v0 =	vor.u32 v0, v20;
	v31 =	vld.idx.msk [tilespmem:v31+s3+$0x0], $0xffff;
	[tilespmem:v37+s12+$0x0] =	vst.idx.msk $0xffff, v36  }
0x29d: {  	v3 =	vand.u32 $0x7F, v41;
	v30 =	vor.u32 s23, v9;
	v38 =	vor.u32 s21, v9;
	[tilespmem:v29+s12+$0x0] =	vst.idx.msk $0xffff, v32;
	v32 =	vld.idx.msk [tilespmem:v56+s3+$0x0], $0xffff  }
0x29e: {  	v55 =	vor.u32 v34, v25;
	v42 =	vor.u32 v3, v23;
	v36 =	vor.u32 v35, v27;
	v29 =	vld.idx.msk [tilespmem:v33+s3+$0x0], $0xffff  }
0x29f: {  	v40 =	vor.u32 v3, v26;
	v3 =	vand.u32 $0x7F, v38;
	v56 =	vor.u32 s23, v22;
	[tilespmem:v2+s12+$0x0] =	vst.idx.msk $0xffff, v5  }
0x2a0: {  	v37 =	vor.u32 v3, v23;
	v2 =	vand.u32 $0x4F, v4;
	v4 =	vand.u32 $0x5F, v30;
	v34 =	vld.idx.msk [tilespmem:v57+s3+$0x0], $0xffff  }
0x2a1: {  	v5 =	vor.u32 v63, v19;
	v30 =	vor.u32 s22, v22;
	[tilespmem:v1+s12+$0x0] =	vst.idx.msk $0xffff, v31;
	v45 =	vor.u32 v2, v25  }
0x2a2: {  	v41 =	vor.u32 v4, v24;
	v38 =	vor.u32 v2, v28;
	v57 =	vand.u32 $0x4F, v30;
	[tilespmem:v58+s12+$0x0] =	vst.idx.msk $0xffff, v32  }
0x2a3: {  	v58 =	vor.u32 s21, v22;
	v39 =	vor.u32 v4, v27;
	v32 =	vor.u32 v3, v26;
	[tilespmem:v0+s12+$0x0] =	vst.idx.msk $0xffff, v29  }
0x2a4: {  	v35 =	vor.u32 v57, v25;
	v30 =	vor.u32 v57, v28;
	v0 =	vand.u32 $0x5F, v56;
	v25 =	vld.idx.msk [tilespmem:v61+s3+$0x0], $0xffff  }
0x2a5: {  	v1 =	vand.u32 $0x7F, v58;
	v33 =	vor.u32 v0, v24;
	v24 =	vld.idx.msk [tilespmem:v60+s3+$0x0], $0xffff;
	[tilespmem:v59+s12+$0x0] =	vst.idx.msk $0xffff, v34;
	v59 =	vor.u32 s20, v12  }
0x2a6: {  	v57 =	vor.u32 v63, v20;
	v56 =	vld.idx.msk [tilespmem:v5+s3+$0x0], $0xffff;
	v34 =	vor.u32 v1, v23;
	v23 =	vand.u32 $0x6F, v59  }
0x2a7: {  	s22 =	simm.s32 $0x70;
	s21 =	simm.s32 $0x0;
	v31 =	vor.u32 v0, v27;
	v29 =	vor.u32 v1, v26;
	v26 =	vld.idx.msk [tilespmem:v62+s3+$0x0], $0xffff;
	v27 =	vor.u32 v23, v19  }
.LBB2_12:
0x2a8: {  	v18 =	vld [tilespmem:$0x1FE80]  }
0x2a9: {  	v22 =	vlaneseq.u32;
	v6 =	vld [tilespmem:$0x1FF30]  }
0x2aa: {  	s24 =	sadd.s32 $0xFFFFFFD0, s22;
	s23 =	sadd.s32 $0xFFFFFFE0, s22;
	s25 =	sadd.s32 $0xFFFFFFF0, s22;
	v0 =	vmov s22;
	v1 =	vor.u32 s22, v22  }
0x2ab: {  	v3 =	vmov s24;
	v4 =	vmov s23;
	v5 =	vmov s25;
	[tilespmem:v57+s12+$0x0] =	vst.idx.msk $0xffff, v56  }
0x2ac: {  	v58 =	vor.u32 s25, v22;
	v28 =	vand.u32 $0x80, v3;
	v59 =	vand.u32 $0x80, v5;
	[tilespmem:v50+s12+$0x0] =	vst.idx.msk $0xffff, v24  }
0x2ad: {  	v9 =	vld [tilespmem:$0x1FFF0];
	v57 =	vand.u32 $0x6F, v58;
	[tilespmem:v52+s12+$0x0] =	vst.idx.msk $0xffff, v25;
	v52 =	vor.u32 v23, v20;
	v25 =	vand.u32 $0x80, v4  }
0x2ae: {  	v56 =	vor.u32 v18, v59;
	v24 =	vor.u32 s20, v6;
	v53 =	vld.idx.msk [tilespmem:v53+s3+$0x0], $0xffff;
	v23 =	vor.u32 v18, v28  }
0x2af: {  	[tilespmem:v48+s12+$0x0] =	vst.idx.msk $0xffff, v26;
	v28 =	vand.u32 $0x80, v0;
	v48 =	vld.idx.msk [tilespmem:v51+s3+$0x0], $0xffff;
	v58 =	vand.u32 $0x6F, v24;
	v24 =	vor.u32 s24, v22  }
0x2b0: {  	v51 =	vand.u32 $0x4F, v24;
	v24 =	vor.u32 v18, v25;
	v25 =	vor.u32 v18, v28;
	v18 =	vld [tilespmem:$0x1FE90]  }
0x2b1: {  	v5 =	vshll.u32 v5, $0x3;
	v1 =	vand.u32 $0x7F, v1;
	v27 =	vld.idx.msk [tilespmem:v27+s3+$0x0], $0xffff;
	v50 =	vor.u32 v57, v56  }
0x2b2: {  	v3 =	vshll.u32 v3, $0x3;
	v5 =	vand.u32 $0x400, v5;
	v59 =	vor.u32 v58, v19  }
0x2b3: {  	v3 =	vand.u32 $0x400, v3;
	v26 =	vor.u32 s23, v22;
	v4 =	vshll.u32 v4, $0x3;
	v22 =	vld [tilespmem:$0x1FFD0]  }
0x2b4: {  	v2 =	vor.u32 s22, v9;
	v60 =	vand.u32 $0x5F, v26;
	v26 =	vor.u32 s25, v9;
	[tilespmem:v46+s12+$0x0] =	vst.idx.msk $0xffff, v53  }
0x2b5: {  	v54 =	vld.idx.msk [tilespmem:v54+s3+$0x0], $0xffff;
	v46 =	vor.u32 v58, v20;
	v58 =	vor.u32 v51, v23;
	v5 =	vor.u32 v5, v18  }
0x2b6: {  	v4 =	vand.u32 $0x400, v4;
	v28 =	vld.idx.msk [tilespmem:v50+s3+$0x0], $0xffff;
	[tilespmem:v52+s12+$0x0] =	vst.idx.msk $0xffff, v27;
	v52 =	vand.u32 $0x6F, v26;
	v50 =	vor.u32 v57, v5  }
0x2b7: {  	v0 =	vshll.u32 v0, $0x3;
	v61 =	vor.u32 v60, v24;
	v57 =	vld.idx.msk [tilespmem:v59+s3+$0x0], $0xffff;
	v59 =	vor.u32 v52, v56  }
0x2b8: {  	v0 =	vand.u32 $0x400, v0;
	v63 =	vor.u32 v1, v25;
	[tilespmem:v44+s12+$0x0] =	vst.idx.msk $0xffff, v48;
	v26 =	vor.u32 s20, v22;
	v55 =	vld.idx.msk [tilespmem:v55+s3+$0x0], $0xffff  }
0x2b9: {  	v44 =	vld.idx.msk [tilespmem:v49+s3+$0x0], $0xffff;
	v53 =	vand.u32 $0x6F, v26;
	v27 =	vor.u32 v3, v18;
	v26 =	vor.u32 v4, v18  }
0x2ba: {  	[tilespmem:v47+s12+$0x0] =	vst.idx.msk $0xffff, v54;
	v4 =	vor.u32 s23, v9;
	v62 =	vor.u32 v53, v19;
	v19 =	vmovc v56;
	v56 =	vor.u32 s24, v9;
	v9 =	vld [tilespmem:$0x1FFE0]  }
0x2bb: {  	[tilespmem:v50+s12+$0x0] =	vst.idx.msk $0xffff, v28;
	v28 =	vor.u32 v0, v18;
	v0 =	vor.u32 v51, v27;
	v50 =	vld.idx.msk [tilespmem:v58+s3+$0x0], $0xffff  }
0x2bc: {  	v2 =	vand.u32 $0x7F, v2;
	v47 =	vld.idx.msk [tilespmem:v59+s3+$0x0], $0xffff;
	[tilespmem:v46+s12+$0x0] =	vst.idx.msk $0xffff, v57;
	v46 =	vor.u32 v52, v5  }
0x2bd: {  	v3 =	vand.u32 $0x4F, v56;
	v51 =	vor.u32 v60, v26;
	v60 =	vor.u32 v53, v20;
	v20 =	vmovc v5;
	v5 =	vld.idx.msk [tilespmem:v61+s3+$0x0], $0xffff  }
0x2be: {  	v4 =	vand.u32 $0x5F, v4;
	v56 =	vld.idx.msk [tilespmem:v63+s3+$0x0], $0xffff;
	v54 =	vor.u32 v3, v23;
	v1 =	vor.u32 v1, v28  }
0x2bf: {  	s20 =	smov.u32 s25;
	v3 =	vor.u32 v3, v27;
	[tilespmem:v43+s12+$0x0] =	vst.idx.msk $0xffff, v55;
	v55 =	vor.u32 v4, v24;
	v49 =	vld.idx.msk [tilespmem:v62+s3+$0x0], $0xffff  }
0x2c0: {  	v63 =	vor.u32 s23, v9;
	v4 =	vor.u32 v4, v26;
	v59 =	vor.u32 s20, v9;
	v45 =	vld.idx.msk [tilespmem:v45+s3+$0x0], $0xffff;
	[tilespmem:v0+s12+$0x0] =	vst.idx.msk $0xffff, v50  }
0x2c1: {  	v57 =	vor.u32 v2, v25;
	v2 =	vor.u32 v2, v28;
	v48 =	vand.u32 $0x6F, v59;
	[tilespmem:v46+s12+$0x0] =	vst.idx.msk $0xffff, v47  }
0x2c2: {  	v62 =	vor.u32 s24, v9;
	v59 =	vor.u32 s22, v9;
	v61 =	vor.u32 v48, v19;
	[tilespmem:v51+s12+$0x0] =	vst.idx.msk $0xffff, v5  }
0x2c3: {  	v42 =	vld.idx.msk [tilespmem:v42+s3+$0x0], $0xffff;
	v43 =	vand.u32 $0x4F, v62;
	v62 =	vor.u32 s24, v10;
	v46 =	vand.u32 $0x7F, v59;
	[tilespmem:v1+s12+$0x0] =	vst.idx.msk $0xffff, v56  }
0x2c4: {  	v50 =	vld.idx.msk [tilespmem:v54+s3+$0x0], $0xffff;
	v5 =	vor.u32 v48, v20;
	v59 =	vor.u32 s22, v11;
	[tilespmem:v60+s12+$0x0] =	vst.idx.msk $0xffff, v49;
	v60 =	vand.u32 $0x5F, v63  }
0x2c5: {  	v49 =	vor.u32 v43, v23;
	v51 =	vld.idx.msk [tilespmem:v55+s3+$0x0], $0xffff;
	v63 =	vor.u32 s23, v10;
	v56 =	vor.u32 v46, v25  }
0x2c6: {  	v55 =	vld.idx.msk [tilespmem:v57+s3+$0x0], $0xffff;
	v43 =	vor.u32 v43, v27;
	v46 =	vor.u32 v46, v28;
	v57 =	vor.u32 s20, v11  }
0x2c7: {  	v47 =	vld.idx.msk [tilespmem:v61+s3+$0x0], $0xffff;
	v61 =	vor.u32 s20, v10;
	v1 =	vor.u32 v60, v24;
	v0 =	vor.u32 v60, v26  }
0x2c8: {  	[tilespmem:v36+s12+$0x0] =	vst.idx.msk $0xffff, v44;
	v60 =	vor.u32 s22, v10;
	v48 =	vand.u32 $0x6F, v61;
	v61 =	vand.u32 $0x4F, v62  }
0x2c9: {  	[tilespmem:v40+s12+$0x0] =	vst.idx.msk $0xffff, v42;
	v62 =	vand.u32 $0x5F, v63;
	v63 =	vor.u32 s24, v11;
	v53 =	vor.u32 v48, v19  }
0x2ca: {  	v40 =	vor.u32 v61, v23;
	v42 =	vor.u32 v62, v24;
	v48 =	vor.u32 v48, v20  }
0x2cb: {  	v36 =	vor.u32 v61, v27;
	v44 =	vor.u32 v62, v26;
	v61 =	vor.u32 s24, v14;
	[tilespmem:v3+s12+$0x0] =	vst.idx.msk $0xffff, v50  }
0x2cc: {  	v41 =	vld.idx.msk [tilespmem:v41+s3+$0x0], $0xffff;
	v62 =	vor.u32 s23, v14;
	v50 =	vand.u32 $0x6F, v57;
	v3 =	vand.u32 $0x4F, v63;
	[tilespmem:v4+s12+$0x0] =	vst.idx.msk $0xffff, v51  }
0x2cd: {  	v63 =	vor.u32 s22, v14;
	v57 =	vand.u32 $0x5F, v62;
	v49 =	vld.idx.msk [tilespmem:v49+s3+$0x0], $0xffff;
	v58 =	vor.u32 v50, v19;
	[tilespmem:v2+s12+$0x0] =	vst.idx.msk $0xffff, v55  }
0x2ce: {  	v4 =	vor.u32 s23, v11;
	v54 =	vor.u32 v3, v23;
	v2 =	vand.u32 $0x7F, v59;
	[tilespmem:v38+s12+$0x0] =	vst.idx.msk $0xffff, v45;
	v1 =	vld.idx.msk [tilespmem:v1+s3+$0x0], $0xffff  }
0x2cf: {  	v3 =	vor.u32 v3, v27;
	v38 =	vand.u32 $0x4F, v61;
	[tilespmem:v5+s12+$0x0] =	vst.idx.msk $0xffff, v47;
	v5 =	vand.u32 $0x7F, v60;
	v60 =	vld.idx.msk [tilespmem:v56+s3+$0x0], $0xffff  }
0x2d0: {  	v59 =	vor.u32 s24, v8;
	v61 =	vor.u32 s22, v8;
	v4 =	vand.u32 $0x5F, v4;
	v37 =	vld.idx.msk [tilespmem:v37+s3+$0x0], $0xffff  }
0x2d1: {  	v55 =	vor.u32 v2, v25;
	[tilespmem:v39+s12+$0x0] =	vst.idx.msk $0xffff, v41;
	v35 =	vld.idx.msk [tilespmem:v35+s3+$0x0], $0xffff;
	v52 =	vor.u32 v5, v25  }
0x2d2: {  	v56 =	vor.u32 s20, v14;
	v2 =	vor.u32 v2, v28;
	v41 =	vand.u32 $0x7F, v63;
	v47 =	vld.idx.msk [tilespmem:v53+s3+$0x0], $0xffff;
	[tilespmem:v43+s12+$0x0] =	vst.idx.msk $0xffff, v49  }
0x2d3: {  	v62 =	vand.u32 $0x4F, v59;
	v5 =	vor.u32 v5, v28;
	v45 =	vor.u32 v4, v24;
	[tilespmem:v0+s12+$0x0] =	vst.idx.msk $0xffff, v1  }
0x2d4: {  	v59 =	vor.u32 s24, v13;
	v4 =	vor.u32 v4, v26;
	v39 =	vand.u32 $0x6F, v56;
	v40 =	vld.idx.msk [tilespmem:v40+s3+$0x0], $0xffff;
	[tilespmem:v46+s12+$0x0] =	vst.idx.msk $0xffff, v60  }
0x2d5: {  	v46 =	vor.u32 v38, v23;
	v60 =	vor.u32 s23, v8;
	v0 =	vor.u32 v57, v26;
	v42 =	vld.idx.msk [tilespmem:v42+s3+$0x0], $0xffff  }
0x2d6: {  	v1 =	vor.u32 v41, v28;
	v49 =	vld.idx.msk [tilespmem:v52+s3+$0x0], $0xffff;
	v52 =	vor.u32 v41, v25;
	[tilespmem:v32+s12+$0x0] =	vst.idx.msk $0xffff, v37  }
0x2d7: {  	v53 =	vor.u32 s24, v15;
	v33 =	vld.idx.msk [tilespmem:v33+s3+$0x0], $0xffff;
	v32 =	vor.u32 v38, v27;
	v63 =	vand.u32 $0x5F, v60;
	[tilespmem:v48+s12+$0x0] =	vst.idx.msk $0xffff, v47  }
0x2d8: {  	v47 =	vor.u32 v39, v19;
	v48 =	vor.u32 v57, v24;
	v43 =	vld.idx.msk [tilespmem:v58+s3+$0x0], $0xffff;
	v58 =	vor.u32 v50, v20  }
0x2d9: {  	v37 =	vand.u32 $0x7F, v61;
	v34 =	vld.idx.msk [tilespmem:v34+s3+$0x0], $0xffff;
	v57 =	vor.u32 s20, v8;
	v39 =	vor.u32 v39, v20;
	[tilespmem:v36+s12+$0x0] =	vst.idx.msk $0xffff, v40  }
0x2da: {  	v51 =	vor.u32 v37, v25;
	v37 =	vor.u32 v37, v28;
	v41 =	vand.u32 $0x6F, v57;
	[tilespmem:v44+s12+$0x0] =	vst.idx.msk $0xffff, v42  }
0x2db: {  	v61 =	vor.u32 s22, v13;
	v57 =	vor.u32 s22, v15;
	v60 =	vor.u32 v41, v19;
	[tilespmem:v5+s12+$0x0] =	vst.idx.msk $0xffff, v49;
	v42 =	vld.idx.msk [tilespmem:v45+s3+$0x0], $0xffff  }
0x2dc: {  	v36 =	vor.u32 v62, v23;
	v44 =	vor.u32 v63, v24;
	v5 =	vor.u32 s23, v13;
	v49 =	vld.idx.msk [tilespmem:v55+s3+$0x0], $0xffff  }
0x2dd: {  	v5 =	vand.u32 $0x5F, v5;
	v55 =	vor.u32 s20, v13;
	v45 =	vor.u32 s23, v6;
	[tilespmem:v58+s12+$0x0] =	vst.idx.msk $0xffff, v43;
	v58 =	vld.idx.msk [tilespmem:v54+s3+$0x0], $0xffff  }
0x2de: {  	[tilespmem:v30+s12+$0x0] =	vst.idx.msk $0xffff, v35;
	v30 =	vor.u32 v62, v27;
	v35 =	vor.u32 v63, v26;
	v62 =	vand.u32 $0x4F, v59  }
0x2df: {  	v63 =	vand.u32 $0x7F, v61;
	v50 =	vor.u32 v5, v24;
	v54 =	vor.u32 s23, v15;
	v56 =	vld.idx.msk [tilespmem:v47+s3+$0x0], $0xffff  }
0x2e0: {  	[tilespmem:v31+s12+$0x0] =	vst.idx.msk $0xffff, v33;
	v40 =	vand.u32 $0x6F, v55;
	v59 =	vand.u32 $0x4F, v53;
	v5 =	vor.u32 v5, v26  }
0x2e1: {  	v61 =	vor.u32 s23, v16;
	v53 =	vor.u32 s20, v16;
	v31 =	vor.u32 v62, v23;
	[tilespmem:v4+s12+$0x0] =	vst.idx.msk $0xffff, v42  }
0x2e2: {  	v55 =	vor.u32 s24, v21;
	v43 =	vor.u32 v63, v25;
	v38 =	vor.u32 v62, v27;
	[tilespmem:v2+s12+$0x0] =	vst.idx.msk $0xffff, v49  }
0x2e3: {  	v47 =	vor.u32 v63, v28;
	v62 =	vor.u32 s20, v15;
	v63 =	vand.u32 $0x5F, v61;
	[tilespmem:v3+s12+$0x0] =	vst.idx.msk $0xffff, v58;
	v42 =	vld.idx.msk [tilespmem:v48+s3+$0x0], $0xffff  }
0x2e4: {  	v61 =	vor.u32 s24, v17;
	v4 =	vor.u32 v41, v20;
	v41 =	vand.u32 $0x7F, v57;
	[tilespmem:v39+s12+$0x0] =	vst.idx.msk $0xffff, v56;
	v56 =	vld.idx.msk [tilespmem:v46+s3+$0x0], $0xffff  }
0x2e5: {  	v2 =	vor.u32 v59, v27;
	v58 =	vor.u32 v40, v19;
	v48 =	vor.u32 v59, v23;
	v39 =	vld.idx.msk [tilespmem:v60+s3+$0x0], $0xffff  }
0x2e6: {  	v3 =	vand.u32 $0x5F, v54;
	v49 =	vor.u32 v41, v25;
	v40 =	vor.u32 v40, v20;
	v60 =	vld.idx.msk [tilespmem:v52+s3+$0x0], $0xffff  }
0x2e7: {  	v46 =	vand.u32 $0x4F, v61;
	[tilespmem:v29+s12+$0x0] =	vst.idx.msk $0xffff, v34;
	v29 =	vor.u32 s24, v16;
	v34 =	vor.u32 v3, v24  }
0x2e8: {  	v3 =	vor.u32 v3, v26;
	v59 =	vor.u32 v46, v27;
	v29 =	vand.u32 $0x4F, v29;
	[tilespmem:v0+s12+$0x0] =	vst.idx.msk $0xffff, v42  }
0x2e9: {  	v33 =	vor.u32 v29, v23;
	v29 =	vor.u32 v29, v27;
	[tilespmem:v32+s12+$0x0] =	vst.idx.msk $0xffff, v56;
	v42 =	vld.idx.msk [tilespmem:v44+s3+$0x0], $0xffff  }
0x2ea: {  	v0 =	vor.u32 v63, v26;
	[tilespmem:v4+s12+$0x0] =	vst.idx.msk $0xffff, v39;
	v4 =	vor.u32 s22, v16;
	v36 =	vld.idx.msk [tilespmem:v36+s3+$0x0], $0xffff;
	v39 =	vand.u32 $0x6F, v62  }
0x2eb: {  	[tilespmem:v1+s12+$0x0] =	vst.idx.msk $0xffff, v60;
	v1 =	vor.u32 v41, v28;
	v41 =	vor.u32 v63, v24;
	v32 =	vld.idx.msk [tilespmem:v58+s3+$0x0], $0xffff  }
0x2ec: {  	v62 =	vor.u32 s23, v17;
	v44 =	vor.u32 v39, v19;
	v60 =	vld.idx.msk [tilespmem:v51+s3+$0x0], $0xffff;
	v4 =	vand.u32 $0x7F, v4  }
0x2ed: {  	v63 =	vor.u32 s22, v17;
	v51 =	vand.u32 $0x5F, v62;
	v56 =	vor.u32 v4, v25  }
0x2ee: {  	v54 =	vand.u32 $0x7F, v63;
	v4 =	vor.u32 v4, v28;
	v57 =	vor.u32 v51, v24;
	[tilespmem:v35+s12+$0x0] =	vst.idx.msk $0xffff, v42  }
0x2ef: {  	v58 =	vor.u32 v54, v25;
	v35 =	vor.u32 v39, v20;
	[tilespmem:v30+s12+$0x0] =	vst.idx.msk $0xffff, v36;
	v39 =	vld.idx.msk [tilespmem:v50+s3+$0x0], $0xffff  }
0x2f0: {  	v52 =	vor.u32 s23, v21;
	v61 =	vor.u32 v54, v28;
	v54 =	vand.u32 $0x4F, v55;
	[tilespmem:v40+s12+$0x0] =	vst.idx.msk $0xffff, v32;
	v31 =	vld.idx.msk [tilespmem:v31+s3+$0x0], $0xffff  }
0x2f1: {  	v55 =	vor.u32 s24, v7;
	v62 =	vor.u32 v54, v23;
	v36 =	vand.u32 $0x6F, v53;
	[tilespmem:v37+s12+$0x0] =	vst.idx.msk $0xffff, v60;
	v32 =	vld.idx.msk [tilespmem:v44+s3+$0x0], $0xffff  }
0x2f2: {  	v42 =	vor.u32 s20, v17;
	v30 =	vor.u32 v46, v23;
	v50 =	vor.u32 v36, v19;
	v43 =	vld.idx.msk [tilespmem:v43+s3+$0x0], $0xffff  }
0x2f3: {  	v53 =	vor.u32 s22, v21;
	v46 =	vor.u32 s22, v7;
	v37 =	vand.u32 $0x5F, v52  }
0x2f4: {  	v60 =	vor.u32 v51, v26;
	v44 =	vand.u32 $0x7F, v53;
	v63 =	vor.u32 v37, v24;
	[tilespmem:v5+s12+$0x0] =	vst.idx.msk $0xffff, v39  }
0x2f5: {  	v52 =	vor.u32 v37, v26;
	v18 =	vor.u32 v44, v25;
	[tilespmem:v38+s12+$0x0] =	vst.idx.msk $0xffff, v31;
	v34 =	vld.idx.msk [tilespmem:v34+s3+$0x0], $0xffff  }
0x2f6: {  	v5 =	vor.u32 v36, v20;
	v36 =	vand.u32 $0x7F, v46;
	v31 =	vor.u32 s23, v7;
	[tilespmem:v35+s12+$0x0] =	vst.idx.msk $0xffff, v32;
	v38 =	vld.idx.msk [tilespmem:v48+s3+$0x0], $0xffff  }
0x2f7: {  	v35 =	vand.u32 $0x6F, v42;
	[tilespmem:v47+s12+$0x0] =	vst.idx.msk $0xffff, v43;
	v47 =	vand.u32 $0x4F, v55;
	v48 =	vor.u32 v44, v28;
	v32 =	vld.idx.msk [tilespmem:v50+s3+$0x0], $0xffff  }
0x2f8: {  	v31 =	vand.u32 $0x5F, v31;
	v42 =	vor.u32 s24, v12;
	v39 =	vor.u32 v35, v19  }
0x2f9: {  	v50 =	vor.u32 v54, v27;
	v37 =	vld.idx.msk [tilespmem:v49+s3+$0x0], $0xffff;
	v53 =	vor.u32 v47, v23;
	v51 =	vor.u32 v31, v24  }
0x2fa: {  	v55 =	vor.u32 s23, v12;
	v54 =	vor.u32 v36, v25;
	v46 =	vor.u32 v47, v27;
	[tilespmem:v3+s12+$0x0] =	vst.idx.msk $0xffff, v34  }
0x2fb: {  	v44 =	vor.u32 v31, v26;
	v34 =	vor.u32 v35, v20;
	[tilespmem:v2+s12+$0x0] =	vst.idx.msk $0xffff, v38;
	v35 =	vld.idx.msk [tilespmem:v41+s3+$0x0], $0xffff  }
0x2fc: {  	v43 =	vor.u32 s20, v21;
	v47 =	vor.u32 v36, v28;
	v3 =	vand.u32 $0x5F, v55;
	[tilespmem:v5+s12+$0x0] =	vst.idx.msk $0xffff, v32;
	v33 =	vld.idx.msk [tilespmem:v33+s3+$0x0], $0xffff  }
0x2fd: {  	v2 =	vand.u32 $0x4F, v42;
	v49 =	vor.u32 v3, v24;
	v32 =	vand.u32 $0x6F, v43;
	v31 =	vld.idx.msk [tilespmem:v39+s3+$0x0], $0xffff  }
0x2fe: {  	v36 =	vor.u32 v3, v26;
	v5 =	vor.u32 s22, v12;
	[tilespmem:v1+s12+$0x0] =	vst.idx.msk $0xffff, v37;
	v38 =	vor.u32 v32, v19  }
0x2ff: {  	v55 =	vor.u32 v2, v23;
	v37 =	vor.u32 s24, v6;
	v1 =	vld.idx.msk [tilespmem:v56+s3+$0x0], $0xffff;
	v5 =	vand.u32 $0x7F, v5  }
0x300: {  	v43 =	vor.u32 v2, v27;
	v3 =	vand.u32 $0x4F, v37;
	v42 =	vor.u32 v5, v25  }
0x301: {  	v39 =	vand.u32 $0x5F, v45;
	v40 =	vor.u32 v5, v28;
	v45 =	vor.u32 v3, v23;
	[tilespmem:v29+s12+$0x0] =	vst.idx.msk $0xffff, v33  }
0x302: {  	v41 =	vor.u32 v39, v24;
	v29 =	vor.u32 s20, v7;
	[tilespmem:v34+s12+$0x0] =	vst.idx.msk $0xffff, v31;
	v30 =	vld.idx.msk [tilespmem:v30+s3+$0x0], $0xffff  }
0x303: {  	v56 =	vor.u32 s22, v6;
	[tilespmem:v0+s12+$0x0] =	vst.idx.msk $0xffff, v35;
	v0 =	vor.u32 v32, v20;
	v29 =	vand.u32 $0x6F, v29;
	v5 =	vld.idx.msk [tilespmem:v38+s3+$0x0], $0xffff  }
0x304: {  	v2 =	vand.u32 $0x7F, v56;
	v56 =	vor.u32 s23, v22;
	v57 =	vld.idx.msk [tilespmem:v57+s3+$0x0], $0xffff;
	[tilespmem:v4+s12+$0x0] =	vst.idx.msk $0xffff, v1;
	v34 =	vor.u32 v29, v19  }
0x305: {  	s21 =	sadd.s32 $0x4, s21;
	v39 =	vor.u32 v39, v26;
	v37 =	vor.u32 v2, v25;
	v32 =	vor.u32 v2, v28;
	v4 =	vld.idx.msk [tilespmem:v58+s3+$0x0], $0xffff  }
0x306: {  	p0 =	slt.u32 s21, $0xC;
	v31 =	vor.u32 s24, v22;
	v1 =	vand.u32 $0x5F, v56;
	v58 =	vor.u32 s22, v22  }
.Ltmp4:
0x307: {  	v38 =	vor.u32 v3, v27;
	v2 =	vand.u32 $0x4F, v31;
	v33 =	vor.u32 v1, v24;
	[tilespmem:v59+s12+$0x0] =	vst.idx.msk $0xffff, v30;
	(pc) =	sbr.rel @p0 .LBB2_12-.Ltmp4, $4  }
0x308: {  	v31 =	vor.u32 v1, v26;
	v35 =	vor.u32 v2, v23;
	[tilespmem:v0+s12+$0x0] =	vst.idx.msk $0xffff, v5;
	v24 =	vld.idx.msk [tilespmem:v62+s3+$0x0], $0xffff  }
0x309: {  	v3 =	vand.u32 $0x7F, v58;
	[tilespmem:v60+s12+$0x0] =	vst.idx.msk $0xffff, v57;
	v57 =	vor.u32 v29, v20;
	v0 =	vor.u32 s20, v12;
	v56 =	vld.idx.msk [tilespmem:v34+s3+$0x0], $0xffff  }
0x30a: {  	[tilespmem:v61+s12+$0x0] =	vst.idx.msk $0xffff, v4;
	v34 =	vor.u32 v3, v25;
	v23 =	vand.u32 $0x6F, v0;
	v25 =	vld.idx.msk [tilespmem:v63+s3+$0x0], $0xffff  }
0x30b: {  	s22 =	sadd.s32 $0x40, s22;
	v29 =	vor.u32 v3, v28;
	v30 =	vor.u32 v2, v27;
	v26 =	vld.idx.msk [tilespmem:v18+s3+$0x0], $0xffff;
	v27 =	vor.u32 v23, v19  }
0x30c: {  	_ =	sdelay $0x3  }
0x30d: {  	[tilespmem:v50+s12+$0x0] =	vst.idx.msk $0xffff, v24  }
0x30e: {  	v0 =	vld.idx.msk [tilespmem:v53+s3+$0x0], $0xffff;
	[tilespmem:v57+s12+$0x0] =	vst.idx.msk $0xffff, v56  }
0x30f: {  	[tilespmem:v52+s12+$0x0] =	vst.idx.msk $0xffff, v25;
	v4 =	vld.idx.msk [tilespmem:v27+s3+$0x0], $0xffff  }
0x310: {  	v5 =	vor.u32 v23, v20;
	[tilespmem:v48+s12+$0x0] =	vst.idx.msk $0xffff, v26;
	v1 =	vld.idx.msk [tilespmem:v51+s3+$0x0], $0xffff  }
0x311: {  	v2 =	vld.idx.msk [tilespmem:v54+s3+$0x0], $0xffff  }
0x312: {  	v9 =	vld [tilespmem:$0x1FF30];
	_ =	sdelay $0x1  }
0x313: {  	[tilespmem:v46+s12+$0x0] =	vst.idx.msk $0xffff, v0  }
0x314: {  	[tilespmem:v5+s12+$0x0] =	vst.idx.msk $0xffff, v4  }
0x315: {  	v18 =	vld.idx.msk [tilespmem:v55+s3+$0x0], $0xffff;
	[tilespmem:v44+s12+$0x0] =	vst.idx.msk $0xffff, v1  }
0x316: {  	v3 =	vor.u32 s20, v9;
	v1 =	vld.idx.msk [tilespmem:v49+s3+$0x0], $0xffff;
	[tilespmem:v47+s12+$0x0] =	vst.idx.msk $0xffff, v2  }
0x317: {  	v3 =	vand.u32 $0x6F, v3;
	v22 =	vld [tilespmem:$0x1FFD0]  }
0x318: {  	v2 =	vld.idx.msk [tilespmem:v42+s3+$0x0], $0xffff;
	v61 =	vor.u32 v3, v19;
	_ =	sdelay $0x1  }
0x319: {  	[tilespmem:v43+s12+$0x0] =	vst.idx.msk $0xffff, v18  }
0x31a: {  	v18 =	vld.idx.msk [tilespmem:v45+s3+$0x0], $0xffff;
	[tilespmem:v36+s12+$0x0] =	vst.idx.msk $0xffff, v1  }
0x31b: {  	v4 =	vor.u32 s20, v22;
	v1 =	vld.idx.msk [tilespmem:v41+s3+$0x0], $0xffff  }
0x31c: {  	v3 =	vor.u32 v3, v20;
	[tilespmem:v40+s12+$0x0] =	vst.idx.msk $0xffff, v2;
	v0 =	vld.idx.msk [tilespmem:v61+s3+$0x0], $0xffff;
	v4 =	vand.u32 $0x6F, v4  }
0x31d: {  	v2 =	vld.idx.msk [tilespmem:v37+s3+$0x0], $0xffff;
	v5 =	vor.u32 v4, v19;
	_ =	sdelay $0x1  }
0x31e: {  	[tilespmem:v38+s12+$0x0] =	vst.idx.msk $0xffff, v18  }
0x31f: {  	v63 =	vld.idx.msk [tilespmem:v35+s3+$0x0], $0xffff;
	[tilespmem:v39+s12+$0x0] =	vst.idx.msk $0xffff, v1  }
0x320: {  	v62 =	vor.u32 v4, v20;
	[tilespmem:v3+s12+$0x0] =	vst.idx.msk $0xffff, v0;
	v4 =	vld.idx.msk [tilespmem:v33+s3+$0x0], $0xffff  }
0x321: {  	[tilespmem:v32+s12+$0x0] =	vst.idx.msk $0xffff, v2;
	v0 =	vld.idx.msk [tilespmem:v5+s3+$0x0], $0xffff  }
0x322: {  	v2 =	vld.idx.msk [tilespmem:v34+s3+$0x0], $0xffff;
	_ =	sdelay $0x1  }
0x323: {  	s19 =	sadd.s32 $0x1, s19;
	[tilespmem:v30+s12+$0x0] =	vst.idx.msk $0xffff, v63  }
0x324: {  	p0 =	sne.s32 s19, $0x8;
	[tilespmem:v31+s12+$0x0] =	vst.idx.msk $0xffff, v4  }
.Ltmp5:
0x325: {  	[tilespmem:v62+s12+$0x0] =	vst.idx.msk $0xffff, v0;
	(pc) =	sbr.rel @p0 .LBB2_11-.Ltmp5, $4  }
0x326: {  	[tilespmem:v29+s12+$0x0] =	vst.idx.msk $0xffff, v2  }
0x327: {  	v56 =	vmov v13;
	v41 =	vld [tilespmem:$0x1FFF0]  }
0x328: {  	v13 =	vmovc v14;
	v34 =	vlaneseq.u32;
	v63 =	vmovc v12;
	v12 =	vmov v8;
	v8 =	vmov v10;
	v47 =	vld [tilespmem:$0x1FFE0]  }
0x329: {  	v10 =	vmovc v11;
	v11 =	vmovc v15;
	v15 =	vmov v17;
	v17 =	vmov v21;
	v62 =	vmov v16;
	v6 =	vld [tilespmem:$0x1FF40]  }
0x32a: {  	s17 =	sadd.s32 $0x1, s17  }
0x32b: {  	p0 =	sne.s32 s17, $0x8  }
.Ltmp6:
0x32c: {  	_ = 	snop;
	(pc) =	sbr.rel @p0 .LBB2_2-.Ltmp6, $4  }
0x32d: {  	s18 =	sshll.u32 s18, $0x11  }
0x32e: {  	s18 =	sor.u32 s5, s18  }
0x32f: {  	s18 =	sadd.s32 s2, s18  }
0x330: {  	[hbm4b:s18+s3] =	stream.linear.scatter [tilespmem:s12], [sflag:$0x3], $0x8000, $0x38;
	[tilespmem:$0x1EB80] =	vst v63  }
0x331: {  	_ =	swait.ge [sflag:s13], $0x8000  }
0x332: {  	[sflag:s13] =	ssyncset.done $0x0  }
0x333: {  	s17 =	simm.s32 $0x0;
	[sflag:s13] =	ssyncadd.s32 $0xFFFF8000  }
.LBB2_16:
0x334: {  	s18 =	sshll.u32 s17, $0x4;
	v0 =	vor.u32 $0xC00, v34  }
0x335: {  	v0 =	vor.u32 s18, v0;
	_ =	sdelay $0x3  }
0x336: {  	s19 =	simm.s32 $0x30;
	v9 =	vlaneseq.u32;
	v1 =	vmov s18  }
0x337: {  	s20 =	simm.s32 $0x0;
	s21 =	simm.s32 $0x10;
	v51 =	vmov s19;
	v52 =	vor.u32 s19, v34;
	v2 =	vor.u32 s19, v41;
	v0 =	vld.idx.msk [tilespmem:v0+s7+$0x0], $0xffff  }
0x338: {  	v21 =	vmovc v22;
	v4 =	vmov s20;
	v25 =	vmov s21;
	v22 =	vor.u32 s20, v9  }
0x339: {  	v35 =	vor.u32 s21, v41;
	v36 =	vor.u32 s20, v47;
	v39 =	vor.u32 s21, v47  }
0x33a: {  	s18 =	simm.s32 $0x20;
	v40 =	vor.u32 s19, v47;
	v60 =	vor.u32 s20, v8;
	v48 =	vor.u32 s19, v8  }
0x33b: {  	v1 =	vshll.u32 v1, $0x8;
	v3 =	vmov s18;
	v5 =	vor.u32 s18, v9  }
0x33c: {  	v50 =	vld [tilespmem:$0x1FF10];
	v1 =	vor.u32 v6, v1;
	v18 =	vand.u32 $0x80, v3;
	v6 =	vshll.u32 v0, $0x8  }
0x33d: {  	v19 =	vand.u32 $0x80, v4;
	v5 =	vand.u32 $0x6F, v5;
	v18 =	vor.u32 v6, v18  }
0x33e: {  	v23 =	vand.u32 $0x80, v25;
	v27 =	vand.u32 $0x80, v51;
	v26 =	vor.u32 v5, v18  }
0x33f: {  	v28 =	vand.u32 $0x4F, v22;
	v3 =	vshll.u32 v3, $0x3;
	v1 =	vand.u32 $0x7800, v1  }
0x340: {  	v3 =	vand.u32 $0x400, v3;
	v24 =	vor.u32 v6, v19;
	v19 =	vor.u32 s21, v9  }
0x341: {  	v7 =	vor.u32 v50, v1;
	v23 =	vor.u32 v6, v23;
	v29 =	vand.u32 $0x5F, v19  }
0x342: {  	v53 =	vor.u32 s18, v41;
	[tilespmem:$0x1FE60] =	vst v6;
	v19 =	vor.u32 v3, v7;
	v33 =	vor.u32 v29, v23  }
0x343: {  	v3 =	vand.u32 $0x6F, v53;
	v32 =	vor.u32 v28, v24;
	v5 =	vor.u32 v5, v19;
	v30 =	vld.idx.msk [tilespmem:v26+s3+$0x0], $0xffff  }
0x344: {  	v4 =	vshll.u32 v4, $0x3;
	v25 =	vshll.u32 v25, $0x3;
	v31 =	vor.u32 v3, v18  }
0x345: {  	v4 =	vand.u32 $0x400, v4;
	v25 =	vand.u32 $0x400, v25;
	v1 =	vand.u32 $0x7F, v52  }
0x346: {  	v22 =	vor.u32 v6, v27;
	v27 =	vor.u32 v4, v7;
	v26 =	vor.u32 v25, v7;
	[tilespmem:$0x1FE70] =	vst v7  }
0x347: {  	v4 =	vor.u32 s20, v41;
	v54 =	vor.u32 v1, v22;
	v29 =	vor.u32 v29, v26;
	v33 =	vld.idx.msk [tilespmem:v33+s3+$0x0], $0xffff  }
0x348: {  	v55 =	vor.u32 v28, v27;
	v4 =	vand.u32 $0x4F, v4;
	[tilespmem:v5+s10+$0x0] =	vst.idx.msk $0xffff, v30;
	v5 =	vor.u32 s18, v47;
	v30 =	vld.idx.msk [tilespmem:v32+s3+$0x0], $0xffff  }
0x349: {  	v3 =	vor.u32 v3, v19;
	v57 =	vor.u32 v4, v24;
	v28 =	vld.idx.msk [tilespmem:v31+s3+$0x0], $0xffff;
	v5 =	vand.u32 $0x6F, v5  }
0x34a: {  	v35 =	vand.u32 $0x5F, v35;
	v0 =	vshll.u32 v51, $0x3;
	v31 =	vor.u32 v5, v18  }
0x34b: {  	v2 =	vand.u32 $0x7F, v2;
	v0 =	vand.u32 $0x400, v0;
	v37 =	vor.u32 v35, v23  }
0x34c: {  	v50 =	vand.u32 $0x7F, v48;
	v38 =	vor.u32 v2, v22;
	v25 =	vor.u32 v0, v7;
	[tilespmem:v29+s10+$0x0] =	vst.idx.msk $0xffff, v33  }
0x34d: {  	v52 =	vor.u32 v50, v22;
	v1 =	vor.u32 v1, v25;
	v34 =	vld.idx.msk [tilespmem:v54+s3+$0x0], $0xffff;
	[tilespmem:v55+s10+$0x0] =	vst.idx.msk $0xffff, v30  }
0x34e: {  	v36 =	vand.u32 $0x4F, v36;
	v4 =	vor.u32 v4, v27;
	v30 =	vor.u32 s18, v8;
	[tilespmem:v3+s10+$0x0] =	vst.idx.msk $0xffff, v28;
	v32 =	vld.idx.msk [tilespmem:v57+s3+$0x0], $0xffff  }
0x34f: {  	v5 =	vor.u32 v5, v19;
	v29 =	vand.u32 $0x6F, v30;
	v30 =	vor.u32 v36, v24;
	v59 =	vld.idx.msk [tilespmem:v31+s3+$0x0], $0xffff  }
0x350: {  	v58 =	vor.u32 v35, v26;
	v2 =	vor.u32 v2, v25;
	v61 =	vor.u32 v29, v18  }
0x351: {  	v35 =	vand.u32 $0x4F, v60;
	v0 =	vor.u32 v50, v25;
	v37 =	vld.idx.msk [tilespmem:v37+s3+$0x0], $0xffff;
	v28 =	vand.u32 $0x5F, v39  }
0x352: {  	v46 =	vor.u32 s21, v8;
	v49 =	vor.u32 v35, v24;
	[tilespmem:v1+s10+$0x0] =	vst.idx.msk $0xffff, v34;
	v45 =	vor.u32 v28, v23  }
0x353: {  	v53 =	vor.u32 s21, v10;
	v38 =	vld.idx.msk [tilespmem:v38+s3+$0x0], $0xffff;
	v36 =	vor.u32 v36, v27;
	v31 =	vand.u32 $0x7F, v40;
	[tilespmem:v4+s10+$0x0] =	vst.idx.msk $0xffff, v32  }
0x354: {  	v60 =	vor.u32 s18, v13;
	v47 =	vor.u32 v31, v22;
	[tilespmem:v5+s10+$0x0] =	vst.idx.msk $0xffff, v59;
	v5 =	vor.u32 s18, v10;
	v30 =	vld.idx.msk [tilespmem:v30+s3+$0x0], $0xffff  }
0x355: {  	v35 =	vor.u32 v35, v27;
	v29 =	vor.u32 v29, v19;
	v51 =	vld.idx.msk [tilespmem:v61+s3+$0x0], $0xffff;
	v5 =	vand.u32 $0x6F, v5  }
0x356: {  	v34 =	vand.u32 $0x5F, v46;
	v46 =	vor.u32 s19, v12;
	[tilespmem:v58+s10+$0x0] =	vst.idx.msk $0xffff, v37;
	v54 =	vor.u32 v5, v18  }
0x357: {  	v42 =	vor.u32 v34, v23;
	v34 =	vor.u32 v34, v26;
	v28 =	vor.u32 v28, v26;
	v1 =	vld.idx.msk [tilespmem:v45+s3+$0x0], $0xffff  }
0x358: {  	v55 =	vor.u32 s19, v10;
	v3 =	vand.u32 $0x5F, v53;
	v53 =	vor.u32 s18, v12;
	[tilespmem:v2+s10+$0x0] =	vst.idx.msk $0xffff, v38  }
0x359: {  	v43 =	vor.u32 v3, v23;
	v31 =	vor.u32 v31, v25;
	v38 =	vld.idx.msk [tilespmem:v47+s3+$0x0], $0xffff;
	[tilespmem:v36+s10+$0x0] =	vst.idx.msk $0xffff, v30  }
0x35a: {  	v58 =	vand.u32 $0x7F, v55;
	v3 =	vor.u32 v3, v26;
	v4 =	vor.u32 s20, v10;
	[tilespmem:v29+s10+$0x0] =	vst.idx.msk $0xffff, v51;
	v48 =	vld.idx.msk [tilespmem:v49+s3+$0x0], $0xffff  }
0x35b: {  	v55 =	vor.u32 s20, v56;
	v4 =	vand.u32 $0x4F, v4;
	v5 =	vor.u32 v5, v19;
	v30 =	vld.idx.msk [tilespmem:v54+s3+$0x0], $0xffff  }
0x35c: {  	v44 =	vor.u32 v58, v22;
	v32 =	vand.u32 $0x6F, v60;
	v57 =	vor.u32 v4, v24;
	[tilespmem:v28+s10+$0x0] =	vst.idx.msk $0xffff, v1  }
0x35d: {  	v39 =	vor.u32 v58, v25;
	v58 =	vor.u32 s21, v56;
	v50 =	vor.u32 v32, v18;
	v42 =	vld.idx.msk [tilespmem:v42+s3+$0x0], $0xffff  }
0x35e: {  	v37 =	vand.u32 $0x6F, v53;
	v53 =	vor.u32 s18, v56;
	v60 =	vand.u32 $0x5F, v58;
	[tilespmem:v31+s10+$0x0] =	vst.idx.msk $0xffff, v38  }
0x35f: {  	v59 =	vor.u32 s20, v13;
	v32 =	vor.u32 v32, v19;
	v41 =	vor.u32 v60, v26;
	[tilespmem:v35+s10+$0x0] =	vst.idx.msk $0xffff, v48  }
0x360: {  	v45 =	vor.u32 s21, v13;
	v4 =	vor.u32 v4, v27;
	v61 =	vand.u32 $0x4F, v59;
	[tilespmem:v5+s10+$0x0] =	vst.idx.msk $0xffff, v30;
	v5 =	vld.idx.msk [tilespmem:v52+s3+$0x0], $0xffff  }
0x361: {  	v1 =	vor.u32 v61, v24;
	v36 =	vor.u32 v61, v27;
	v29 =	vor.u32 s19, v13;
	v2 =	vld.idx.msk [tilespmem:v57+s3+$0x0], $0xffff  }
0x362: {  	v49 =	vand.u32 $0x5F, v45;
	v31 =	vor.u32 s20, v12;
	v51 =	vor.u32 s21, v12;
	[tilespmem:v34+s10+$0x0] =	vst.idx.msk $0xffff, v42;
	v52 =	vld.idx.msk [tilespmem:v50+s3+$0x0], $0xffff  }
0x363: {  	v28 =	vor.u32 v49, v23;
	v29 =	vand.u32 $0x7F, v29;
	v57 =	vor.u32 v37, v18;
	v43 =	vld.idx.msk [tilespmem:v43+s3+$0x0], $0xffff  }
0x364: {  	v40 =	vor.u32 v49, v26;
	v54 =	vand.u32 $0x7F, v46;
	v45 =	vor.u32 v29, v22  }
0x365: {  	v29 =	vor.u32 v29, v25;
	v47 =	vor.u32 v54, v22;
	v48 =	vor.u32 s19, v56;
	[tilespmem:v0+s10+$0x0] =	vst.idx.msk $0xffff, v5  }
0x366: {  	v35 =	vor.u32 v60, v23;
	v60 =	vor.u32 s18, v11;
	v30 =	vand.u32 $0x4F, v31;
	[tilespmem:v4+s10+$0x0] =	vst.idx.msk $0xffff, v2;
	v59 =	vld.idx.msk [tilespmem:v44+s3+$0x0], $0xffff  }
0x367: {  	v31 =	vand.u32 $0x5F, v51;
	v61 =	vand.u32 $0x7F, v48;
	v37 =	vor.u32 v37, v19;
	[tilespmem:v32+s10+$0x0] =	vst.idx.msk $0xffff, v52;
	v1 =	vld.idx.msk [tilespmem:v1+s3+$0x0], $0xffff  }
0x368: {  	v51 =	vor.u32 s21, v62;
	v33 =	vor.u32 v30, v24;
	v2 =	vand.u32 $0x6F, v53;
	[tilespmem:v3+s10+$0x0] =	vst.idx.msk $0xffff, v43;
	v4 =	vld.idx.msk [tilespmem:v57+s3+$0x0], $0xffff  }
0x369: {  	v34 =	vor.u32 v31, v23;
	v30 =	vor.u32 v30, v27;
	v28 =	vld.idx.msk [tilespmem:v28+s3+$0x0], $0xffff;
	v57 =	vor.u32 v2, v18  }
0x36a: {  	v42 =	vor.u32 v61, v22;
	v38 =	vor.u32 v61, v25;
	v0 =	vor.u32 v31, v26  }
0x36b: {  	v5 =	vor.u32 v54, v25;
	v31 =	vand.u32 $0x4F, v55;
	v54 =	vor.u32 s21, v11;
	[tilespmem:v39+s10+$0x0] =	vst.idx.msk $0xffff, v59  }
0x36c: {  	v55 =	vor.u32 s19, v11;
	v46 =	vor.u32 v31, v24;
	v52 =	vor.u32 s20, v11;
	[tilespmem:v36+s10+$0x0] =	vst.idx.msk $0xffff, v1  }
0x36d: {  	v31 =	vor.u32 v31, v27;
	v58 =	vand.u32 $0x5F, v54;
	v3 =	vand.u32 $0x7F, v55;
	v45 =	vld.idx.msk [tilespmem:v45+s3+$0x0], $0xffff;
	[tilespmem:v37+s10+$0x0] =	vst.idx.msk $0xffff, v4  }
0x36e: {  	v32 =	vand.u32 $0x4F, v52;
	v2 =	vor.u32 v2, v19;
	[tilespmem:v40+s10+$0x0] =	vst.idx.msk $0xffff, v28;
	v28 =	vand.u32 $0x6F, v60;
	v1 =	vld.idx.msk [tilespmem:v57+s3+$0x0], $0xffff  }
0x36f: {  	v49 =	vor.u32 v58, v23;
	v43 =	vor.u32 v58, v26;
	v33 =	vld.idx.msk [tilespmem:v33+s3+$0x0], $0xffff;
	v58 =	vor.u32 v28, v18  }
0x370: {  	v50 =	vor.u32 v3, v22;
	v3 =	vor.u32 v3, v25;
	v4 =	vor.u32 s19, v62;
	v34 =	vld.idx.msk [tilespmem:v34+s3+$0x0], $0xffff  }
0x371: {  	v39 =	vor.u32 v32, v24;
	v59 =	vor.u32 s20, v62;
	v4 =	vand.u32 $0x7F, v4  }
0x372: {  	v32 =	vor.u32 v32, v27;
	v60 =	vor.u32 s21, v15;
	v54 =	vor.u32 v4, v22;
	[tilespmem:v29+s10+$0x0] =	vst.idx.msk $0xffff, v45  }
0x373: {  	v61 =	vand.u32 $0x4F, v59;
	v45 =	vld.idx.msk [tilespmem:v47+s3+$0x0], $0xffff;
	[tilespmem:v2+s10+$0x0] =	vst.idx.msk $0xffff, v1;
	v2 =	vor.u32 v4, v25;
	v4 =	vor.u32 s18, v62  }
0x374: {  	v59 =	vor.u32 s20, v15;
	v28 =	vor.u32 v28, v19;
	[tilespmem:v30+s10+$0x0] =	vst.idx.msk $0xffff, v33;
	v33 =	vld.idx.msk [tilespmem:v58+s3+$0x0], $0xffff;
	v4 =	vand.u32 $0x6F, v4  }
0x375: {  	v40 =	vand.u32 $0x5F, v60;
	v57 =	vand.u32 $0x5F, v51;
	[tilespmem:v0+s10+$0x0] =	vst.idx.msk $0xffff, v34;
	v46 =	vld.idx.msk [tilespmem:v46+s3+$0x0], $0xffff;
	v51 =	vor.u32 v4, v18  }
0x376: {  	v60 =	vor.u32 s20, v17;
	v37 =	vor.u32 v61, v27;
	v55 =	vor.u32 v40, v23;
	v35 =	vld.idx.msk [tilespmem:v35+s3+$0x0], $0xffff  }
0x377: {  	v44 =	vor.u32 v57, v23;
	v36 =	vor.u32 v57, v26;
	v57 =	vor.u32 v40, v26  }
0x378: {  	v14 =	vmovc v13;
	v29 =	vor.u32 v61, v24;
	v61 =	vor.u32 s19, v15;
	v34 =	vand.u32 $0x4F, v60;
	[tilespmem:v5+s10+$0x0] =	vst.idx.msk $0xffff, v45  }
0x379: {  	v13 =	vmovc v56;
	v1 =	vand.u32 $0x4F, v59;
	v48 =	vand.u32 $0x7F, v61;
	v42 =	vld.idx.msk [tilespmem:v42+s3+$0x0], $0xffff;
	[tilespmem:v28+s10+$0x0] =	vst.idx.msk $0xffff, v33;
	v28 =	vor.u32 s18, v15  }
0x37a: {  	v61 =	vor.u32 s19, v17;
	v4 =	vor.u32 v4, v19;
	[tilespmem:v31+s10+$0x0] =	vst.idx.msk $0xffff, v46;
	v0 =	vld.idx.msk [tilespmem:v51+s3+$0x0], $0xffff;
	v28 =	vand.u32 $0x6F, v28  }
0x37b: {  	v59 =	vor.u32 v34, v24;
	[tilespmem:v41+s10+$0x0] =	vst.idx.msk $0xffff, v35;
	v31 =	vld.idx.msk [tilespmem:v39+s3+$0x0], $0xffff;
	v35 =	vor.u32 v28, v18  }
0x37c: {  	v30 =	vor.u32 v1, v24;
	v56 =	vor.u32 v48, v22;
	v1 =	vor.u32 v1, v27;
	v41 =	vld.idx.msk [tilespmem:v49+s3+$0x0], $0xffff  }
0x37d: {  	v58 =	vor.u32 v48, v25;
	v47 =	vand.u32 $0x7F, v61;
	v5 =	vor.u32 s21, v17;
	v20 =	vld [tilespmem:$0x1FF20]  }
0x37e: {  	v61 =	vor.u32 v47, v22;
	v47 =	vor.u32 v47, v25;
	v5 =	vand.u32 $0x5F, v5;
	[tilespmem:v38+s10+$0x0] =	vst.idx.msk $0xffff, v42  }
0x37f: {  	v49 =	vor.u32 v34, v27;
	v60 =	vor.u32 v5, v23;
	v39 =	vld.idx.msk [tilespmem:v50+s3+$0x0], $0xffff;
	[tilespmem:v4+s10+$0x0] =	vst.idx.msk $0xffff, v0  }
0x380: {  	v48 =	vor.u32 s21, v63;
	v28 =	vor.u32 v28, v19;
	v42 =	vor.u32 s18, v17;
	[tilespmem:v32+s10+$0x0] =	vst.idx.msk $0xffff, v31;
	v31 =	vld.idx.msk [tilespmem:v35+s3+$0x0], $0xffff  }
0x381: {  	v51 =	vor.u32 v5, v26;
	[tilespmem:v43+s10+$0x0] =	vst.idx.msk $0xffff, v41;
	v43 =	vor.u32 s20, v63;
	v0 =	vand.u32 $0x6F, v42  }
0x382: {  	v53 =	vor.u32 s20, v20;
	v38 =	vor.u32 s19, v20;
	v29 =	vld.idx.msk [tilespmem:v29+s3+$0x0], $0xffff;
	v32 =	vor.u32 v0, v18  }
0x383: {  	v40 =	vor.u32 s21, v20;
	v33 =	vand.u32 $0x4F, v43;
	v4 =	vand.u32 $0x7F, v38;
	v38 =	vld.idx.msk [tilespmem:v44+s3+$0x0], $0xffff  }
0x384: {  	v34 =	vand.u32 $0x4F, v53;
	v5 =	vand.u32 $0x5F, v40;
	v0 =	vor.u32 v0, v19;
	[tilespmem:v3+s10+$0x0] =	vst.idx.msk $0xffff, v39  }
0x385: {  	v50 =	vor.u32 v5, v23;
	v43 =	vor.u32 v5, v26;
	v5 =	vld.idx.msk [tilespmem:v54+s3+$0x0], $0xffff;
	[tilespmem:v28+s10+$0x0] =	vst.idx.msk $0xffff, v31  }
0x386: {  	v42 =	vor.u32 v33, v27;
	v52 =	vor.u32 v34, v24;
	v53 =	vor.u32 v4, v22;
	v7 =	vld [tilespmem:$0x1FF30]  }
0x387: {  	v45 =	vor.u32 v34, v27;
	v34 =	vand.u32 $0x5F, v48;
	[tilespmem:v37+s10+$0x0] =	vst.idx.msk $0xffff, v29;
	v28 =	vld.idx.msk [tilespmem:v32+s3+$0x0], $0xffff  }
0x388: {  	v46 =	vor.u32 v4, v25;
	v39 =	vor.u32 s19, v63;
	v31 =	vor.u32 s18, v20;
	[tilespmem:v36+s10+$0x0] =	vst.idx.msk $0xffff, v38;
	v30 =	vld.idx.msk [tilespmem:v30+s3+$0x0], $0xffff  }
0x389: {  	v16 =	vmovc v62;
	v48 =	vor.u32 v34, v23;
	v3 =	vand.u32 $0x7F, v39;
	v62 =	vand.u32 $0x6F, v31;
	v31 =	vld.idx.msk [tilespmem:v55+s3+$0x0], $0xffff  }
0x38a: {  	v35 =	vor.u32 v34, v26;
	v54 =	vor.u32 v33, v24;
	v41 =	vor.u32 v3, v22  }
0x38b: {  	v39 =	vor.u32 v3, v25;
	v55 =	vor.u32 s21, v21;
	[tilespmem:v2+s10+$0x0] =	vst.idx.msk $0xffff, v5;
	v5 =	vor.u32 v62, v18  }
0x38c: {  	v4 =	vor.u32 s20, v7;
	v29 =	vor.u32 s21, v7;
	v32 =	vor.u32 s19, v7;
	[tilespmem:v0+s10+$0x0] =	vst.idx.msk $0xffff, v28  }
0x38d: {  	v33 =	vld.idx.msk [tilespmem:v56+s3+$0x0], $0xffff;
	v0 =	vand.u32 $0x5F, v55;
	v7 =	vmovc v17;
	v2 =	vand.u32 $0x4F, v4;
	v4 =	vand.u32 $0x5F, v29;
	[tilespmem:v1+s10+$0x0] =	vst.idx.msk $0xffff, v30  }
0x38e: {  	v17 =	vmovc v15;
	v15 =	vmovc v11;
	v3 =	vand.u32 $0x7F, v32;
	v29 =	vor.u32 s20, v21;
	[tilespmem:v57+s10+$0x0] =	vst.idx.msk $0xffff, v31;
	v57 =	vor.u32 s19, v21  }
0x38f: {  	v11 =	vmovc v10;
	v32 =	vor.u32 v0, v23;
	v30 =	vor.u32 v0, v26;
	v44 =	vor.u32 v2, v24  }
0x390: {  	v10 =	vmovc v8;
	v40 =	vor.u32 v4, v23;
	v36 =	vor.u32 v3, v22;
	v37 =	vor.u32 v2, v27  }
0x391: {  	v8 =	vmovc v12;
	v56 =	vand.u32 $0x4F, v29;
	v38 =	vor.u32 v4, v26;
	v23 =	vld.idx.msk [tilespmem:v59+s3+$0x0], $0xffff;
	v31 =	vor.u32 v3, v25  }
0x392: {  	v1 =	vand.u32 $0x7F, v57;
	v34 =	vor.u32 v56, v24;
	v24 =	vld.idx.msk [tilespmem:v60+s3+$0x0], $0xffff;
	[tilespmem:v58+s10+$0x0] =	vst.idx.msk $0xffff, v33;
	v58 =	vor.u32 s18, v63  }
0x393: {  	v12 =	vmovc v63;
	v29 =	vor.u32 v56, v27;
	v55 =	vld.idx.msk [tilespmem:v5+s3+$0x0], $0xffff;
	v33 =	vor.u32 v1, v22;
	v22 =	vand.u32 $0x6F, v58  }
0x394: {  	s19 =	simm.s32 $0x0;
	s20 =	simm.s32 $0x70;
	v56 =	vor.u32 v62, v19;
	v28 =	vor.u32 v1, v25;
	v25 =	vld.idx.msk [tilespmem:v61+s3+$0x0], $0xffff;
	v26 =	vor.u32 v22, v18  }
.LBB2_17:
0x395: {  	v6 =	vld [tilespmem:$0x1FE60];
	_ =	sdelay $0x1  }
0x396: {  	s23 =	sadd.s32 $0xFFFFFFF0, s20  }
0x397: {  	v59 =	vlaneseq.u32;
	v21 =	vld [tilespmem:$0x1FF30];
	v5 =	vmov s23  }
0x398: {  	v57 =	vor.u32 s23, v59;
	v58 =	vand.u32 $0x80, v5  }
0x399: {  	s22 =	sadd.s32 $0xFFFFFFD0, s20;
	[tilespmem:v56+s10+$0x0] =	vst.idx.msk $0xffff, v55;
	v56 =	vand.u32 $0x6F, v57;
	v55 =	vor.u32 v6, v58  }
0x39a: {  	s21 =	sadd.s32 $0xFFFFFFE0, s20;
	v0 =	vmov s20;
	v9 =	vld [tilespmem:$0x1FFF0];
	v3 =	vmov s22;
	[tilespmem:v49+s10+$0x0] =	vst.idx.msk $0xffff, v23;
	v63 =	vor.u32 v56, v55  }
0x39b: {  	v4 =	vmov s21;
	v27 =	vand.u32 $0x80, v3;
	[tilespmem:v51+s10+$0x0] =	vst.idx.msk $0xffff, v24;
	v51 =	vor.u32 v22, v19;
	v26 =	vld.idx.msk [tilespmem:v26+s3+$0x0], $0xffff  }
0x39c: {  	v24 =	vand.u32 $0x80, v4;
	v23 =	vor.u32 s18, v21;
	v52 =	vld.idx.msk [tilespmem:v52+s3+$0x0], $0xffff;
	v22 =	vor.u32 v6, v27  }
0x39d: {  	[tilespmem:v47+s10+$0x0] =	vst.idx.msk $0xffff, v25;
	v27 =	vand.u32 $0x80, v0;
	v47 =	vld.idx.msk [tilespmem:v50+s3+$0x0], $0xffff;
	v57 =	vand.u32 $0x6F, v23;
	v23 =	vor.u32 s22, v59  }
0x39e: {  	v50 =	vand.u32 $0x4F, v23;
	v23 =	vor.u32 v6, v24;
	v24 =	vor.u32 v6, v27;
	v6 =	vld [tilespmem:$0x1FFD0]  }
0x39f: {  	v1 =	vor.u32 s20, v59;
	v27 =	vld.idx.msk [tilespmem:v63+s3+$0x0], $0xffff  }
0x3a0: {  	v5 =	vshll.u32 v5, $0x3;
	v1 =	vand.u32 $0x7F, v1;
	v3 =	vshll.u32 v3, $0x3;
	v63 =	vld [tilespmem:$0x1FE70]  }
0x3a1: {  	v5 =	vand.u32 $0x400, v5;
	v3 =	vand.u32 $0x400, v3;
	v25 =	vor.u32 s21, v59  }
0x3a2: {  	v4 =	vshll.u32 v4, $0x3;
	v2 =	vor.u32 s20, v9;
	v58 =	vor.u32 v57, v18  }
0x3a3: {  	v53 =	vld.idx.msk [tilespmem:v53+s3+$0x0], $0xffff;
	v4 =	vand.u32 $0x400, v4;
	v0 =	vshll.u32 v0, $0x3;
	v59 =	vand.u32 $0x5F, v25  }
0x3a4: {  	v25 =	vor.u32 s23, v9;
	v60 =	vor.u32 v59, v23;
	v62 =	vor.u32 v1, v24;
	[tilespmem:v45+s10+$0x0] =	vst.idx.msk $0xffff, v52  }
0x3a5: {  	[tilespmem:v51+s10+$0x0] =	vst.idx.msk $0xffff, v26;
	v51 =	vand.u32 $0x6F, v25;
	v25 =	vor.u32 s18, v6;
	v5 =	vor.u32 v5, v63  }
0x3a6: {  	v45 =	vor.u32 v57, v19;
	v54 =	vld.idx.msk [tilespmem:v54+s3+$0x0], $0xffff;
	v52 =	vand.u32 $0x6F, v25;
	v49 =	vor.u32 v56, v5  }
0x3a7: {  	v57 =	vor.u32 v50, v22;
	v61 =	vor.u32 v52, v18;
	v25 =	vor.u32 v4, v63;
	v56 =	vld.idx.msk [tilespmem:v58+s3+$0x0], $0xffff  }
0x3a8: {  	[tilespmem:v43+s10+$0x0] =	vst.idx.msk $0xffff, v47;
	v18 =	vmovc v55;
	v4 =	vor.u32 s21, v9;
	v58 =	vor.u32 v51, v55;
	v55 =	vor.u32 s22, v9;
	v9 =	vld [tilespmem:$0x1FFE0]  }
0x3a9: {  	v0 =	vand.u32 $0x400, v0;
	[tilespmem:v46+s10+$0x0] =	vst.idx.msk $0xffff, v53;
	v43 =	vld.idx.msk [tilespmem:v48+s3+$0x0], $0xffff;
	v26 =	vor.u32 v3, v63;
	v3 =	vand.u32 $0x4F, v55  }
0x3aa: {  	v2 =	vand.u32 $0x7F, v2;
	v41 =	vld.idx.msk [tilespmem:v41+s3+$0x0], $0xffff;
	v4 =	vand.u32 $0x5F, v4;
	v53 =	vor.u32 v3, v22  }
0x3ab: {  	v55 =	vld.idx.msk [tilespmem:v62+s3+$0x0], $0xffff;
	v3 =	vor.u32 v3, v26;
	[tilespmem:v49+s10+$0x0] =	vst.idx.msk $0xffff, v27;
	v27 =	vor.u32 v0, v63  }
0x3ac: {  	v0 =	vor.u32 v50, v26;
	v63 =	vor.u32 v51, v5;
	v49 =	vld.idx.msk [tilespmem:v57+s3+$0x0], $0xffff;
	v50 =	vor.u32 v59, v25  }
0x3ad: {  	s18 =	smov.u32 s23;
	v51 =	vor.u32 v52, v19;
	v19 =	vmov v5;
	v5 =	vld.idx.msk [tilespmem:v60+s3+$0x0], $0xffff;
	[tilespmem:v42+s10+$0x0] =	vst.idx.msk $0xffff, v54;
	v60 =	vor.u32 s22, v9  }
0x3ae: {  	v62 =	vor.u32 s21, v9;
	v59 =	vor.u32 s18, v10;
	v46 =	vld.idx.msk [tilespmem:v58+s3+$0x0], $0xffff;
	[tilespmem:v45+s10+$0x0] =	vst.idx.msk $0xffff, v56;
	v58 =	vor.u32 s18, v9  }
0x3af: {  	v1 =	vor.u32 v1, v27;
	v56 =	vor.u32 v2, v24;
	v44 =	vld.idx.msk [tilespmem:v44+s3+$0x0], $0xffff;
	v42 =	vand.u32 $0x4F, v60  }
0x3b0: {  	v2 =	vor.u32 v2, v27;
	v48 =	vld.idx.msk [tilespmem:v61+s3+$0x0], $0xffff;
	v47 =	vand.u32 $0x6F, v58;
	v61 =	vor.u32 v4, v23  }
0x3b1: {  	v4 =	vor.u32 v4, v25;
	v58 =	vand.u32 $0x5F, v62;
	v52 =	vor.u32 v47, v18;
	[tilespmem:v0+s10+$0x0] =	vst.idx.msk $0xffff, v49  }
0x3b2: {  	[tilespmem:v50+s10+$0x0] =	vst.idx.msk $0xffff, v5;
	v5 =	vor.u32 v47, v19;
	v47 =	vand.u32 $0x6F, v59;
	v0 =	vor.u32 v58, v25  }
0x3b3: {  	v59 =	vor.u32 s22, v11;
	[tilespmem:v63+s10+$0x0] =	vst.idx.msk $0xffff, v46;
	v63 =	vor.u32 s20, v9;
	v49 =	vld.idx.msk [tilespmem:v53+s3+$0x0], $0xffff;
	v60 =	vor.u32 v47, v18  }
0x3b4: {  	[tilespmem:v1+s10+$0x0] =	vst.idx.msk $0xffff, v55;
	v1 =	vor.u32 v58, v23;
	v47 =	vor.u32 v47, v19;
	v45 =	vand.u32 $0x7F, v63  }
0x3b5: {  	[tilespmem:v51+s10+$0x0] =	vst.idx.msk $0xffff, v48;
	v51 =	vor.u32 s22, v10;
	v48 =	vor.u32 v42, v22;
	v50 =	vld.idx.msk [tilespmem:v61+s3+$0x0], $0xffff;
	v61 =	vor.u32 s21, v10  }
0x3b6: {  	v62 =	vld.idx.msk [tilespmem:v56+s3+$0x0], $0xffff;
	v42 =	vor.u32 v42, v26;
	v63 =	vor.u32 s20, v10;
	[tilespmem:v35+s10+$0x0] =	vst.idx.msk $0xffff, v43;
	v56 =	vor.u32 s20, v8  }
0x3b7: {  	[tilespmem:v39+s10+$0x0] =	vst.idx.msk $0xffff, v41;
	v46 =	vld.idx.msk [tilespmem:v52+s3+$0x0], $0xffff;
	v55 =	vor.u32 v45, v24;
	v57 =	vand.u32 $0x4F, v51;
	v58 =	vand.u32 $0x5F, v61  }
0x3b8: {  	v45 =	vor.u32 v45, v27;
	v39 =	vor.u32 v57, v22;
	v41 =	vor.u32 v58, v23  }
0x3b9: {  	v40 =	vld.idx.msk [tilespmem:v40+s3+$0x0], $0xffff;
	v35 =	vor.u32 v57, v26;
	v43 =	vor.u32 v58, v25;
	[tilespmem:v3+s10+$0x0] =	vst.idx.msk $0xffff, v49  }
0x3ba: {  	v57 =	vor.u32 s21, v14;
	v3 =	vand.u32 $0x4F, v59;
	v59 =	vor.u32 s18, v14;
	[tilespmem:v4+s10+$0x0] =	vst.idx.msk $0xffff, v50  }
0x3bb: {  	v58 =	vor.u32 s20, v14;
	v48 =	vld.idx.msk [tilespmem:v48+s3+$0x0], $0xffff;
	v4 =	vor.u32 s21, v11;
	[tilespmem:v2+s10+$0x0] =	vst.idx.msk $0xffff, v62;
	v62 =	vor.u32 s20, v11  }
0x3bc: {  	v53 =	vor.u32 v3, v22;
	v3 =	vor.u32 v3, v26;
	[tilespmem:v5+s10+$0x0] =	vst.idx.msk $0xffff, v46;
	v5 =	vand.u32 $0x7F, v63  }
0x3bd: {  	v1 =	vld.idx.msk [tilespmem:v1+s3+$0x0], $0xffff;
	v4 =	vand.u32 $0x5F, v4;
	v2 =	vand.u32 $0x7F, v62;
	v63 =	vor.u32 s22, v14  }
0x3be: {  	v52 =	vld.idx.msk [tilespmem:v55+s3+$0x0], $0xffff;
	[tilespmem:v38+s10+$0x0] =	vst.idx.msk $0xffff, v40;
	v62 =	vand.u32 $0x6F, v59;
	v40 =	vand.u32 $0x7F, v58;
	v55 =	vor.u32 s21, v8  }
0x3bf: {  	[tilespmem:v37+s10+$0x0] =	vst.idx.msk $0xffff, v44;
	v59 =	vor.u32 s18, v8;
	v46 =	vld.idx.msk [tilespmem:v60+s3+$0x0], $0xffff;
	v60 =	vor.u32 s18, v11;
	v51 =	vor.u32 v5, v24  }
0x3c0: {  	v5 =	vor.u32 v5, v27;
	v44 =	vor.u32 v4, v23;
	v54 =	vor.u32 v2, v24  }
0x3c1: {  	v36 =	vld.idx.msk [tilespmem:v36+s3+$0x0], $0xffff;
	v37 =	vand.u32 $0x4F, v63;
	v4 =	vor.u32 v4, v25;
	v2 =	vor.u32 v2, v27  }
0x3c2: {  	v34 =	vld.idx.msk [tilespmem:v34+s3+$0x0], $0xffff;
	v63 =	vor.u32 s22, v8;
	v58 =	vand.u32 $0x5F, v55;
	v49 =	vand.u32 $0x6F, v60;
	[tilespmem:v42+s10+$0x0] =	vst.idx.msk $0xffff, v48  }
0x3c3: {  	v38 =	vor.u32 v62, v19;
	v61 =	vor.u32 v49, v18;
	v39 =	vld.idx.msk [tilespmem:v39+s3+$0x0], $0xffff;
	[tilespmem:v0+s10+$0x0] =	vst.idx.msk $0xffff, v1  }
0x3c4: {  	v60 =	vand.u32 $0x5F, v57;
	v57 =	vand.u32 $0x4F, v63;
	v63 =	vor.u32 s20, v13;
	[tilespmem:v45+s10+$0x0] =	vst.idx.msk $0xffff, v52;
	v41 =	vld.idx.msk [tilespmem:v41+s3+$0x0], $0xffff  }
0x3c5: {  	v45 =	vor.u32 v37, v22;
	v0 =	vor.u32 v60, v25;
	v1 =	vor.u32 v40, v27;
	v48 =	vld.idx.msk [tilespmem:v51+s3+$0x0], $0xffff  }
0x3c6: {  	v52 =	vor.u32 s22, v7;
	[tilespmem:v47+s10+$0x0] =	vst.idx.msk $0xffff, v46;
	v46 =	vor.u32 v62, v18;
	v47 =	vor.u32 v60, v23  }
0x3c7: {  	v51 =	vor.u32 v40, v24;
	v32 =	vld.idx.msk [tilespmem:v32+s3+$0x0], $0xffff;
	[tilespmem:v31+s10+$0x0] =	vst.idx.msk $0xffff, v36;
	v31 =	vor.u32 v37, v26  }
0x3c8: {  	v36 =	vand.u32 $0x7F, v56;
	v40 =	vand.u32 $0x6F, v59;
	v42 =	vld.idx.msk [tilespmem:v61+s3+$0x0], $0xffff;
	v61 =	vor.u32 v49, v19;
	[tilespmem:v35+s10+$0x0] =	vst.idx.msk $0xffff, v39  }
0x3c9: {  	v33 =	vld.idx.msk [tilespmem:v33+s3+$0x0], $0xffff;
	v62 =	vor.u32 v40, v18;
	v50 =	vor.u32 v36, v24;
	[tilespmem:v43+s10+$0x0] =	vst.idx.msk $0xffff, v41  }
0x3ca: {  	v36 =	vor.u32 v36, v27;
	v35 =	vor.u32 v57, v22;
	v60 =	vld.idx.msk [tilespmem:v53+s3+$0x0], $0xffff;
	[tilespmem:v5+s10+$0x0] =	vst.idx.msk $0xffff, v48  }
0x3cb: {  	v59 =	vor.u32 s21, v15;
	v43 =	vor.u32 v58, v23;
	v5 =	vor.u32 s21, v13;
	[tilespmem:v29+s10+$0x0] =	vst.idx.msk $0xffff, v34;
	v41 =	vld.idx.msk [tilespmem:v44+s3+$0x0], $0xffff  }
0x3cc: {  	v29 =	vor.u32 v57, v26;
	v34 =	vor.u32 v58, v25;
	v48 =	vld.idx.msk [tilespmem:v54+s3+$0x0], $0xffff;
	[tilespmem:v30+s10+$0x0] =	vst.idx.msk $0xffff, v32  }
0x3cd: {  	v57 =	vand.u32 $0x7F, v63;
	v58 =	vor.u32 s22, v15;
	v5 =	vand.u32 $0x5F, v5;
	[tilespmem:v61+s10+$0x0] =	vst.idx.msk $0xffff, v42  }
0x3ce: {  	v61 =	vor.u32 s22, v13;
	v49 =	vor.u32 v5, v23;
	v42 =	vor.u32 v57, v24;
	v39 =	vld.idx.msk [tilespmem:v46+s3+$0x0], $0xffff  }
0x3cf: {  	v5 =	vor.u32 v5, v25;
	v56 =	vand.u32 $0x4F, v61;
	v46 =	vor.u32 v57, v27;
	[tilespmem:v3+s10+$0x0] =	vst.idx.msk $0xffff, v60  }
0x3d0: {  	v54 =	vand.u32 $0x4F, v58;
	v57 =	vor.u32 s18, v15;
	v30 =	vor.u32 v56, v22;
	v61 =	vld.idx.msk [tilespmem:v45+s3+$0x0], $0xffff;
	[tilespmem:v4+s10+$0x0] =	vst.idx.msk $0xffff, v41  }
0x3d1: {  	v37 =	vor.u32 v56, v26;
	v56 =	vor.u32 s21, v16;
	v60 =	vor.u32 s18, v13;
	[tilespmem:v2+s10+$0x0] =	vst.idx.msk $0xffff, v48;
	v41 =	vld.idx.msk [tilespmem:v47+s3+$0x0], $0xffff  }
0x3d2: {  	v3 =	vand.u32 $0x5F, v59;
	v58 =	vand.u32 $0x5F, v56;
	v4 =	vor.u32 v40, v19;
	v55 =	vld.idx.msk [tilespmem:v51+s3+$0x0], $0xffff;
	[tilespmem:v28+s10+$0x0] =	vst.idx.msk $0xffff, v33  }
0x3d3: {  	v2 =	vor.u32 v54, v26;
	v47 =	vor.u32 v54, v22;
	v28 =	vor.u32 s22, v16;
	[tilespmem:v38+s10+$0x0] =	vst.idx.msk $0xffff, v39  }
0x3d4: {  	v33 =	vor.u32 v3, v23;
	v3 =	vor.u32 v3, v25;
	v39 =	vand.u32 $0x6F, v60;
	v38 =	vld.idx.msk [tilespmem:v62+s3+$0x0], $0xffff  }
0x3d5: {  	v54 =	vor.u32 s21, v7;
	v28 =	vand.u32 $0x4F, v28;
	v63 =	vor.u32 v39, v18  }
0x3d6: {  	v60 =	vor.u32 s22, v17;
	v62 =	vor.u32 s20, v15;
	v39 =	vor.u32 v39, v19;
	[tilespmem:v31+s10+$0x0] =	vst.idx.msk $0xffff, v61  }
0x3d7: {  	v32 =	vor.u32 v28, v22;
	v28 =	vor.u32 v28, v26;
	v35 =	vld.idx.msk [tilespmem:v35+s3+$0x0], $0xffff;
	[tilespmem:v0+s10+$0x0] =	vst.idx.msk $0xffff, v41  }
0x3d8: {  	v45 =	vand.u32 $0x4F, v60;
	v40 =	vand.u32 $0x7F, v62;
	v62 =	vor.u32 s20, v17;
	[tilespmem:v1+s10+$0x0] =	vst.idx.msk $0xffff, v55;
	v41 =	vld.idx.msk [tilespmem:v43+s3+$0x0], $0xffff  }
0x3d9: {  	v48 =	vor.u32 v40, v24;
	v61 =	vor.u32 s21, v17;
	v51 =	vand.u32 $0x7F, v62;
	v44 =	vld.idx.msk [tilespmem:v50+s3+$0x0], $0xffff;
	[tilespmem:v4+s10+$0x0] =	vst.idx.msk $0xffff, v38  }
0x3da: {  	v1 =	vor.u32 v40, v27;
	v40 =	vor.u32 v58, v23;
	v38 =	vand.u32 $0x6F, v57;
	v31 =	vld.idx.msk [tilespmem:v63+s3+$0x0], $0xffff  }
0x3db: {  	v0 =	vor.u32 v58, v25;
	v58 =	vor.u32 v45, v26;
	v59 =	vor.u32 v38, v18  }
0x3dc: {  	v60 =	vor.u32 v51, v27;
	v50 =	vand.u32 $0x5F, v61;
	v4 =	vor.u32 s20, v16;
	[tilespmem:v29+s10+$0x0] =	vst.idx.msk $0xffff, v35  }
0x3dd: {  	v56 =	vor.u32 v50, v23;
	v57 =	vor.u32 v51, v24;
	v30 =	vld.idx.msk [tilespmem:v30+s3+$0x0], $0xffff;
	[tilespmem:v34+s10+$0x0] =	vst.idx.msk $0xffff, v41  }
0x3de: {  	v51 =	vand.u32 $0x4F, v52;
	v52 =	vor.u32 s22, v20;
	v34 =	vor.u32 v38, v19;
	[tilespmem:v36+s10+$0x0] =	vst.idx.msk $0xffff, v44;
	v38 =	vld.idx.msk [tilespmem:v49+s3+$0x0], $0xffff  }
0x3df: {  	v4 =	vand.u32 $0x7F, v4;
	v63 =	vor.u32 s18, v16;
	v61 =	vor.u32 v51, v22;
	v42 =	vld.idx.msk [tilespmem:v42+s3+$0x0], $0xffff;
	[tilespmem:v39+s10+$0x0] =	vst.idx.msk $0xffff, v31  }
0x3e0: {  	v55 =	vor.u32 v4, v24;
	v4 =	vor.u32 v4, v27;
	v35 =	vand.u32 $0x6F, v63;
	v31 =	vld.idx.msk [tilespmem:v59+s3+$0x0], $0xffff  }
0x3e1: {  	v29 =	vor.u32 v45, v22;
	v53 =	vor.u32 v35, v18;
	v36 =	vand.u32 $0x5F, v54  }
0x3e2: {  	v41 =	vor.u32 s22, v12;
	v49 =	vor.u32 s20, v7;
	v62 =	vor.u32 v36, v23;
	[tilespmem:v37+s10+$0x0] =	vst.idx.msk $0xffff, v30  }
0x3e3: {  	v54 =	vand.u32 $0x7F, v49;
	v49 =	vor.u32 v51, v26;
	v39 =	vand.u32 $0x4F, v52;
	v37 =	vld.idx.msk [tilespmem:v47+s3+$0x0], $0xffff;
	[tilespmem:v5+s10+$0x0] =	vst.idx.msk $0xffff, v38  }
0x3e4: {  	v51 =	vor.u32 v36, v25;
	v59 =	vor.u32 v50, v25;
	[tilespmem:v46+s10+$0x0] =	vst.idx.msk $0xffff, v42;
	v33 =	vld.idx.msk [tilespmem:v33+s3+$0x0], $0xffff  }
0x3e5: {  	v63 =	vor.u32 v54, v24;
	v52 =	vor.u32 v39, v22;
	v36 =	vld.idx.msk [tilespmem:v48+s3+$0x0], $0xffff;
	[tilespmem:v34+s10+$0x0] =	vst.idx.msk $0xffff, v31  }
0x3e6: {  	v45 =	vor.u32 v39, v26;
	v30 =	vor.u32 s21, v20;
	v31 =	vld.idx.msk [tilespmem:v53+s3+$0x0], $0xffff;
	v53 =	vor.u32 s18, v17  }
0x3e7: {  	v5 =	vor.u32 v35, v19;
	v35 =	vor.u32 s20, v20;
	v34 =	vand.u32 $0x6F, v53  }
0x3e8: {  	v47 =	vor.u32 v54, v27;
	v30 =	vand.u32 $0x5F, v30;
	v38 =	vor.u32 v34, v18  }
0x3e9: {  	v35 =	vand.u32 $0x7F, v35;
	v50 =	vor.u32 v30, v23;
	v43 =	vor.u32 v30, v25;
	[tilespmem:v2+s10+$0x0] =	vst.idx.msk $0xffff, v37  }
0x3ea: {  	v54 =	vor.u32 s21, v12;
	v46 =	vor.u32 v35, v27;
	v53 =	vor.u32 v35, v24;
	[tilespmem:v3+s10+$0x0] =	vst.idx.msk $0xffff, v33  }
0x3eb: {  	v2 =	vand.u32 $0x4F, v41;
	v32 =	vld.idx.msk [tilespmem:v32+s3+$0x0], $0xffff;
	v3 =	vand.u32 $0x5F, v54;
	v33 =	vor.u32 v34, v19;
	[tilespmem:v1+s10+$0x0] =	vst.idx.msk $0xffff, v36  }
0x3ec: {  	v54 =	vor.u32 v2, v22;
	v36 =	vor.u32 s22, v21;
	v1 =	vld.idx.msk [tilespmem:v55+s3+$0x0], $0xffff;
	[tilespmem:v5+s10+$0x0] =	vst.idx.msk $0xffff, v31;
	v31 =	vor.u32 s18, v7  }
0x3ed: {  	v42 =	vor.u32 v2, v26;
	v48 =	vor.u32 v3, v23;
	v31 =	vand.u32 $0x6F, v31;
	v30 =	vld.idx.msk [tilespmem:v38+s3+$0x0], $0xffff  }
0x3ee: {  	v34 =	vld.idx.msk [tilespmem:v40+s3+$0x0], $0xffff;
	v35 =	vor.u32 v3, v25;
	v3 =	vand.u32 $0x4F, v36;
	v37 =	vor.u32 v31, v18  }
0x3ef: {  	v55 =	vor.u32 s20, v21;
	v5 =	vor.u32 s20, v12;
	v44 =	vor.u32 v3, v22  }
0x3f0: {  	v2 =	vand.u32 $0x7F, v55;
	v55 =	vor.u32 s21, v6;
	v5 =	vand.u32 $0x7F, v5;
	[tilespmem:v28+s10+$0x0] =	vst.idx.msk $0xffff, v32  }
0x3f1: {  	v36 =	vor.u32 v2, v24;
	v41 =	vor.u32 v5, v24;
	v29 =	vld.idx.msk [tilespmem:v29+s3+$0x0], $0xffff;
	[tilespmem:v4+s10+$0x0] =	vst.idx.msk $0xffff, v1  }
0x3f2: {  	v38 =	vor.u32 s21, v21;
	v39 =	vor.u32 v5, v27;
	v28 =	vor.u32 s18, v20;
	v4 =	vld.idx.msk [tilespmem:v57+s3+$0x0], $0xffff;
	[tilespmem:v33+s10+$0x0] =	vst.idx.msk $0xffff, v30  }
0x3f3: {  	v38 =	vand.u32 $0x5F, v38;
	[tilespmem:v0+s10+$0x0] =	vst.idx.msk $0xffff, v34;
	v0 =	vor.u32 v31, v19;
	v28 =	vand.u32 $0x6F, v28;
	v5 =	vld.idx.msk [tilespmem:v37+s3+$0x0], $0xffff  }
0x3f4: {  	s19 =	sadd.s32 $0x4, s19;
	v40 =	vor.u32 v38, v23;
	v38 =	vor.u32 v38, v25;
	v56 =	vld.idx.msk [tilespmem:v56+s3+$0x0], $0xffff;
	v33 =	vor.u32 v28, v18  }
0x3f5: {  	p0 =	slt.u32 s19, $0xC;
	v31 =	vor.u32 v2, v27;
	v1 =	vand.u32 $0x5F, v55;
	v30 =	vor.u32 s22, v6  }
.Ltmp7:
0x3f6: {  	v32 =	vor.u32 v1, v23;
	v37 =	vor.u32 v3, v26;
	v2 =	vand.u32 $0x4F, v30;
	[tilespmem:v58+s10+$0x0] =	vst.idx.msk $0xffff, v29;
	(pc) =	sbr.rel @p0 .LBB2_17-.Ltmp7, $4  }
0x3f7: {  	v30 =	vor.u32 v1, v25;
	v34 =	vor.u32 v2, v22;
	v23 =	vld.idx.msk [tilespmem:v61+s3+$0x0], $0xffff;
	[tilespmem:v60+s10+$0x0] =	vst.idx.msk $0xffff, v4  }
0x3f8: {  	v57 =	vor.u32 s20, v6;
	v29 =	vor.u32 v2, v26;
	v25 =	vld.idx.msk [tilespmem:v63+s3+$0x0], $0xffff;
	[tilespmem:v0+s10+$0x0] =	vst.idx.msk $0xffff, v5;
	v0 =	vor.u32 s18, v12  }
0x3f9: {  	v3 =	vand.u32 $0x7F, v57;
	[tilespmem:v59+s10+$0x0] =	vst.idx.msk $0xffff, v56;
	v56 =	vor.u32 v28, v19;
	v55 =	vld.idx.msk [tilespmem:v33+s3+$0x0], $0xffff;
	v22 =	vand.u32 $0x6F, v0  }
0x3fa: {  	s20 =	sadd.s32 $0x40, s20;
	v28 =	vor.u32 v3, v27;
	v33 =	vor.u32 v3, v24;
	v24 =	vld.idx.msk [tilespmem:v62+s3+$0x0], $0xffff;
	v26 =	vor.u32 v22, v18  }
0x3fb: {  	_ =	sdelay $0x3  }
0x3fc: {  	[tilespmem:v49+s10+$0x0] =	vst.idx.msk $0xffff, v23  }
0x3fd: {  	v0 =	vld.idx.msk [tilespmem:v52+s3+$0x0], $0xffff;
	[tilespmem:v47+s10+$0x0] =	vst.idx.msk $0xffff, v25  }
0x3fe: {  	v2 =	vld.idx.msk [tilespmem:v53+s3+$0x0], $0xffff;
	[tilespmem:v56+s10+$0x0] =	vst.idx.msk $0xffff, v55  }
0x3ff: {  	[tilespmem:v51+s10+$0x0] =	vst.idx.msk $0xffff, v24;
	v4 =	vld.idx.msk [tilespmem:v26+s3+$0x0], $0xffff  }
0x400: {  	v5 =	vor.u32 v22, v19;
	v1 =	vld.idx.msk [tilespmem:v50+s3+$0x0], $0xffff  }
0x401: {  	v3 =	vld [tilespmem:$0x1FF30];
	_ =	sdelay $0x1  }
0x402: {  	[tilespmem:v45+s10+$0x0] =	vst.idx.msk $0xffff, v0  }
0x403: {  	[tilespmem:v46+s10+$0x0] =	vst.idx.msk $0xffff, v2  }
0x404: {  	[tilespmem:v5+s10+$0x0] =	vst.idx.msk $0xffff, v4  }
0x405: {  	v2 =	vld.idx.msk [tilespmem:v41+s3+$0x0], $0xffff;
	v3 =	vor.u32 s18, v3;
	[tilespmem:v43+s10+$0x0] =	vst.idx.msk $0xffff, v1  }
0x406: {  	v3 =	vand.u32 $0x6F, v3;
	v22 =	vld [tilespmem:$0x1FFD0]  }
0x407: {  	v1 =	vld.idx.msk [tilespmem:v48+s3+$0x0], $0xffff;
	v61 =	vor.u32 v3, v18  }
0x408: {  	v20 =	vld.idx.msk [tilespmem:v54+s3+$0x0], $0xffff;
	_ =	sdelay $0x1  }
0x409: {  	[tilespmem:v39+s10+$0x0] =	vst.idx.msk $0xffff, v2  }
0x40a: {  	v2 =	vld.idx.msk [tilespmem:v36+s3+$0x0], $0xffff;
	v4 =	vor.u32 s18, v22  }
0x40b: {  	v3 =	vor.u32 v3, v19;
	[tilespmem:v35+s10+$0x0] =	vst.idx.msk $0xffff, v1;
	v0 =	vld.idx.msk [tilespmem:v61+s3+$0x0], $0xffff;
	v4 =	vand.u32 $0x6F, v4  }
0x40c: {  	[tilespmem:v42+s10+$0x0] =	vst.idx.msk $0xffff, v20;
	v1 =	vld.idx.msk [tilespmem:v40+s3+$0x0], $0xffff;
	v5 =	vor.u32 v4, v18  }
0x40d: {  	v18 =	vld.idx.msk [tilespmem:v44+s3+$0x0], $0xffff;
	_ =	sdelay $0x1  }
0x40e: {  	[tilespmem:v31+s10+$0x0] =	vst.idx.msk $0xffff, v2  }
0x40f: {  	v2 =	vld.idx.msk [tilespmem:v33+s3+$0x0], $0xffff;
	[tilespmem:v3+s10+$0x0] =	vst.idx.msk $0xffff, v0  }
0x410: {  	v62 =	vor.u32 v4, v19;
	[tilespmem:v38+s10+$0x0] =	vst.idx.msk $0xffff, v1;
	v0 =	vld.idx.msk [tilespmem:v5+s3+$0x0], $0xffff  }
0x411: {  	[tilespmem:v37+s10+$0x0] =	vst.idx.msk $0xffff, v18;
	v4 =	vld.idx.msk [tilespmem:v32+s3+$0x0], $0xffff  }
0x412: {  	v63 =	vld.idx.msk [tilespmem:v34+s3+$0x0], $0xffff;
	_ =	sdelay $0x1  }
0x413: {  	s17 =	sadd.s32 $0x1, s17;
	[tilespmem:v28+s10+$0x0] =	vst.idx.msk $0xffff, v2  }
0x414: {  	p0 =	sne.s32 s17, $0x8;
	[tilespmem:v62+s10+$0x0] =	vst.idx.msk $0xffff, v0  }
.Ltmp8:
0x415: {  	[tilespmem:v30+s10+$0x0] =	vst.idx.msk $0xffff, v4;
	(pc) =	sbr.rel @p0 .LBB2_16-.Ltmp8, $4  }
0x416: {  	[tilespmem:v29+s10+$0x0] =	vst.idx.msk $0xffff, v63  }
0x417: {  	v56 =	vmov v13;
	v41 =	vld [tilespmem:$0x1FFF0]  }
0x418: {  	v13 =	vmovc v14;
	v34 =	vlaneseq.u32;
	v62 =	vmovc v16;
	v63 =	vmov v12;
	v12 =	vmov v8;
	v47 =	vld [tilespmem:$0x1FFE0]  }
0x419: {  	v8 =	vmovc v10;
	v10 =	vmovc v11;
	v11 =	vmov v15;
	v15 =	vmov v17;
	v17 =	vmov v7;
	v6 =	vld [tilespmem:$0x1FF40]  }
0x41a: {  	s17 =	rddreg [dreg:$0x16]  }
0x41b: {  	[hbm4b:s17+s3] =	stream.linear.scatter [tilespmem:s10], [sflag:$0x1], $0x8000, $0x38;
	[tilespmem:$0x1EB80] =	vst v63  }
0x41c: {  	_ =	swait.ge [sflag:s14], $0x8000  }
0x41d: {  	[sflag:s14] =	ssyncset.done $0x0  }
0x41e: {  	[sflag:s14] =	ssyncadd.s32 $0xFFFF8000  }
0x41f: {  	_ =	swait.ge [sflag:s15], $0x8000  }
0x420: {  	[sflag:s15] =	ssyncset.done $0x0  }
0x421: {  	[sflag:s15] =	ssyncadd.s32 $0xFFFF8000  }
0x422: {  	_ =	swait.ge [sflag:s13], $0x8000  }
0x423: {  	s16 =	sadd.s32 $0x1, s16;
	s26 =	rddreg [dreg:$0x17]  }
0x424: {  	p0 =	sne.s32 s16, s26  }
.Ltmp9:
0x425: {  	_ = 	snop;
	(pc) =	sbr.rel @p0 .LBB2_1-.Ltmp9, $3  }
0x426: {  	_ =	sdelay $0x1  }
0x427: {  	[sflag:s13] =	ssyncset.done $0x0  }
0x428: {  	[sflag:s13] =	ssyncadd.s32 $0xFFFF8000  }
0x429: {  	_ =	sfence.sel $0x180000  }
0x42a: {  	[bflag:$0x0] =	sbarrier.arrive $0xFFFF  }
0x42b: {  	_ =	strace $0x90000047  }
0x42c: {  	s0 =	stileid.u32;
	[bflag:$0x2] =	sbarrier.arrive $0xFFFF  }
0x42d: {  	p0 =	sne.s32 s0, $0x0;
	s0 =	rddreg [dreg:$0x3]  }
0x42e: {  	s0 =	sadd.s32 @!p0 $0x100000, s0  }
0x42f: {  	[sflag:s0] =	ssyncadd.tile.s32 @!p0 $0x1;
	_ =	shalt  }
.Lfunc_end2:
_tile_overlayer_lowered:
.L_overlay_start_2:
0x430: {  	(tag) =	ssettag $0x2  }
0x431: {  	s0 =	rddreg [dreg:$0x0];
	s2 =	stileid.u32  }
0x432: {  	s1 =	rddreg [dreg:$0x1];
	p0 =	sne.s32 s2, $0x0  }
0x433: {  	s3 =	rddreg [dreg:$0x2];
	[bflag:$0x3] =	sbarrier.arrive $0xFFFF;
	s2 =	simm.s32 @!p0 $0x1C05  }
0x434: {  	[timem:s3], [sflag:s2] =	dma.local @!p0 [hbm:s0], s1  }
0x435: {  	s0 =	simm.s32 @!p0 $0x5  }
0x436: {  	_ =	swait.ge @!p0 [sflag:s0], s1  }
0x437: {  	s1 =	ssub.s32 @!p0 $0x0, s1;
	[sflag:s0] =	ssyncset.done @!p0 $0x0  }
0x438: {  	[sflag:s0] =	ssyncadd.s32 @!p0 s1  }
0x439: {  	[bflag:$0x3] =	sbarrier.arrive $0xFFFF  }
0x43a: {  	_ =	shalt  }

</sc_bundles>
